<compile_context>
chip_gen: v7x
topology: tpu7x:2x2x1
jax: 0.10.2.dev20260603
libtpu: 0.0.44.dev20260713+nightly
codegen_flags: <defaults>
</compile_context>

<pallas_src>
import functools

import jax
import jax.numpy as jnp
from jax import lax
from jax.experimental import pallas as pl
from jax.experimental.pallas import tpu as pltpu
from jax.experimental.pallas import tpu_sc as plsc

_N = 10000
_E = 320000
_D = 128
_NC = 2
_NS = 16
_NW = _NC * _NS
_CH = 128
_CPW = 80
_EP = _NW * _CPW * _CH
_NP = 10240
_RPT = _NP // _NS
_NPAD = 64



_MESH = dict(core_axis_name="c", subcore_axis_name="s")


def _worker_id():
    return lax.axis_index("s") * _NC + lax.axis_index("c")


@functools.partial(
    pl.kernel,
    out_type=jax.ShapeDtypeStruct((_NC, _NP, _D), jnp.float32),
    mesh=plsc.VectorSubcoreMesh(**_MESH),
    scratch_types=[
        pltpu.VMEM((_CPW, _CH), jnp.int32),
        pltpu.VMEM((_CPW, _CH), jnp.int32),
        pltpu.VMEM((_CH, _D), jnp.float32),
        pltpu.VMEM_SHARED((_NP, _D), jnp.float32),
    ],
)
def _sc_propagate(g_hbm, src_hbm, dst_hbm, zc_hbm, out_hbm, src_v, dst_v,
                  buf, acc):
    cid = lax.axis_index("c")
    sid = lax.axis_index("s")
    wid = _worker_id()
    pltpu.sync_copy(src_hbm.at[wid], src_v)
    pltpu.sync_copy(dst_hbm.at[wid], dst_v)
    pltpu.sync_copy(zc_hbm, buf)
    def zstripe(i, c):
        pltpu.sync_copy(buf, acc.at[pl.ds(sid * _RPT + i * _CH, _CH)])
        return c
    lax.fori_loop(0, _RPT // _CH, zstripe, 0)
    plsc.subcore_barrier()
    def step(j, c):
        pltpu.sync_copy(g_hbm.at[src_v.at[j]], buf)
        pltpu.sync_copy(buf, acc.at[dst_v.at[j]], add=True)
        return c
    lax.fori_loop(0, _CPW, step, 0)
    plsc.subcore_barrier()
    def wb(i, c):
        sl = pl.ds(sid * _RPT + i * _CH, _CH)
        pltpu.sync_copy(acc.at[sl], out_hbm.at[cid].at[sl])
        return c
    lax.fori_loop(0, _RPT // _CH, wb, 0)


@functools.partial(
    pl.kernel,
    out_type=jax.ShapeDtypeStruct((_NC, _NP, _D), jnp.float32),
    mesh=plsc.VectorSubcoreMesh(**_MESH),
    scratch_types=[
        pltpu.VMEM((_CPW, _CH), jnp.int32),
        pltpu.VMEM((_CH, _D), jnp.float32),
        pltpu.VMEM((_CH, _D), jnp.float32),
        pltpu.VMEM_SHARED((_NP, _D), jnp.float32),
    ],
)
def _sc_degree(dst_hbm, zc_hbm, on_hbm, out_hbm, dst_v, ones_v, zeros_v,
               acc):
    cid = lax.axis_index("c")
    sid = lax.axis_index("s")
    wid = _worker_id()
    pltpu.sync_copy(dst_hbm.at[wid], dst_v)
    pltpu.sync_copy(on_hbm, ones_v)
    pltpu.sync_copy(zc_hbm, zeros_v)
    def zstripe(i, c):
        pltpu.sync_copy(zeros_v, acc.at[pl.ds(sid * _RPT + i * _CH, _CH)])
        return c
    lax.fori_loop(0, _RPT // _CH, zstripe, 0)
    plsc.subcore_barrier()
    def step(j, c):
        pltpu.sync_copy(ones_v, acc.at[dst_v.at[j]], add=True)
        return c
    lax.fori_loop(0, _CPW, step, 0)
    plsc.subcore_barrier()
    def wb(i, c):
        sl = pl.ds(sid * _RPT + i * _CH, _CH)
        pltpu.sync_copy(acc.at[sl], out_hbm.at[cid].at[sl])
        return c
    lax.fori_loop(0, _RPT // _CH, wb, 0)



_R = 1024


def _norm_block(dp):
    deg = dp[0, :, 0:1] + dp[1, :, 0:1]
    return lax.rsqrt(jnp.maximum(deg, 1.0))


_DP_SPEC = pl.BlockSpec((_NC, _R, _D), lambda i: (0, i, 0))


def _tc_scale_body(dp_ref, x_ref, g_ref):
    g_ref[...] = x_ref[...] * _norm_block(dp_ref[...])


def _tc_scale(dp, xp):
    return pl.pallas_call(
        _tc_scale_body,
        grid=(_NP // _R,),
        in_specs=[
            _DP_SPEC,
            pl.BlockSpec((_R, _D), lambda i: (i, 0)),
        ],
        out_specs=pl.BlockSpec((_R, _D), lambda i: (i, 0)),
        out_shape=jax.ShapeDtypeStruct((_NP, _D), jnp.float32),
    )(dp, xp)


def _tc_combine_body(dp_ref, p_ref, h_ref, g_ref):
    norm = _norm_block(dp_ref[...])
    h = (p_ref[0] + p_ref[1]) * norm
    h_ref[...] = h
    g_ref[...] = h * norm


def _tc_combine(dp, p):
    return pl.pallas_call(
        _tc_combine_body,
        grid=(_NP // _R,),
        in_specs=[
            _DP_SPEC,
            pl.BlockSpec((_NC, _R, _D), lambda i: (0, i, 0)),
        ],
        out_specs=[
            pl.BlockSpec((_R, _D), lambda i: (i, 0)),
            pl.BlockSpec((_R, _D), lambda i: (i, 0)),
        ],
        out_shape=[
            jax.ShapeDtypeStruct((_NP, _D), jnp.float32),
            jax.ShapeDtypeStruct((_NP, _D), jnp.float32),
        ],
    )(dp, p)


def _tc_matmul_body(dp_ref, h0_ref, h1_ref, p_ref, w0_ref, w1_ref, w2_ref,
                    b_ref, out_ref, g_ref):
    norm = _norm_block(dp_ref[...])
    h2 = (p_ref[0] + p_ref[1]) * norm
    acc = jnp.dot(h0_ref[...], w0_ref[...], preferred_element_type=jnp.float32)
    acc += jnp.dot(h1_ref[...], w1_ref[...], preferred_element_type=jnp.float32)
    acc += jnp.dot(h2, w2_ref[...], preferred_element_type=jnp.float32)
    out = jnp.maximum(acc + b_ref[...], 0.0)
    out_ref[...] = out
    g_ref[...] = out * norm


def _tc_matmul(dp, h0, h1, p, w0, w1, w2, b):
    return pl.pallas_call(
        _tc_matmul_body,
        grid=(_NP // _R,),
        in_specs=[
            _DP_SPEC,
            pl.BlockSpec((_R, _D), lambda i: (i, 0)),
            pl.BlockSpec((_R, _D), lambda i: (i, 0)),
            pl.BlockSpec((_NC, _R, _D), lambda i: (0, i, 0)),
            pl.BlockSpec((_D, _D), lambda i: (0, 0)),
            pl.BlockSpec((_D, _D), lambda i: (0, 0)),
            pl.BlockSpec((_D, _D), lambda i: (0, 0)),
            pl.BlockSpec((1, _D), lambda i: (0, 0)),
        ],
        out_specs=[
            pl.BlockSpec((_R, _D), lambda i: (i, 0)),
            pl.BlockSpec((_R, _D), lambda i: (i, 0)),
        ],
        out_shape=[
            jax.ShapeDtypeStruct((_NP, _D), jnp.float32),
            jax.ShapeDtypeStruct((_NP, _D), jnp.float32),
        ],
    )(dp, h0, h1, p, w0, w1, w2, b)



def kernel(x, edge_index, W0, b0, W1, b1):
    src = edge_index[0].astype(jnp.int32)
    dst = edge_index[1].astype(jnp.int32)
    pad = _N + (jnp.arange(_EP - _E, dtype=jnp.int32) % _NPAD)
    src_s = jnp.concatenate([src, pad]).reshape(_NW, _CPW, _CH)
    dst_s = jnp.concatenate([dst, pad]).reshape(_NW, _CPW, _CH)
    xp = jnp.pad(x, ((0, _NP - _N), (0, 0)))
    b0r = b0.reshape(1, _D)
    b1r = b1.reshape(1, _D)
    zc = jnp.zeros((_CH, _D), jnp.float32)
    on = jnp.ones((_CH, _D), jnp.float32)

    dp = _sc_degree(dst_s, zc, on)

    g0 = _tc_scale(dp, xp)
    p1 = _sc_propagate(g0, src_s, dst_s, zc)
    h1, g1 = _tc_combine(dp, p1)
    p2 = _sc_propagate(g1, src_s, dst_s, zc)
    hL1, gL1 = _tc_matmul(dp, xp, h1, p2,
                          W0[0:_D], W0[_D:2 * _D], W0[2 * _D:3 * _D], b0r)

    p3 = _sc_propagate(gL1, src_s, dst_s, zc)
    h1b, g1b = _tc_combine(dp, p3)
    p4 = _sc_propagate(g1b, src_s, dst_s, zc)
    out, _g = _tc_matmul(dp, hL1, h1b, p4,
                         W1[0:_D], W1[_D:2 * _D], W1[2 * _D:3 * _D], b1r)

    return out[:_N]

# --- scband reference (transcript-rebuilt; emitter-appended) ---
"""Pipeline reference for scband-classifier-7421703487683 (READ-ONLY COPY).

The authoritative reference and input builder live on the scoring server;
editing this copy changes nothing except your own understanding.
"""

import jax, jax.numpy as jnp
import numpy as np

N_NODES = 10000
N_EDGES = 320000
D_FEAT = 128
HIDDEN = 128
HOPS = 2


def _tagconv(x, src, dst, n_nodes, W, b):
    # DGL TAGConv: symmetric normalization using in-degrees on both sides
    deg = jnp.zeros((n_nodes,), dtype=x.dtype).at[dst].add(1.0)
    norm = jnp.power(jnp.clip(deg, 1.0, None), -0.5)
    fstack = [x]
    h = x
    for _ in range(HOPS):
        h = h * norm[:, None]
        msg = jnp.take(h, src, axis=0)                      # gather over src nodes
        h = jnp.zeros((n_nodes, h.shape[1]), dtype=h.dtype).at[dst].add(msg)  # scatter-add
        h = h * norm[:, None]
        fstack.append(h)
    out = jnp.concatenate(fstack, axis=-1) @ W + b
    return jax.nn.relu(out)  # activation_func='relu'


def setup_inputs(seed: int = 0) -> dict:
    key = jax.random.key(seed)
    k1, k2, k3, k4 = jax.random.split(key, 4)
    x = jax.random.normal(k1, (N_NODES, D_FEAT), dtype=jnp.float32)
    edge_index = jax.random.randint(k2, (2, N_EDGES), 0, N_NODES, dtype=jnp.int64)
    W0 = jax.random.normal(k3, ((HOPS + 1) * D_FEAT, HIDDEN), dtype=jnp.float32) * 0.05
    b0 = jnp.zeros((HIDDEN,), dtype=jnp.float32)
    W1 = jax.random.normal(k4, ((HOPS + 1) * HIDDEN, HIDDEN), dtype=jnp.float32) * 0.05
    b1 = jnp.zeros((HIDDEN,), dtype=jnp.float32)
    return {"x": x, "edge_index": edge_index, "W0": W0, "b0": b0, "W1": W1, "b1": b1}


def reference(x, edge_index, W0, b0, W1, b1):
    src = edge_index[0]
    dst = edge_index[1]
    # layer 0: TAGConv(in_dim -> hidden_dim, hops=2, relu)
    h = _tagconv(x, src, dst, x.shape[0], W0, b0)
    # dropout p=0.0 is identity
    # layer 1: TAGConv(hidden_dim -> hidden_dim, hops=2, relu)
    h = _tagconv(h, src, dst, x.shape[0], W1, b1)
    # local=True -> return node embeddings; norm=False -> no F.normalize
    return h

if __name__ == "__main__":
    import jax
    _d = setup_inputs()
    print(jax.jit(kernel)(*tuple(_d.values())))

</pallas_src>

<mosaic_0001>
#map = affine_map<(d0, d1) -> (0, 0, 0)>
#map1 = affine_map<(d0, d1) -> (0, 0)>
module attributes {stable_mosaic.version = 14 : i64} {
  func.func @_sc_degree(%arg0: i32, %arg1: i32, %arg2: memref<32x80x128xi32, #tpu.memory_space<hbm>>, %arg3: memref<128x128xf32, #tpu.memory_space<hbm>>, %arg4: memref<128x128xf32, #tpu.memory_space<hbm>>, %arg5: memref<2x10240x128xf32, #tpu.memory_space<hbm>>, %arg6: memref<80x128xi32, #tpu.memory_space<vmem>>, %arg7: memref<128x128xf32, #tpu.memory_space<vmem>>, %arg8: memref<128x128xf32, #tpu.memory_space<vmem>>, %arg9: memref<10240x128xf32, #tpu.memory_space<vmem_shared>>) attributes {dimension_semantics = [#tpu.dimension_semantics<core_parallel>, #tpu.dimension_semantics<subcore_parallel>], iteration_bounds = array<i64: 2, 16>, scalar_prefetch = 0 : i64, scratch_operands = 4 : i64, tpu.core_type = #tpu.core_type<sc_vector_subcore>, window_params = [{transform_indices = #map}, {transform_indices = #map1}, {transform_indices = #map1}, {transform_indices = #map}]} {
    %mul3A = arith.constant 2 : i32
    %mul3A_0 = arith.muli %arg1, %mul3A : i32
    %add3A = arith.addi %mul3A_0, %arg0 : i32
    "tpu.region"() ({
      %run_scoped3A = tpu.sem_alloc : memref<!tpu.dma_semaphore, #tpu.memory_space<semaphore_mem>>
      %dma_start3A = arith.constant 0 : i32
      %dma_start3A_19 = arith.constant 0 : i32
      %dma_start3A_20 = tpu.memref_slice %arg2[%add3A, %dma_start3A, %dma_start3A_19] : memref<32x80x128xi32, #tpu.memory_space<hbm>> -> memref<1x80x128xi32, #tpu.memory_space<hbm>>
      %dma_start3A_21 = tpu.memref_squeeze %dma_start3A_20 : memref<1x80x128xi32, #tpu.memory_space<hbm>> -> memref<80x128xi32, #tpu.memory_space<hbm>>
      %dma_start3A_22 = arith.constant 0 : i32
      %dma_start3A_23 = arith.constant 0 : i32
      %dma_start3A_24 = tpu.memref_slice %arg2[%add3A, %dma_start3A_22, %dma_start3A_23] : memref<32x80x128xi32, #tpu.memory_space<hbm>> -> memref<1x80x128xi32, #tpu.memory_space<hbm>>
      %dma_start3A_25 = tpu.memref_squeeze %dma_start3A_24 : memref<1x80x128xi32, #tpu.memory_space<hbm>> -> memref<80x128xi32, #tpu.memory_space<hbm>>
      tpu.enqueue_dma source(%dma_start3A_25 : memref<80x128xi32, #tpu.memory_space<hbm>>) target(%arg6 : memref<80x128xi32, #tpu.memory_space<vmem>>) target_semaphore(%run_scoped3A : memref<!tpu.dma_semaphore, #tpu.memory_space<semaphore_mem>>)
      %dma_wait3A = arith.constant 0 : i32
      %dma_wait3A_26 = arith.constant 0 : i32
      %dma_wait3A_27 = tpu.memref_slice %arg2[%add3A, %dma_wait3A, %dma_wait3A_26] : memref<32x80x128xi32, #tpu.memory_space<hbm>> -> memref<1x80x128xi32, #tpu.memory_space<hbm>>
      %dma_wait3A_28 = tpu.memref_squeeze %dma_wait3A_27 : memref<1x80x128xi32, #tpu.memory_space<hbm>> -> memref<80x128xi32, #tpu.memory_space<hbm>>
      %dma_wait3A_29 = arith.constant 0 : i32
      %dma_wait3A_30 = arith.constant 0 : i32
      %dma_wait3A_31 = tpu.memref_slice %arg2[%add3A, %dma_wait3A_29, %dma_wait3A_30] : memref<32x80x128xi32, #tpu.memory_space<hbm>> -> memref<1x80x128xi32, #tpu.memory_space<hbm>>
      %dma_wait3A_32 = tpu.memref_squeeze %dma_wait3A_31 : memref<1x80x128xi32, #tpu.memory_space<hbm>> -> memref<80x128xi32, #tpu.memory_space<hbm>>
      tpu.wait_dma2 semaphore(%run_scoped3A : memref<!tpu.dma_semaphore, #tpu.memory_space<semaphore_mem>>) src(%dma_wait3A_32 : memref<80x128xi32, #tpu.memory_space<hbm>>) dst(%arg6 : memref<80x128xi32, #tpu.memory_space<vmem>>)
      tpu.yield
    }) : () -> ()
    "tpu.region"() ({
      %run_scoped3A = tpu.sem_alloc : memref<!tpu.dma_semaphore, #tpu.memory_space<semaphore_mem>>
      tpu.enqueue_dma source(%arg4 : memref<128x128xf32, #tpu.memory_space<hbm>>) target(%arg7 : memref<128x128xf32, #tpu.memory_space<vmem>>) target_semaphore(%run_scoped3A : memref<!tpu.dma_semaphore, #tpu.memory_space<semaphore_mem>>)
      tpu.wait_dma2 semaphore(%run_scoped3A : memref<!tpu.dma_semaphore, #tpu.memory_space<semaphore_mem>>) src(%arg4 : memref<128x128xf32, #tpu.memory_space<hbm>>) dst(%arg7 : memref<128x128xf32, #tpu.memory_space<vmem>>)
      tpu.yield
    }) : () -> ()
    "tpu.region"() ({
      %run_scoped3A = tpu.sem_alloc : memref<!tpu.dma_semaphore, #tpu.memory_space<semaphore_mem>>
      tpu.enqueue_dma source(%arg3 : memref<128x128xf32, #tpu.memory_space<hbm>>) target(%arg8 : memref<128x128xf32, #tpu.memory_space<vmem>>) target_semaphore(%run_scoped3A : memref<!tpu.dma_semaphore, #tpu.memory_space<semaphore_mem>>)
      tpu.wait_dma2 semaphore(%run_scoped3A : memref<!tpu.dma_semaphore, #tpu.memory_space<semaphore_mem>>) src(%arg3 : memref<128x128xf32, #tpu.memory_space<hbm>>) dst(%arg8 : memref<128x128xf32, #tpu.memory_space<vmem>>)
      tpu.yield
    }) : () -> ()
    %scan3A = arith.constant 0 : i32
    %scan3A_1 = arith.constant 0 : i32
    %scan3A_2 = arith.constant 5 : i32
    %scan3A_3 = arith.addi %scan3A_1, %scan3A_2 : i32
    %scan3A_4 = arith.constant 1 : i32
    scf.for %scan3A_19 = %scan3A_1 to %scan3A_3 step %scan3A_4  : i32 {
      %mul3A_20 = arith.constant 640 : i32
      %mul3A_21 = arith.muli %arg1, %mul3A_20 : i32
      %mul3A_22 = arith.constant 128 : i32
      %mul3A_23 = arith.muli %scan3A_19, %mul3A_22 : i32
      %add3A_24 = arith.addi %mul3A_21, %mul3A_23 : i32
      "tpu.region"() ({
        %run_scoped3A = tpu.sem_alloc : memref<!tpu.dma_semaphore, #tpu.memory_space<semaphore_mem>>
        %dma_start3A = arith.constant 0 : i32
        %dma_start3A_25 = tpu.memref_slice %arg9[%add3A_24, %dma_start3A] : memref<10240x128xf32, #tpu.memory_space<vmem_shared>> -> memref<128x128xf32, #tpu.memory_space<vmem_shared>>
        %dma_start3A_26 = arith.constant 0 : i32
        %dma_start3A_27 = tpu.memref_slice %arg9[%add3A_24, %dma_start3A_26] : memref<10240x128xf32, #tpu.memory_space<vmem_shared>> -> memref<128x128xf32, #tpu.memory_space<vmem_shared>>
        tpu.enqueue_dma source(%arg8 : memref<128x128xf32, #tpu.memory_space<vmem>>) target(%dma_start3A_27 : memref<128x128xf32, #tpu.memory_space<vmem_shared>>) target_semaphore(%run_scoped3A : memref<!tpu.dma_semaphore, #tpu.memory_space<semaphore_mem>>)
        %dma_wait3A = arith.constant 0 : i32
        %dma_wait3A_28 = tpu.memref_slice %arg9[%add3A_24, %dma_wait3A] : memref<10240x128xf32, #tpu.memory_space<vmem_shared>> -> memref<128x128xf32, #tpu.memory_space<vmem_shared>>
        %dma_wait3A_29 = arith.constant 0 : i32
        %dma_wait3A_30 = tpu.memref_slice %arg9[%add3A_24, %dma_wait3A_29] : memref<10240x128xf32, #tpu.memory_space<vmem_shared>> -> memref<128x128xf32, #tpu.memory_space<vmem_shared>>
        tpu.wait_dma2 semaphore(%run_scoped3A : memref<!tpu.dma_semaphore, #tpu.memory_space<semaphore_mem>>) src(%arg8 : memref<128x128xf32, #tpu.memory_space<vmem>>) dst(%dma_wait3A_30 : memref<128x128xf32, #tpu.memory_space<vmem_shared>>)
        tpu.yield
      }) : () -> ()
    }
    %scan3A_5 = arith.constant 5 : i32
    %barrier3A = arith.constant 0 : index
    tpu.barrier barrier_id(%barrier3A)
    %scan3A_6 = arith.constant 0 : i32
    %scan3A_7 = arith.constant 0 : i32
    %scan3A_8 = arith.constant 80 : i32
    %scan3A_9 = arith.addi %scan3A_7, %scan3A_8 : i32
    %scan3A_10 = arith.constant 1 : i32
    scf.for %scan3A_19 = %scan3A_7 to %scan3A_9 step %scan3A_10  : i32 {
      "tpu.region"() ({
        %run_scoped3A = tpu.sem_alloc : memref<!tpu.dma_semaphore, #tpu.memory_space<semaphore_mem>>
        %dma_start3A = arith.constant 0 : i32
        %dma_start3A_20 = tpu.memref_slice %arg6[%scan3A_19, %dma_start3A] : memref<80x128xi32, #tpu.memory_space<vmem>> -> memref<1x128xi32, #tpu.memory_space<vmem>>
        %dma_start3A_21 = tpu.memref_squeeze %dma_start3A_20 : memref<1x128xi32, #tpu.memory_space<vmem>> -> memref<128xi32, #tpu.memory_space<vmem>>
        %dma_start3A_22 = arith.constant 0 : i32
        %dma_start3A_23 = arith.constant 0 : i32
        %dma_start3A_24 = tpu.memref_slice %arg9[%dma_start3A_22, %dma_start3A_23] : memref<10240x128xf32, #tpu.memory_space<vmem_shared>> -> memref<10240x128xf32, #tpu.memory_space<vmem_shared>>
        tpu.enqueue_indirect_dma source(%arg7 : memref<128x128xf32, #tpu.memory_space<vmem>>) target(%dma_start3A_24 : memref<10240x128xf32, #tpu.memory_space<vmem_shared>>) offsets(%dma_start3A_21 : memref<128xi32, #tpu.memory_space<vmem>>) semaphore(%run_scoped3A : memref<!tpu.dma_semaphore, #tpu.memory_space<semaphore_mem>>) {add = true}
        %dma_wait3A = arith.constant 0 : i32
        %dma_wait3A_25 = tpu.memref_slice %arg6[%scan3A_19, %dma_wait3A] : memref<80x128xi32, #tpu.memory_space<vmem>> -> memref<1x128xi32, #tpu.memory_space<vmem>>
        %dma_wait3A_26 = tpu.memref_squeeze %dma_wait3A_25 : memref<1x128xi32, #tpu.memory_space<vmem>> -> memref<128xi32, #tpu.memory_space<vmem>>
        %dma_wait3A_27 = arith.constant 0 : i32
        %dma_wait3A_28 = arith.constant 0 : i32
        %dma_wait3A_29 = tpu.memref_slice %arg9[%dma_wait3A_27, %dma_wait3A_28] : memref<10240x128xf32, #tpu.memory_space<vmem_shared>> -> memref<10240x128xf32, #tpu.memory_space<vmem_shared>>
        tpu.wait_indirect_dma semaphore(%run_scoped3A : memref<!tpu.dma_semaphore, #tpu.memory_space<semaphore_mem>>) src(%arg7 : memref<128x128xf32, #tpu.memory_space<vmem>>) dst(%dma_wait3A_29 : memref<10240x128xf32, #tpu.memory_space<vmem_shared>>)
        tpu.yield
      }) : () -> ()
    }
    %scan3A_11 = arith.constant 80 : i32
    %barrier3A_12 = arith.constant 0 : index
    tpu.barrier barrier_id(%barrier3A_12)
    %scan3A_13 = arith.constant 0 : i32
    %scan3A_14 = arith.constant 0 : i32
    %scan3A_15 = arith.constant 5 : i32
    %scan3A_16 = arith.addi %scan3A_14, %scan3A_15 : i32
    %scan3A_17 = arith.constant 1 : i32
    scf.for %scan3A_19 = %scan3A_14 to %scan3A_16 step %scan3A_17  : i32 {
      %mul3A_20 = arith.constant 640 : i32
      %mul3A_21 = arith.muli %arg1, %mul3A_20 : i32
      %mul3A_22 = arith.constant 128 : i32
      %mul3A_23 = arith.muli %scan3A_19, %mul3A_22 : i32
      %add3A_24 = arith.addi %mul3A_21, %mul3A_23 : i32
      "tpu.region"() ({
        %run_scoped3A = tpu.sem_alloc : memref<!tpu.dma_semaphore, #tpu.memory_space<semaphore_mem>>
        %dma_start3A = arith.constant 0 : i32
        %dma_start3A_25 = arith.constant 0 : i32
        %dma_start3A_26 = tpu.memref_slice %arg5[%arg0, %dma_start3A, %dma_start3A_25] : memref<2x10240x128xf32, #tpu.memory_space<hbm>> -> memref<1x10240x128xf32, #tpu.memory_space<hbm>>
        %dma_start3A_27 = tpu.memref_squeeze %dma_start3A_26 : memref<1x10240x128xf32, #tpu.memory_space<hbm>> -> memref<10240x128xf32, #tpu.memory_space<hbm>>
        %dma_start3A_28 = arith.constant 0 : i32
        %dma_start3A_29 = tpu.memref_slice %dma_start3A_27[%add3A_24, %dma_start3A_28] : memref<10240x128xf32, #tpu.memory_space<hbm>> -> memref<128x128xf32, #tpu.memory_space<hbm>>
        %dma_start3A_30 = arith.constant 0 : i32
        %dma_start3A_31 = tpu.memref_slice %arg9[%add3A_24, %dma_start3A_30] : memref<10240x128xf32, #tpu.memory_space<vmem_shared>> -> memref<128x128xf32, #tpu.memory_space<vmem_shared>>
        tpu.enqueue_dma source(%dma_start3A_31 : memref<128x128xf32, #tpu.memory_space<vmem_shared>>) target(%dma_start3A_29 : memref<128x128xf32, #tpu.memory_space<hbm>>) target_semaphore(%run_scoped3A : memref<!tpu.dma_semaphore, #tpu.memory_space<semaphore_mem>>)
        %dma_wait3A = arith.constant 0 : i32
        %dma_wait3A_32 = arith.constant 0 : i32
        %dma_wait3A_33 = tpu.memref_slice %arg5[%arg0, %dma_wait3A, %dma_wait3A_32] : memref<2x10240x128xf32, #tpu.memory_space<hbm>> -> memref<1x10240x128xf32, #tpu.memory_space<hbm>>
        %dma_wait3A_34 = tpu.memref_squeeze %dma_wait3A_33 : memref<1x10240x128xf32, #tpu.memory_space<hbm>> -> memref<10240x128xf32, #tpu.memory_space<hbm>>
        %dma_wait3A_35 = arith.constant 0 : i32
        %dma_wait3A_36 = tpu.memref_slice %dma_wait3A_34[%add3A_24, %dma_wait3A_35] : memref<10240x128xf32, #tpu.memory_space<hbm>> -> memref<128x128xf32, #tpu.memory_space<hbm>>
        %dma_wait3A_37 = arith.constant 0 : i32
        %dma_wait3A_38 = tpu.memref_slice %arg9[%add3A_24, %dma_wait3A_37] : memref<10240x128xf32, #tpu.memory_space<vmem_shared>> -> memref<128x128xf32, #tpu.memory_space<vmem_shared>>
        tpu.wait_dma2 semaphore(%run_scoped3A : memref<!tpu.dma_semaphore, #tpu.memory_space<semaphore_mem>>) src(%dma_wait3A_38 : memref<128x128xf32, #tpu.memory_space<vmem_shared>>) dst(%dma_wait3A_36 : memref<128x128xf32, #tpu.memory_space<hbm>>)
        tpu.yield
      }) : () -> ()
    }
    %scan3A_18 = arith.constant 5 : i32
    return
  }
}

#map = affine_map<(d0, d1) -> (0, 0)>
#map1 = affine_map<(d0, d1) -> (0, 0, 0)>
module attributes {stable_mosaic.version = 14 : i64} {
  func.func @_sc_propagate(%arg0: i32, %arg1: i32, %arg2: memref<10240x128xf32, #tpu.memory_space<hbm>>, %arg3: memref<32x80x128xi32, #tpu.memory_space<hbm>>, %arg4: memref<32x80x128xi32, #tpu.memory_space<hbm>>, %arg5: memref<128x128xf32, #tpu.memory_space<hbm>>, %arg6: memref<2x10240x128xf32, #tpu.memory_space<hbm>>, %arg7: memref<80x128xi32, #tpu.memory_space<vmem>>, %arg8: memref<80x128xi32, #tpu.memory_space<vmem>>, %arg9: memref<128x128xf32, #tpu.memory_space<vmem>>, %arg10: memref<10240x128xf32, #tpu.memory_space<vmem_shared>>) attributes {dimension_semantics = [#tpu.dimension_semantics<core_parallel>, #tpu.dimension_semantics<subcore_parallel>], iteration_bounds = array<i64: 2, 16>, scalar_prefetch = 0 : i64, scratch_operands = 4 : i64, tpu.core_type = #tpu.core_type<sc_vector_subcore>, window_params = [{transform_indices = #map}, {transform_indices = #map1}, {transform_indices = #map1}, {transform_indices = #map}, {transform_indices = #map1}]} {
    %mul3A = arith.constant 2 : i32
    %mul3A_0 = arith.muli %arg1, %mul3A : i32
    %add3A = arith.addi %mul3A_0, %arg0 : i32
    "tpu.region"() ({
      %run_scoped3A = tpu.sem_alloc : memref<!tpu.dma_semaphore, #tpu.memory_space<semaphore_mem>>
      %dma_start3A = arith.constant 0 : i32
      %dma_start3A_19 = arith.constant 0 : i32
      %dma_start3A_20 = tpu.memref_slice %arg3[%add3A, %dma_start3A, %dma_start3A_19] : memref<32x80x128xi32, #tpu.memory_space<hbm>> -> memref<1x80x128xi32, #tpu.memory_space<hbm>>
      %dma_start3A_21 = tpu.memref_squeeze %dma_start3A_20 : memref<1x80x128xi32, #tpu.memory_space<hbm>> -> memref<80x128xi32, #tpu.memory_space<hbm>>
      %dma_start3A_22 = arith.constant 0 : i32
      %dma_start3A_23 = arith.constant 0 : i32
      %dma_start3A_24 = tpu.memref_slice %arg3[%add3A, %dma_start3A_22, %dma_start3A_23] : memref<32x80x128xi32, #tpu.memory_space<hbm>> -> memref<1x80x128xi32, #tpu.memory_space<hbm>>
      %dma_start3A_25 = tpu.memref_squeeze %dma_start3A_24 : memref<1x80x128xi32, #tpu.memory_space<hbm>> -> memref<80x128xi32, #tpu.memory_space<hbm>>
      tpu.enqueue_dma source(%dma_start3A_25 : memref<80x128xi32, #tpu.memory_space<hbm>>) target(%arg7 : memref<80x128xi32, #tpu.memory_space<vmem>>) target_semaphore(%run_scoped3A : memref<!tpu.dma_semaphore, #tpu.memory_space<semaphore_mem>>)
      %dma_wait3A = arith.constant 0 : i32
      %dma_wait3A_26 = arith.constant 0 : i32
      %dma_wait3A_27 = tpu.memref_slice %arg3[%add3A, %dma_wait3A, %dma_wait3A_26] : memref<32x80x128xi32, #tpu.memory_space<hbm>> -> memref<1x80x128xi32, #tpu.memory_space<hbm>>
      %dma_wait3A_28 = tpu.memref_squeeze %dma_wait3A_27 : memref<1x80x128xi32, #tpu.memory_space<hbm>> -> memref<80x128xi32, #tpu.memory_space<hbm>>
      %dma_wait3A_29 = arith.constant 0 : i32
      %dma_wait3A_30 = arith.constant 0 : i32
      %dma_wait3A_31 = tpu.memref_slice %arg3[%add3A, %dma_wait3A_29, %dma_wait3A_30] : memref<32x80x128xi32, #tpu.memory_space<hbm>> -> memref<1x80x128xi32, #tpu.memory_space<hbm>>
      %dma_wait3A_32 = tpu.memref_squeeze %dma_wait3A_31 : memref<1x80x128xi32, #tpu.memory_space<hbm>> -> memref<80x128xi32, #tpu.memory_space<hbm>>
      tpu.wait_dma2 semaphore(%run_scoped3A : memref<!tpu.dma_semaphore, #tpu.memory_space<semaphore_mem>>) src(%dma_wait3A_32 : memref<80x128xi32, #tpu.memory_space<hbm>>) dst(%arg7 : memref<80x128xi32, #tpu.memory_space<vmem>>)
      tpu.yield
    }) : () -> ()
    "tpu.region"() ({
      %run_scoped3A = tpu.sem_alloc : memref<!tpu.dma_semaphore, #tpu.memory_space<semaphore_mem>>
      %dma_start3A = arith.constant 0 : i32
      %dma_start3A_19 = arith.constant 0 : i32
      %dma_start3A_20 = tpu.memref_slice %arg4[%add3A, %dma_start3A, %dma_start3A_19] : memref<32x80x128xi32, #tpu.memory_space<hbm>> -> memref<1x80x128xi32, #tpu.memory_space<hbm>>
      %dma_start3A_21 = tpu.memref_squeeze %dma_start3A_20 : memref<1x80x128xi32, #tpu.memory_space<hbm>> -> memref<80x128xi32, #tpu.memory_space<hbm>>
      %dma_start3A_22 = arith.constant 0 : i32
      %dma_start3A_23 = arith.constant 0 : i32
      %dma_start3A_24 = tpu.memref_slice %arg4[%add3A, %dma_start3A_22, %dma_start3A_23] : memref<32x80x128xi32, #tpu.memory_space<hbm>> -> memref<1x80x128xi32, #tpu.memory_space<hbm>>
      %dma_start3A_25 = tpu.memref_squeeze %dma_start3A_24 : memref<1x80x128xi32, #tpu.memory_space<hbm>> -> memref<80x128xi32, #tpu.memory_space<hbm>>
      tpu.enqueue_dma source(%dma_start3A_25 : memref<80x128xi32, #tpu.memory_space<hbm>>) target(%arg8 : memref<80x128xi32, #tpu.memory_space<vmem>>) target_semaphore(%run_scoped3A : memref<!tpu.dma_semaphore, #tpu.memory_space<semaphore_mem>>)
      %dma_wait3A = arith.constant 0 : i32
      %dma_wait3A_26 = arith.constant 0 : i32
      %dma_wait3A_27 = tpu.memref_slice %arg4[%add3A, %dma_wait3A, %dma_wait3A_26] : memref<32x80x128xi32, #tpu.memory_space<hbm>> -> memref<1x80x128xi32, #tpu.memory_space<hbm>>
      %dma_wait3A_28 = tpu.memref_squeeze %dma_wait3A_27 : memref<1x80x128xi32, #tpu.memory_space<hbm>> -> memref<80x128xi32, #tpu.memory_space<hbm>>
      %dma_wait3A_29 = arith.constant 0 : i32
      %dma_wait3A_30 = arith.constant 0 : i32
      %dma_wait3A_31 = tpu.memref_slice %arg4[%add3A, %dma_wait3A_29, %dma_wait3A_30] : memref<32x80x128xi32, #tpu.memory_space<hbm>> -> memref<1x80x128xi32, #tpu.memory_space<hbm>>
      %dma_wait3A_32 = tpu.memref_squeeze %dma_wait3A_31 : memref<1x80x128xi32, #tpu.memory_space<hbm>> -> memref<80x128xi32, #tpu.memory_space<hbm>>
      tpu.wait_dma2 semaphore(%run_scoped3A : memref<!tpu.dma_semaphore, #tpu.memory_space<semaphore_mem>>) src(%dma_wait3A_32 : memref<80x128xi32, #tpu.memory_space<hbm>>) dst(%arg8 : memref<80x128xi32, #tpu.memory_space<vmem>>)
      tpu.yield
    }) : () -> ()
    "tpu.region"() ({
      %run_scoped3A = tpu.sem_alloc : memref<!tpu.dma_semaphore, #tpu.memory_space<semaphore_mem>>
      tpu.enqueue_dma source(%arg5 : memref<128x128xf32, #tpu.memory_space<hbm>>) target(%arg9 : memref<128x128xf32, #tpu.memory_space<vmem>>) target_semaphore(%run_scoped3A : memref<!tpu.dma_semaphore, #tpu.memory_space<semaphore_mem>>)
      tpu.wait_dma2 semaphore(%run_scoped3A : memref<!tpu.dma_semaphore, #tpu.memory_space<semaphore_mem>>) src(%arg5 : memref<128x128xf32, #tpu.memory_space<hbm>>) dst(%arg9 : memref<128x128xf32, #tpu.memory_space<vmem>>)
      tpu.yield
    }) : () -> ()
    %scan3A = arith.constant 0 : i32
    %scan3A_1 = arith.constant 0 : i32
    %scan3A_2 = arith.constant 5 : i32
    %scan3A_3 = arith.addi %scan3A_1, %scan3A_2 : i32
    %scan3A_4 = arith.constant 1 : i32
    scf.for %scan3A_19 = %scan3A_1 to %scan3A_3 step %scan3A_4  : i32 {
      %mul3A_20 = arith.constant 640 : i32
      %mul3A_21 = arith.muli %arg1, %mul3A_20 : i32
      %mul3A_22 = arith.constant 128 : i32
      %mul3A_23 = arith.muli %scan3A_19, %mul3A_22 : i32
      %add3A_24 = arith.addi %mul3A_21, %mul3A_23 : i32
      "tpu.region"() ({
        %run_scoped3A = tpu.sem_alloc : memref<!tpu.dma_semaphore, #tpu.memory_space<semaphore_mem>>
        %dma_start3A = arith.constant 0 : i32
        %dma_start3A_25 = tpu.memref_slice %arg10[%add3A_24, %dma_start3A] : memref<10240x128xf32, #tpu.memory_space<vmem_shared>> -> memref<128x128xf32, #tpu.memory_space<vmem_shared>>
        %dma_start3A_26 = arith.constant 0 : i32
        %dma_start3A_27 = tpu.memref_slice %arg10[%add3A_24, %dma_start3A_26] : memref<10240x128xf32, #tpu.memory_space<vmem_shared>> -> memref<128x128xf32, #tpu.memory_space<vmem_shared>>
        tpu.enqueue_dma source(%arg9 : memref<128x128xf32, #tpu.memory_space<vmem>>) target(%dma_start3A_27 : memref<128x128xf32, #tpu.memory_space<vmem_shared>>) target_semaphore(%run_scoped3A : memref<!tpu.dma_semaphore, #tpu.memory_space<semaphore_mem>>)
        %dma_wait3A = arith.constant 0 : i32
        %dma_wait3A_28 = tpu.memref_slice %arg10[%add3A_24, %dma_wait3A] : memref<10240x128xf32, #tpu.memory_space<vmem_shared>> -> memref<128x128xf32, #tpu.memory_space<vmem_shared>>
        %dma_wait3A_29 = arith.constant 0 : i32
        %dma_wait3A_30 = tpu.memref_slice %arg10[%add3A_24, %dma_wait3A_29] : memref<10240x128xf32, #tpu.memory_space<vmem_shared>> -> memref<128x128xf32, #tpu.memory_space<vmem_shared>>
        tpu.wait_dma2 semaphore(%run_scoped3A : memref<!tpu.dma_semaphore, #tpu.memory_space<semaphore_mem>>) src(%arg9 : memref<128x128xf32, #tpu.memory_space<vmem>>) dst(%dma_wait3A_30 : memref<128x128xf32, #tpu.memory_space<vmem_shared>>)
        tpu.yield
      }) : () -> ()
    }
    %scan3A_5 = arith.constant 5 : i32
    %barrier3A = arith.constant 0 : index
    tpu.barrier barrier_id(%barrier3A)
    %scan3A_6 = arith.constant 0 : i32
    %scan3A_7 = arith.constant 0 : i32
    %scan3A_8 = arith.constant 80 : i32
    %scan3A_9 = arith.addi %scan3A_7, %scan3A_8 : i32
    %scan3A_10 = arith.constant 1 : i32
    scf.for %scan3A_19 = %scan3A_7 to %scan3A_9 step %scan3A_10  : i32 {
      "tpu.region"() ({
        %run_scoped3A = tpu.sem_alloc : memref<!tpu.dma_semaphore, #tpu.memory_space<semaphore_mem>>
        %dma_start3A = arith.constant 0 : i32
        %dma_start3A_20 = tpu.memref_slice %arg7[%scan3A_19, %dma_start3A] : memref<80x128xi32, #tpu.memory_space<vmem>> -> memref<1x128xi32, #tpu.memory_space<vmem>>
        %dma_start3A_21 = tpu.memref_squeeze %dma_start3A_20 : memref<1x128xi32, #tpu.memory_space<vmem>> -> memref<128xi32, #tpu.memory_space<vmem>>
        %dma_start3A_22 = arith.constant 0 : i32
        %dma_start3A_23 = arith.constant 0 : i32
        %dma_start3A_24 = tpu.memref_slice %arg2[%dma_start3A_22, %dma_start3A_23] : memref<10240x128xf32, #tpu.memory_space<hbm>> -> memref<10240x128xf32, #tpu.memory_space<hbm>>
        tpu.enqueue_indirect_dma source(%dma_start3A_24 : memref<10240x128xf32, #tpu.memory_space<hbm>>) target(%arg9 : memref<128x128xf32, #tpu.memory_space<vmem>>) offsets(%dma_start3A_21 : memref<128xi32, #tpu.memory_space<vmem>>) semaphore(%run_scoped3A : memref<!tpu.dma_semaphore, #tpu.memory_space<semaphore_mem>>)
        %dma_wait3A = arith.constant 0 : i32
        %dma_wait3A_25 = tpu.memref_slice %arg7[%scan3A_19, %dma_wait3A] : memref<80x128xi32, #tpu.memory_space<vmem>> -> memref<1x128xi32, #tpu.memory_space<vmem>>
        %dma_wait3A_26 = tpu.memref_squeeze %dma_wait3A_25 : memref<1x128xi32, #tpu.memory_space<vmem>> -> memref<128xi32, #tpu.memory_space<vmem>>
        %dma_wait3A_27 = arith.constant 0 : i32
        %dma_wait3A_28 = arith.constant 0 : i32
        %dma_wait3A_29 = tpu.memref_slice %arg2[%dma_wait3A_27, %dma_wait3A_28] : memref<10240x128xf32, #tpu.memory_space<hbm>> -> memref<10240x128xf32, #tpu.memory_space<hbm>>
        tpu.wait_indirect_dma semaphore(%run_scoped3A : memref<!tpu.dma_semaphore, #tpu.memory_space<semaphore_mem>>) src(%dma_wait3A_29 : memref<10240x128xf32, #tpu.memory_space<hbm>>) dst(%arg9 : memref<128x128xf32, #tpu.memory_space<vmem>>)
        tpu.yield
      }) : () -> ()
      "tpu.region"() ({
        %run_scoped3A = tpu.sem_alloc : memref<!tpu.dma_semaphore, #tpu.memory_space<semaphore_mem>>
        %dma_start3A = arith.constant 0 : i32
        %dma_start3A_20 = tpu.memref_slice %arg8[%scan3A_19, %dma_start3A] : memref<80x128xi32, #tpu.memory_space<vmem>> -> memref<1x128xi32, #tpu.memory_space<vmem>>
        %dma_start3A_21 = tpu.memref_squeeze %dma_start3A_20 : memref<1x128xi32, #tpu.memory_space<vmem>> -> memref<128xi32, #tpu.memory_space<vmem>>
        %dma_start3A_22 = arith.constant 0 : i32
        %dma_start3A_23 = arith.constant 0 : i32
        %dma_start3A_24 = tpu.memref_slice %arg10[%dma_start3A_22, %dma_start3A_23] : memref<10240x128xf32, #tpu.memory_space<vmem_shared>> -> memref<10240x128xf32, #tpu.memory_space<vmem_shared>>
        tpu.enqueue_indirect_dma source(%arg9 : memref<128x128xf32, #tpu.memory_space<vmem>>) target(%dma_start3A_24 : memref<10240x128xf32, #tpu.memory_space<vmem_shared>>) offsets(%dma_start3A_21 : memref<128xi32, #tpu.memory_space<vmem>>) semaphore(%run_scoped3A : memref<!tpu.dma_semaphore, #tpu.memory_space<semaphore_mem>>) {add = true}
        %dma_wait3A = arith.constant 0 : i32
        %dma_wait3A_25 = tpu.memref_slice %arg8[%scan3A_19, %dma_wait3A] : memref<80x128xi32, #tpu.memory_space<vmem>> -> memref<1x128xi32, #tpu.memory_space<vmem>>
        %dma_wait3A_26 = tpu.memref_squeeze %dma_wait3A_25 : memref<1x128xi32, #tpu.memory_space<vmem>> -> memref<128xi32, #tpu.memory_space<vmem>>
        %dma_wait3A_27 = arith.constant 0 : i32
        %dma_wait3A_28 = arith.constant 0 : i32
        %dma_wait3A_29 = tpu.memref_slice %arg10[%dma_wait3A_27, %dma_wait3A_28] : memref<10240x128xf32, #tpu.memory_space<vmem_shared>> -> memref<10240x128xf32, #tpu.memory_space<vmem_shared>>
        tpu.wait_indirect_dma semaphore(%run_scoped3A : memref<!tpu.dma_semaphore, #tpu.memory_space<semaphore_mem>>) src(%arg9 : memref<128x128xf32, #tpu.memory_space<vmem>>) dst(%dma_wait3A_29 : memref<10240x128xf32, #tpu.memory_space<vmem_shared>>)
        tpu.yield
      }) : () -> ()
    }
    %scan3A_11 = arith.constant 80 : i32
    %barrier3A_12 = arith.constant 0 : index
    tpu.barrier barrier_id(%barrier3A_12)
    %scan3A_13 = arith.constant 0 : i32
    %scan3A_14 = arith.constant 0 : i32
    %scan3A_15 = arith.constant 5 : i32
    %scan3A_16 = arith.addi %scan3A_14, %scan3A_15 : i32
    %scan3A_17 = arith.constant 1 : i32
    scf.for %scan3A_19 = %scan3A_14 to %scan3A_16 step %scan3A_17  : i32 {
      %mul3A_20 = arith.constant 640 : i32
      %mul3A_21 = arith.muli %arg1, %mul3A_20 : i32
      %mul3A_22 = arith.constant 128 : i32
      %mul3A_23 = arith.muli %scan3A_19, %mul3A_22 : i32
      %add3A_24 = arith.addi %mul3A_21, %mul3A_23 : i32
      "tpu.region"() ({
        %run_scoped3A = tpu.sem_alloc : memref<!tpu.dma_semaphore, #tpu.memory_space<semaphore_mem>>
        %dma_start3A = arith.constant 0 : i32
        %dma_start3A_25 = arith.constant 0 : i32
        %dma_start3A_26 = tpu.memref_slice %arg6[%arg0, %dma_start3A, %dma_start3A_25] : memref<2x10240x128xf32, #tpu.memory_space<hbm>> -> memref<1x10240x128xf32, #tpu.memory_space<hbm>>
        %dma_start3A_27 = tpu.memref_squeeze %dma_start3A_26 : memref<1x10240x128xf32, #tpu.memory_space<hbm>> -> memref<10240x128xf32, #tpu.memory_space<hbm>>
        %dma_start3A_28 = arith.constant 0 : i32
        %dma_start3A_29 = tpu.memref_slice %dma_start3A_27[%add3A_24, %dma_start3A_28] : memref<10240x128xf32, #tpu.memory_space<hbm>> -> memref<128x128xf32, #tpu.memory_space<hbm>>
        %dma_start3A_30 = arith.constant 0 : i32
        %dma_start3A_31 = tpu.memref_slice %arg10[%add3A_24, %dma_start3A_30] : memref<10240x128xf32, #tpu.memory_space<vmem_shared>> -> memref<128x128xf32, #tpu.memory_space<vmem_shared>>
        tpu.enqueue_dma source(%dma_start3A_31 : memref<128x128xf32, #tpu.memory_space<vmem_shared>>) target(%dma_start3A_29 : memref<128x128xf32, #tpu.memory_space<hbm>>) target_semaphore(%run_scoped3A : memref<!tpu.dma_semaphore, #tpu.memory_space<semaphore_mem>>)
        %dma_wait3A = arith.constant 0 : i32
        %dma_wait3A_32 = arith.constant 0 : i32
        %dma_wait3A_33 = tpu.memref_slice %arg6[%arg0, %dma_wait3A, %dma_wait3A_32] : memref<2x10240x128xf32, #tpu.memory_space<hbm>> -> memref<1x10240x128xf32, #tpu.memory_space<hbm>>
        %dma_wait3A_34 = tpu.memref_squeeze %dma_wait3A_33 : memref<1x10240x128xf32, #tpu.memory_space<hbm>> -> memref<10240x128xf32, #tpu.memory_space<hbm>>
        %dma_wait3A_35 = arith.constant 0 : i32
        %dma_wait3A_36 = tpu.memref_slice %dma_wait3A_34[%add3A_24, %dma_wait3A_35] : memref<10240x128xf32, #tpu.memory_space<hbm>> -> memref<128x128xf32, #tpu.memory_space<hbm>>
        %dma_wait3A_37 = arith.constant 0 : i32
        %dma_wait3A_38 = tpu.memref_slice %arg10[%add3A_24, %dma_wait3A_37] : memref<10240x128xf32, #tpu.memory_space<vmem_shared>> -> memref<128x128xf32, #tpu.memory_space<vmem_shared>>
        tpu.wait_dma2 semaphore(%run_scoped3A : memref<!tpu.dma_semaphore, #tpu.memory_space<semaphore_mem>>) src(%dma_wait3A_38 : memref<128x128xf32, #tpu.memory_space<vmem_shared>>) dst(%dma_wait3A_36 : memref<128x128xf32, #tpu.memory_space<hbm>>)
        tpu.yield
      }) : () -> ()
    }
    %scan3A_18 = arith.constant 5 : i32
    return
  }
}

#map = affine_map<(d0, d1) -> (0, 0)>
#map1 = affine_map<(d0, d1) -> (0, 0, 0)>
module attributes {stable_mosaic.version = 14 : i64} {
  func.func @_sc_propagate(%arg0: i32, %arg1: i32, %arg2: memref<10240x128xf32, #tpu.memory_space<hbm>>, %arg3: memref<32x80x128xi32, #tpu.memory_space<hbm>>, %arg4: memref<32x80x128xi32, #tpu.memory_space<hbm>>, %arg5: memref<128x128xf32, #tpu.memory_space<hbm>>, %arg6: memref<2x10240x128xf32, #tpu.memory_space<hbm>>, %arg7: memref<80x128xi32, #tpu.memory_space<vmem>>, %arg8: memref<80x128xi32, #tpu.memory_space<vmem>>, %arg9: memref<128x128xf32, #tpu.memory_space<vmem>>, %arg10: memref<10240x128xf32, #tpu.memory_space<vmem_shared>>) attributes {dimension_semantics = [#tpu.dimension_semantics<core_parallel>, #tpu.dimension_semantics<subcore_parallel>], iteration_bounds = array<i64: 2, 16>, scalar_prefetch = 0 : i64, scratch_operands = 4 : i64, tpu.core_type = #tpu.core_type<sc_vector_subcore>, window_params = [{transform_indices = #map}, {transform_indices = #map1}, {transform_indices = #map1}, {transform_indices = #map}, {transform_indices = #map1}]} {
    %mul3A = arith.constant 2 : i32
    %mul3A_0 = arith.muli %arg1, %mul3A : i32
    %add3A = arith.addi %mul3A_0, %arg0 : i32
    "tpu.region"() ({
      %run_scoped3A = tpu.sem_alloc : memref<!tpu.dma_semaphore, #tpu.memory_space<semaphore_mem>>
      %dma_start3A = arith.constant 0 : i32
      %dma_start3A_19 = arith.constant 0 : i32
      %dma_start3A_20 = tpu.memref_slice %arg3[%add3A, %dma_start3A, %dma_start3A_19] : memref<32x80x128xi32, #tpu.memory_space<hbm>> -> memref<1x80x128xi32, #tpu.memory_space<hbm>>
      %dma_start3A_21 = tpu.memref_squeeze %dma_start3A_20 : memref<1x80x128xi32, #tpu.memory_space<hbm>> -> memref<80x128xi32, #tpu.memory_space<hbm>>
      %dma_start3A_22 = arith.constant 0 : i32
      %dma_start3A_23 = arith.constant 0 : i32
      %dma_start3A_24 = tpu.memref_slice %arg3[%add3A, %dma_start3A_22, %dma_start3A_23] : memref<32x80x128xi32, #tpu.memory_space<hbm>> -> memref<1x80x128xi32, #tpu.memory_space<hbm>>
      %dma_start3A_25 = tpu.memref_squeeze %dma_start3A_24 : memref<1x80x128xi32, #tpu.memory_space<hbm>> -> memref<80x128xi32, #tpu.memory_space<hbm>>
      tpu.enqueue_dma source(%dma_start3A_25 : memref<80x128xi32, #tpu.memory_space<hbm>>) target(%arg7 : memref<80x128xi32, #tpu.memory_space<vmem>>) target_semaphore(%run_scoped3A : memref<!tpu.dma_semaphore, #tpu.memory_space<semaphore_mem>>)
      %dma_wait3A = arith.constant 0 : i32
      %dma_wait3A_26 = arith.constant 0 : i32
      %dma_wait3A_27 = tpu.memref_slice %arg3[%add3A, %dma_wait3A, %dma_wait3A_26] : memref<32x80x128xi32, #tpu.memory_space<hbm>> -> memref<1x80x128xi32, #tpu.memory_space<hbm>>
      %dma_wait3A_28 = tpu.memref_squeeze %dma_wait3A_27 : memref<1x80x128xi32, #tpu.memory_space<hbm>> -> memref<80x128xi32, #tpu.memory_space<hbm>>
      %dma_wait3A_29 = arith.constant 0 : i32
      %dma_wait3A_30 = arith.constant 0 : i32
      %dma_wait3A_31 = tpu.memref_slice %arg3[%add3A, %dma_wait3A_29, %dma_wait3A_30] : memref<32x80x128xi32, #tpu.memory_space<hbm>> -> memref<1x80x128xi32, #tpu.memory_space<hbm>>
      %dma_wait3A_32 = tpu.memref_squeeze %dma_wait3A_31 : memref<1x80x128xi32, #tpu.memory_space<hbm>> -> memref<80x128xi32, #tpu.memory_space<hbm>>
      tpu.wait_dma2 semaphore(%run_scoped3A : memref<!tpu.dma_semaphore, #tpu.memory_space<semaphore_mem>>) src(%dma_wait3A_32 : memref<80x128xi32, #tpu.memory_space<hbm>>) dst(%arg7 : memref<80x128xi32, #tpu.memory_space<vmem>>)
      tpu.yield
    }) : () -> ()
    "tpu.region"() ({
      %run_scoped3A = tpu.sem_alloc : memref<!tpu.dma_semaphore, #tpu.memory_space<semaphore_mem>>
      %dma_start3A = arith.constant 0 : i32
      %dma_start3A_19 = arith.constant 0 : i32
      %dma_start3A_20 = tpu.memref_slice %arg4[%add3A, %dma_start3A, %dma_start3A_19] : memref<32x80x128xi32, #tpu.memory_space<hbm>> -> memref<1x80x128xi32, #tpu.memory_space<hbm>>
      %dma_start3A_21 = tpu.memref_squeeze %dma_start3A_20 : memref<1x80x128xi32, #tpu.memory_space<hbm>> -> memref<80x128xi32, #tpu.memory_space<hbm>>
      %dma_start3A_22 = arith.constant 0 : i32
      %dma_start3A_23 = arith.constant 0 : i32
      %dma_start3A_24 = tpu.memref_slice %arg4[%add3A, %dma_start3A_22, %dma_start3A_23] : memref<32x80x128xi32, #tpu.memory_space<hbm>> -> memref<1x80x128xi32, #tpu.memory_space<hbm>>
      %dma_start3A_25 = tpu.memref_squeeze %dma_start3A_24 : memref<1x80x128xi32, #tpu.memory_space<hbm>> -> memref<80x128xi32, #tpu.memory_space<hbm>>
      tpu.enqueue_dma source(%dma_start3A_25 : memref<80x128xi32, #tpu.memory_space<hbm>>) target(%arg8 : memref<80x128xi32, #tpu.memory_space<vmem>>) target_semaphore(%run_scoped3A : memref<!tpu.dma_semaphore, #tpu.memory_space<semaphore_mem>>)
      %dma_wait3A = arith.constant 0 : i32
      %dma_wait3A_26 = arith.constant 0 : i32
      %dma_wait3A_27 = tpu.memref_slice %arg4[%add3A, %dma_wait3A, %dma_wait3A_26] : memref<32x80x128xi32, #tpu.memory_space<hbm>> -> memref<1x80x128xi32, #tpu.memory_space<hbm>>
      %dma_wait3A_28 = tpu.memref_squeeze %dma_wait3A_27 : memref<1x80x128xi32, #tpu.memory_space<hbm>> -> memref<80x128xi32, #tpu.memory_space<hbm>>
      %dma_wait3A_29 = arith.constant 0 : i32
      %dma_wait3A_30 = arith.constant 0 : i32
      %dma_wait3A_31 = tpu.memref_slice %arg4[%add3A, %dma_wait3A_29, %dma_wait3A_30] : memref<32x80x128xi32, #tpu.memory_space<hbm>> -> memref<1x80x128xi32, #tpu.memory_space<hbm>>
      %dma_wait3A_32 = tpu.memref_squeeze %dma_wait3A_31 : memref<1x80x128xi32, #tpu.memory_space<hbm>> -> memref<80x128xi32, #tpu.memory_space<hbm>>
      tpu.wait_dma2 semaphore(%run_scoped3A : memref<!tpu.dma_semaphore, #tpu.memory_space<semaphore_mem>>) src(%dma_wait3A_32 : memref<80x128xi32, #tpu.memory_space<hbm>>) dst(%arg8 : memref<80x128xi32, #tpu.memory_space<vmem>>)
      tpu.yield
    }) : () -> ()
    "tpu.region"() ({
      %run_scoped3A = tpu.sem_alloc : memref<!tpu.dma_semaphore, #tpu.memory_space<semaphore_mem>>
      tpu.enqueue_dma source(%arg5 : memref<128x128xf32, #tpu.memory_space<hbm>>) target(%arg9 : memref<128x128xf32, #tpu.memory_space<vmem>>) target_semaphore(%run_scoped3A : memref<!tpu.dma_semaphore, #tpu.memory_space<semaphore_mem>>)
      tpu.wait_dma2 semaphore(%run_scoped3A : memref<!tpu.dma_semaphore, #tpu.memory_space<semaphore_mem>>) src(%arg5 : memref<128x128xf32, #tpu.memory_space<hbm>>) dst(%arg9 : memref<128x128xf32, #tpu.memory_space<vmem>>)
      tpu.yield
    }) : () -> ()
    %scan3A = arith.constant 0 : i32
    %scan3A_1 = arith.constant 0 : i32
    %scan3A_2 = arith.constant 5 : i32
    %scan3A_3 = arith.addi %scan3A_1, %scan3A_2 : i32
    %scan3A_4 = arith.constant 1 : i32
    scf.for %scan3A_19 = %scan3A_1 to %scan3A_3 step %scan3A_4  : i32 {
      %mul3A_20 = arith.constant 640 : i32
      %mul3A_21 = arith.muli %arg1, %mul3A_20 : i32
      %mul3A_22 = arith.constant 128 : i32
      %mul3A_23 = arith.muli %scan3A_19, %mul3A_22 : i32
      %add3A_24 = arith.addi %mul3A_21, %mul3A_23 : i32
      "tpu.region"() ({
        %run_scoped3A = tpu.sem_alloc : memref<!tpu.dma_semaphore, #tpu.memory_space<semaphore_mem>>
        %dma_start3A = arith.constant 0 : i32
        %dma_start3A_25 = tpu.memref_slice %arg10[%add3A_24, %dma_start3A] : memref<10240x128xf32, #tpu.memory_space<vmem_shared>> -> memref<128x128xf32, #tpu.memory_space<vmem_shared>>
        %dma_start3A_26 = arith.constant 0 : i32
        %dma_start3A_27 = tpu.memref_slice %arg10[%add3A_24, %dma_start3A_26] : memref<10240x128xf32, #tpu.memory_space<vmem_shared>> -> memref<128x128xf32, #tpu.memory_space<vmem_shared>>
        tpu.enqueue_dma source(%arg9 : memref<128x128xf32, #tpu.memory_space<vmem>>) target(%dma_start3A_27 : memref<128x128xf32, #tpu.memory_space<vmem_shared>>) target_semaphore(%run_scoped3A : memref<!tpu.dma_semaphore, #tpu.memory_space<semaphore_mem>>)
        %dma_wait3A = arith.constant 0 : i32
        %dma_wait3A_28 = tpu.memref_slice %arg10[%add3A_24, %dma_wait3A] : memref<10240x128xf32, #tpu.memory_space<vmem_shared>> -> memref<128x128xf32, #tpu.memory_space<vmem_shared>>
        %dma_wait3A_29 = arith.constant 0 : i32
        %dma_wait3A_30 = tpu.memref_slice %arg10[%add3A_24, %dma_wait3A_29] : memref<10240x128xf32, #tpu.memory_space<vmem_shared>> -> memref<128x128xf32, #tpu.memory_space<vmem_shared>>
        tpu.wait_dma2 semaphore(%run_scoped3A : memref<!tpu.dma_semaphore, #tpu.memory_space<semaphore_mem>>) src(%arg9 : memref<128x128xf32, #tpu.memory_space<vmem>>) dst(%dma_wait3A_30 : memref<128x128xf32, #tpu.memory_space<vmem_shared>>)
        tpu.yield
      }) : () -> ()
    }
    %scan3A_5 = arith.constant 5 : i32
    %barrier3A = arith.constant 0 : index
    tpu.barrier barrier_id(%barrier3A)
    %scan3A_6 = arith.constant 0 : i32
    %scan3A_7 = arith.constant 0 : i32
    %scan3A_8 = arith.constant 80 : i32
    %scan3A_9 = arith.addi %scan3A_7, %scan3A_8 : i32
    %scan3A_10 = arith.constant 1 : i32
    scf.for %scan3A_19 = %scan3A_7 to %scan3A_9 step %scan3A_10  : i32 {
      "tpu.region"() ({
        %run_scoped3A = tpu.sem_alloc : memref<!tpu.dma_semaphore, #tpu.memory_space<semaphore_mem>>
        %dma_start3A = arith.constant 0 : i32
        %dma_start3A_20 = tpu.memref_slice %arg7[%scan3A_19, %dma_start3A] : memref<80x128xi32, #tpu.memory_space<vmem>> -> memref<1x128xi32, #tpu.memory_space<vmem>>
        %dma_start3A_21 = tpu.memref_squeeze %dma_start3A_20 : memref<1x128xi32, #tpu.memory_space<vmem>> -> memref<128xi32, #tpu.memory_space<vmem>>
        %dma_start3A_22 = arith.constant 0 : i32
        %dma_start3A_23 = arith.constant 0 : i32
        %dma_start3A_24 = tpu.memref_slice %arg2[%dma_start3A_22, %dma_start3A_23] : memref<10240x128xf32, #tpu.memory_space<hbm>> -> memref<10240x128xf32, #tpu.memory_space<hbm>>
        tpu.enqueue_indirect_dma source(%dma_start3A_24 : memref<10240x128xf32, #tpu.memory_space<hbm>>) target(%arg9 : memref<128x128xf32, #tpu.memory_space<vmem>>) offsets(%dma_start3A_21 : memref<128xi32, #tpu.memory_space<vmem>>) semaphore(%run_scoped3A : memref<!tpu.dma_semaphore, #tpu.memory_space<semaphore_mem>>)
        %dma_wait3A = arith.constant 0 : i32
        %dma_wait3A_25 = tpu.memref_slice %arg7[%scan3A_19, %dma_wait3A] : memref<80x128xi32, #tpu.memory_space<vmem>> -> memref<1x128xi32, #tpu.memory_space<vmem>>
        %dma_wait3A_26 = tpu.memref_squeeze %dma_wait3A_25 : memref<1x128xi32, #tpu.memory_space<vmem>> -> memref<128xi32, #tpu.memory_space<vmem>>
        %dma_wait3A_27 = arith.constant 0 : i32
        %dma_wait3A_28 = arith.constant 0 : i32
        %dma_wait3A_29 = tpu.memref_slice %arg2[%dma_wait3A_27, %dma_wait3A_28] : memref<10240x128xf32, #tpu.memory_space<hbm>> -> memref<10240x128xf32, #tpu.memory_space<hbm>>
        tpu.wait_indirect_dma semaphore(%run_scoped3A : memref<!tpu.dma_semaphore, #tpu.memory_space<semaphore_mem>>) src(%dma_wait3A_29 : memref<10240x128xf32, #tpu.memory_space<hbm>>) dst(%arg9 : memref<128x128xf32, #tpu.memory_space<vmem>>)
        tpu.yield
      }) : () -> ()
      "tpu.region"() ({
        %run_scoped3A = tpu.sem_alloc : memref<!tpu.dma_semaphore, #tpu.memory_space<semaphore_mem>>
        %dma_start3A = arith.constant 0 : i32
        %dma_start3A_20 = tpu.memref_slice %arg8[%scan3A_19, %dma_start3A] : memref<80x128xi32, #tpu.memory_space<vmem>> -> memref<1x128xi32, #tpu.memory_space<vmem>>
        %dma_start3A_21 = tpu.memref_squeeze %dma_start3A_20 : memref<1x128xi32, #tpu.memory_space<vmem>> -> memref<128xi32, #tpu.memory_space<vmem>>
        %dma_start3A_22 = arith.constant 0 : i32
        %dma_start3A_23 = arith.constant 0 : i32
        %dma_start3A_24 = tpu.memref_slice %arg10[%dma_start3A_22, %dma_start3A_23] : memref<10240x128xf32, #tpu.memory_space<vmem_shared>> -> memref<10240x128xf32, #tpu.memory_space<vmem_shared>>
        tpu.enqueue_indirect_dma source(%arg9 : memref<128x128xf32, #tpu.memory_space<vmem>>) target(%dma_start3A_24 : memref<10240x128xf32, #tpu.memory_space<vmem_shared>>) offsets(%dma_start3A_21 : memref<128xi32, #tpu.memory_space<vmem>>) semaphore(%run_scoped3A : memref<!tpu.dma_semaphore, #tpu.memory_space<semaphore_mem>>) {add = true}
        %dma_wait3A = arith.constant 0 : i32
        %dma_wait3A_25 = tpu.memref_slice %arg8[%scan3A_19, %dma_wait3A] : memref<80x128xi32, #tpu.memory_space<vmem>> -> memref<1x128xi32, #tpu.memory_space<vmem>>
        %dma_wait3A_26 = tpu.memref_squeeze %dma_wait3A_25 : memref<1x128xi32, #tpu.memory_space<vmem>> -> memref<128xi32, #tpu.memory_space<vmem>>
        %dma_wait3A_27 = arith.constant 0 : i32
        %dma_wait3A_28 = arith.constant 0 : i32
        %dma_wait3A_29 = tpu.memref_slice %arg10[%dma_wait3A_27, %dma_wait3A_28] : memref<10240x128xf32, #tpu.memory_space<vmem_shared>> -> memref<10240x128xf32, #tpu.memory_space<vmem_shared>>
        tpu.wait_indirect_dma semaphore(%run_scoped3A : memref<!tpu.dma_semaphore, #tpu.memory_space<semaphore_mem>>) src(%arg9 : memref<128x128xf32, #tpu.memory_space<vmem>>) dst(%dma_wait3A_29 : memref<10240x128xf32, #tpu.memory_space<vmem_shared>>)
        tpu.yield
      }) : () -> ()
    }
    %scan3A_11 = arith.constant 80 : i32
    %barrier3A_12 = arith.constant 0 : index
    tpu.barrier barrier_id(%barrier3A_12)
    %scan3A_13 = arith.constant 0 : i32
    %scan3A_14 = arith.constant 0 : i32
    %scan3A_15 = arith.constant 5 : i32
    %scan3A_16 = arith.addi %scan3A_14, %scan3A_15 : i32
    %scan3A_17 = arith.constant 1 : i32
    scf.for %scan3A_19 = %scan3A_14 to %scan3A_16 step %scan3A_17  : i32 {
      %mul3A_20 = arith.constant 640 : i32
      %mul3A_21 = arith.muli %arg1, %mul3A_20 : i32
      %mul3A_22 = arith.constant 128 : i32
      %mul3A_23 = arith.muli %scan3A_19, %mul3A_22 : i32
      %add3A_24 = arith.addi %mul3A_21, %mul3A_23 : i32
      "tpu.region"() ({
        %run_scoped3A = tpu.sem_alloc : memref<!tpu.dma_semaphore, #tpu.memory_space<semaphore_mem>>
        %dma_start3A = arith.constant 0 : i32
        %dma_start3A_25 = arith.constant 0 : i32
        %dma_start3A_26 = tpu.memref_slice %arg6[%arg0, %dma_start3A, %dma_start3A_25] : memref<2x10240x128xf32, #tpu.memory_space<hbm>> -> memref<1x10240x128xf32, #tpu.memory_space<hbm>>
        %dma_start3A_27 = tpu.memref_squeeze %dma_start3A_26 : memref<1x10240x128xf32, #tpu.memory_space<hbm>> -> memref<10240x128xf32, #tpu.memory_space<hbm>>
        %dma_start3A_28 = arith.constant 0 : i32
        %dma_start3A_29 = tpu.memref_slice %dma_start3A_27[%add3A_24, %dma_start3A_28] : memref<10240x128xf32, #tpu.memory_space<hbm>> -> memref<128x128xf32, #tpu.memory_space<hbm>>
        %dma_start3A_30 = arith.constant 0 : i32
        %dma_start3A_31 = tpu.memref_slice %arg10[%add3A_24, %dma_start3A_30] : memref<10240x128xf32, #tpu.memory_space<vmem_shared>> -> memref<128x128xf32, #tpu.memory_space<vmem_shared>>
        tpu.enqueue_dma source(%dma_start3A_31 : memref<128x128xf32, #tpu.memory_space<vmem_shared>>) target(%dma_start3A_29 : memref<128x128xf32, #tpu.memory_space<hbm>>) target_semaphore(%run_scoped3A : memref<!tpu.dma_semaphore, #tpu.memory_space<semaphore_mem>>)
        %dma_wait3A = arith.constant 0 : i32
        %dma_wait3A_32 = arith.constant 0 : i32
        %dma_wait3A_33 = tpu.memref_slice %arg6[%arg0, %dma_wait3A, %dma_wait3A_32] : memref<2x10240x128xf32, #tpu.memory_space<hbm>> -> memref<1x10240x128xf32, #tpu.memory_space<hbm>>
        %dma_wait3A_34 = tpu.memref_squeeze %dma_wait3A_33 : memref<1x10240x128xf32, #tpu.memory_space<hbm>> -> memref<10240x128xf32, #tpu.memory_space<hbm>>
        %dma_wait3A_35 = arith.constant 0 : i32
        %dma_wait3A_36 = tpu.memref_slice %dma_wait3A_34[%add3A_24, %dma_wait3A_35] : memref<10240x128xf32, #tpu.memory_space<hbm>> -> memref<128x128xf32, #tpu.memory_space<hbm>>
        %dma_wait3A_37 = arith.constant 0 : i32
        %dma_wait3A_38 = tpu.memref_slice %arg10[%add3A_24, %dma_wait3A_37] : memref<10240x128xf32, #tpu.memory_space<vmem_shared>> -> memref<128x128xf32, #tpu.memory_space<vmem_shared>>
        tpu.wait_dma2 semaphore(%run_scoped3A : memref<!tpu.dma_semaphore, #tpu.memory_space<semaphore_mem>>) src(%dma_wait3A_38 : memref<128x128xf32, #tpu.memory_space<vmem_shared>>) dst(%dma_wait3A_36 : memref<128x128xf32, #tpu.memory_space<hbm>>)
        tpu.yield
      }) : () -> ()
    }
    %scan3A_18 = arith.constant 5 : i32
    return
  }
}

#map = affine_map<(d0, d1) -> (0, 0)>
#map1 = affine_map<(d0, d1) -> (0, 0, 0)>
module attributes {stable_mosaic.version = 14 : i64} {
  func.func @_sc_propagate(%arg0: i32, %arg1: i32, %arg2: memref<10240x128xf32, #tpu.memory_space<hbm>>, %arg3: memref<32x80x128xi32, #tpu.memory_space<hbm>>, %arg4: memref<32x80x128xi32, #tpu.memory_space<hbm>>, %arg5: memref<128x128xf32, #tpu.memory_space<hbm>>, %arg6: memref<2x10240x128xf32, #tpu.memory_space<hbm>>, %arg7: memref<80x128xi32, #tpu.memory_space<vmem>>, %arg8: memref<80x128xi32, #tpu.memory_space<vmem>>, %arg9: memref<128x128xf32, #tpu.memory_space<vmem>>, %arg10: memref<10240x128xf32, #tpu.memory_space<vmem_shared>>) attributes {dimension_semantics = [#tpu.dimension_semantics<core_parallel>, #tpu.dimension_semantics<subcore_parallel>], iteration_bounds = array<i64: 2, 16>, scalar_prefetch = 0 : i64, scratch_operands = 4 : i64, tpu.core_type = #tpu.core_type<sc_vector_subcore>, window_params = [{transform_indices = #map}, {transform_indices = #map1}, {transform_indices = #map1}, {transform_indices = #map}, {transform_indices = #map1}]} {
    %mul3A = arith.constant 2 : i32
    %mul3A_0 = arith.muli %arg1, %mul3A : i32
    %add3A = arith.addi %mul3A_0, %arg0 : i32
    "tpu.region"() ({
      %run_scoped3A = tpu.sem_alloc : memref<!tpu.dma_semaphore, #tpu.memory_space<semaphore_mem>>
      %dma_start3A = arith.constant 0 : i32
      %dma_start3A_19 = arith.constant 0 : i32
      %dma_start3A_20 = tpu.memref_slice %arg3[%add3A, %dma_start3A, %dma_start3A_19] : memref<32x80x128xi32, #tpu.memory_space<hbm>> -> memref<1x80x128xi32, #tpu.memory_space<hbm>>
      %dma_start3A_21 = tpu.memref_squeeze %dma_start3A_20 : memref<1x80x128xi32, #tpu.memory_space<hbm>> -> memref<80x128xi32, #tpu.memory_space<hbm>>
      %dma_start3A_22 = arith.constant 0 : i32
      %dma_start3A_23 = arith.constant 0 : i32
      %dma_start3A_24 = tpu.memref_slice %arg3[%add3A, %dma_start3A_22, %dma_start3A_23] : memref<32x80x128xi32, #tpu.memory_space<hbm>> -> memref<1x80x128xi32, #tpu.memory_space<hbm>>
      %dma_start3A_25 = tpu.memref_squeeze %dma_start3A_24 : memref<1x80x128xi32, #tpu.memory_space<hbm>> -> memref<80x128xi32, #tpu.memory_space<hbm>>
      tpu.enqueue_dma source(%dma_start3A_25 : memref<80x128xi32, #tpu.memory_space<hbm>>) target(%arg7 : memref<80x128xi32, #tpu.memory_space<vmem>>) target_semaphore(%run_scoped3A : memref<!tpu.dma_semaphore, #tpu.memory_space<semaphore_mem>>)
      %dma_wait3A = arith.constant 0 : i32
      %dma_wait3A_26 = arith.constant 0 : i32
      %dma_wait3A_27 = tpu.memref_slice %arg3[%add3A, %dma_wait3A, %dma_wait3A_26] : memref<32x80x128xi32, #tpu.memory_space<hbm>> -> memref<1x80x128xi32, #tpu.memory_space<hbm>>
      %dma_wait3A_28 = tpu.memref_squeeze %dma_wait3A_27 : memref<1x80x128xi32, #tpu.memory_space<hbm>> -> memref<80x128xi32, #tpu.memory_space<hbm>>
      %dma_wait3A_29 = arith.constant 0 : i32
      %dma_wait3A_30 = arith.constant 0 : i32
      %dma_wait3A_31 = tpu.memref_slice %arg3[%add3A, %dma_wait3A_29, %dma_wait3A_30] : memref<32x80x128xi32, #tpu.memory_space<hbm>> -> memref<1x80x128xi32, #tpu.memory_space<hbm>>
      %dma_wait3A_32 = tpu.memref_squeeze %dma_wait3A_31 : memref<1x80x128xi32, #tpu.memory_space<hbm>> -> memref<80x128xi32, #tpu.memory_space<hbm>>
      tpu.wait_dma2 semaphore(%run_scoped3A : memref<!tpu.dma_semaphore, #tpu.memory_space<semaphore_mem>>) src(%dma_wait3A_32 : memref<80x128xi32, #tpu.memory_space<hbm>>) dst(%arg7 : memref<80x128xi32, #tpu.memory_space<vmem>>)
      tpu.yield
    }) : () -> ()
    "tpu.region"() ({
      %run_scoped3A = tpu.sem_alloc : memref<!tpu.dma_semaphore, #tpu.memory_space<semaphore_mem>>
      %dma_start3A = arith.constant 0 : i32
      %dma_start3A_19 = arith.constant 0 : i32
      %dma_start3A_20 = tpu.memref_slice %arg4[%add3A, %dma_start3A, %dma_start3A_19] : memref<32x80x128xi32, #tpu.memory_space<hbm>> -> memref<1x80x128xi32, #tpu.memory_space<hbm>>
      %dma_start3A_21 = tpu.memref_squeeze %dma_start3A_20 : memref<1x80x128xi32, #tpu.memory_space<hbm>> -> memref<80x128xi32, #tpu.memory_space<hbm>>
      %dma_start3A_22 = arith.constant 0 : i32
      %dma_start3A_23 = arith.constant 0 : i32
      %dma_start3A_24 = tpu.memref_slice %arg4[%add3A, %dma_start3A_22, %dma_start3A_23] : memref<32x80x128xi32, #tpu.memory_space<hbm>> -> memref<1x80x128xi32, #tpu.memory_space<hbm>>
      %dma_start3A_25 = tpu.memref_squeeze %dma_start3A_24 : memref<1x80x128xi32, #tpu.memory_space<hbm>> -> memref<80x128xi32, #tpu.memory_space<hbm>>
      tpu.enqueue_dma source(%dma_start3A_25 : memref<80x128xi32, #tpu.memory_space<hbm>>) target(%arg8 : memref<80x128xi32, #tpu.memory_space<vmem>>) target_semaphore(%run_scoped3A : memref<!tpu.dma_semaphore, #tpu.memory_space<semaphore_mem>>)
      %dma_wait3A = arith.constant 0 : i32
      %dma_wait3A_26 = arith.constant 0 : i32
      %dma_wait3A_27 = tpu.memref_slice %arg4[%add3A, %dma_wait3A, %dma_wait3A_26] : memref<32x80x128xi32, #tpu.memory_space<hbm>> -> memref<1x80x128xi32, #tpu.memory_space<hbm>>
      %dma_wait3A_28 = tpu.memref_squeeze %dma_wait3A_27 : memref<1x80x128xi32, #tpu.memory_space<hbm>> -> memref<80x128xi32, #tpu.memory_space<hbm>>
      %dma_wait3A_29 = arith.constant 0 : i32
      %dma_wait3A_30 = arith.constant 0 : i32
      %dma_wait3A_31 = tpu.memref_slice %arg4[%add3A, %dma_wait3A_29, %dma_wait3A_30] : memref<32x80x128xi32, #tpu.memory_space<hbm>> -> memref<1x80x128xi32, #tpu.memory_space<hbm>>
      %dma_wait3A_32 = tpu.memref_squeeze %dma_wait3A_31 : memref<1x80x128xi32, #tpu.memory_space<hbm>> -> memref<80x128xi32, #tpu.memory_space<hbm>>
      tpu.wait_dma2 semaphore(%run_scoped3A : memref<!tpu.dma_semaphore, #tpu.memory_space<semaphore_mem>>) src(%dma_wait3A_32 : memref<80x128xi32, #tpu.memory_space<hbm>>) dst(%arg8 : memref<80x128xi32, #tpu.memory_space<vmem>>)
      tpu.yield
    }) : () -> ()
    "tpu.region"() ({
      %run_scoped3A = tpu.sem_alloc : memref<!tpu.dma_semaphore, #tpu.memory_space<semaphore_mem>>
      tpu.enqueue_dma source(%arg5 : memref<128x128xf32, #tpu.memory_space<hbm>>) target(%arg9 : memref<128x128xf32, #tpu.memory_space<vmem>>) target_semaphore(%run_scoped3A : memref<!tpu.dma_semaphore, #tpu.memory_space<semaphore_mem>>)
      tpu.wait_dma2 semaphore(%run_scoped3A : memref<!tpu.dma_semaphore, #tpu.memory_space<semaphore_mem>>) src(%arg5 : memref<128x128xf32, #tpu.memory_space<hbm>>) dst(%arg9 : memref<128x128xf32, #tpu.memory_space<vmem>>)
      tpu.yield
    }) : () -> ()
    %scan3A = arith.constant 0 : i32
    %scan3A_1 = arith.constant 0 : i32
    %scan3A_2 = arith.constant 5 : i32
    %scan3A_3 = arith.addi %scan3A_1, %scan3A_2 : i32
    %scan3A_4 = arith.constant 1 : i32
    scf.for %scan3A_19 = %scan3A_1 to %scan3A_3 step %scan3A_4  : i32 {
      %mul3A_20 = arith.constant 640 : i32
      %mul3A_21 = arith.muli %arg1, %mul3A_20 : i32
      %mul3A_22 = arith.constant 128 : i32
      %mul3A_23 = arith.muli %scan3A_19, %mul3A_22 : i32
      %add3A_24 = arith.addi %mul3A_21, %mul3A_23 : i32
      "tpu.region"() ({
        %run_scoped3A = tpu.sem_alloc : memref<!tpu.dma_semaphore, #tpu.memory_space<semaphore_mem>>
        %dma_start3A = arith.constant 0 : i32
        %dma_start3A_25 = tpu.memref_slice %arg10[%add3A_24, %dma_start3A] : memref<10240x128xf32, #tpu.memory_space<vmem_shared>> -> memref<128x128xf32, #tpu.memory_space<vmem_shared>>
        %dma_start3A_26 = arith.constant 0 : i32
        %dma_start3A_27 = tpu.memref_slice %arg10[%add3A_24, %dma_start3A_26] : memref<10240x128xf32, #tpu.memory_space<vmem_shared>> -> memref<128x128xf32, #tpu.memory_space<vmem_shared>>
        tpu.enqueue_dma source(%arg9 : memref<128x128xf32, #tpu.memory_space<vmem>>) target(%dma_start3A_27 : memref<128x128xf32, #tpu.memory_space<vmem_shared>>) target_semaphore(%run_scoped3A : memref<!tpu.dma_semaphore, #tpu.memory_space<semaphore_mem>>)
        %dma_wait3A = arith.constant 0 : i32
        %dma_wait3A_28 = tpu.memref_slice %arg10[%add3A_24, %dma_wait3A] : memref<10240x128xf32, #tpu.memory_space<vmem_shared>> -> memref<128x128xf32, #tpu.memory_space<vmem_shared>>
        %dma_wait3A_29 = arith.constant 0 : i32
        %dma_wait3A_30 = tpu.memref_slice %arg10[%add3A_24, %dma_wait3A_29] : memref<10240x128xf32, #tpu.memory_space<vmem_shared>> -> memref<128x128xf32, #tpu.memory_space<vmem_shared>>
        tpu.wait_dma2 semaphore(%run_scoped3A : memref<!tpu.dma_semaphore, #tpu.memory_space<semaphore_mem>>) src(%arg9 : memref<128x128xf32, #tpu.memory_space<vmem>>) dst(%dma_wait3A_30 : memref<128x128xf32, #tpu.memory_space<vmem_shared>>)
        tpu.yield
      }) : () -> ()
    }
    %scan3A_5 = arith.constant 5 : i32
    %barrier3A = arith.constant 0 : index
    tpu.barrier barrier_id(%barrier3A)
    %scan3A_6 = arith.constant 0 : i32
    %scan3A_7 = arith.constant 0 : i32
    %scan3A_8 = arith.constant 80 : i32
    %scan3A_9 = arith.addi %scan3A_7, %scan3A_8 : i32
    %scan3A_10 = arith.constant 1 : i32
    scf.for %scan3A_19 = %scan3A_7 to %scan3A_9 step %scan3A_10  : i32 {
      "tpu.region"() ({
        %run_scoped3A = tpu.sem_alloc : memref<!tpu.dma_semaphore, #tpu.memory_space<semaphore_mem>>
        %dma_start3A = arith.constant 0 : i32
        %dma_start3A_20 = tpu.memref_slice %arg7[%scan3A_19, %dma_start3A] : memref<80x128xi32, #tpu.memory_space<vmem>> -> memref<1x128xi32, #tpu.memory_space<vmem>>
        %dma_start3A_21 = tpu.memref_squeeze %dma_start3A_20 : memref<1x128xi32, #tpu.memory_space<vmem>> -> memref<128xi32, #tpu.memory_space<vmem>>
        %dma_start3A_22 = arith.constant 0 : i32
        %dma_start3A_23 = arith.constant 0 : i32
        %dma_start3A_24 = tpu.memref_slice %arg2[%dma_start3A_22, %dma_start3A_23] : memref<10240x128xf32, #tpu.memory_space<hbm>> -> memref<10240x128xf32, #tpu.memory_space<hbm>>
        tpu.enqueue_indirect_dma source(%dma_start3A_24 : memref<10240x128xf32, #tpu.memory_space<hbm>>) target(%arg9 : memref<128x128xf32, #tpu.memory_space<vmem>>) offsets(%dma_start3A_21 : memref<128xi32, #tpu.memory_space<vmem>>) semaphore(%run_scoped3A : memref<!tpu.dma_semaphore, #tpu.memory_space<semaphore_mem>>)
        %dma_wait3A = arith.constant 0 : i32
        %dma_wait3A_25 = tpu.memref_slice %arg7[%scan3A_19, %dma_wait3A] : memref<80x128xi32, #tpu.memory_space<vmem>> -> memref<1x128xi32, #tpu.memory_space<vmem>>
        %dma_wait3A_26 = tpu.memref_squeeze %dma_wait3A_25 : memref<1x128xi32, #tpu.memory_space<vmem>> -> memref<128xi32, #tpu.memory_space<vmem>>
        %dma_wait3A_27 = arith.constant 0 : i32
        %dma_wait3A_28 = arith.constant 0 : i32
        %dma_wait3A_29 = tpu.memref_slice %arg2[%dma_wait3A_27, %dma_wait3A_28] : memref<10240x128xf32, #tpu.memory_space<hbm>> -> memref<10240x128xf32, #tpu.memory_space<hbm>>
        tpu.wait_indirect_dma semaphore(%run_scoped3A : memref<!tpu.dma_semaphore, #tpu.memory_space<semaphore_mem>>) src(%dma_wait3A_29 : memref<10240x128xf32, #tpu.memory_space<hbm>>) dst(%arg9 : memref<128x128xf32, #tpu.memory_space<vmem>>)
        tpu.yield
      }) : () -> ()
      "tpu.region"() ({
        %run_scoped3A = tpu.sem_alloc : memref<!tpu.dma_semaphore, #tpu.memory_space<semaphore_mem>>
        %dma_start3A = arith.constant 0 : i32
        %dma_start3A_20 = tpu.memref_slice %arg8[%scan3A_19, %dma_start3A] : memref<80x128xi32, #tpu.memory_space<vmem>> -> memref<1x128xi32, #tpu.memory_space<vmem>>
        %dma_start3A_21 = tpu.memref_squeeze %dma_start3A_20 : memref<1x128xi32, #tpu.memory_space<vmem>> -> memref<128xi32, #tpu.memory_space<vmem>>
        %dma_start3A_22 = arith.constant 0 : i32
        %dma_start3A_23 = arith.constant 0 : i32
        %dma_start3A_24 = tpu.memref_slice %arg10[%dma_start3A_22, %dma_start3A_23] : memref<10240x128xf32, #tpu.memory_space<vmem_shared>> -> memref<10240x128xf32, #tpu.memory_space<vmem_shared>>
        tpu.enqueue_indirect_dma source(%arg9 : memref<128x128xf32, #tpu.memory_space<vmem>>) target(%dma_start3A_24 : memref<10240x128xf32, #tpu.memory_space<vmem_shared>>) offsets(%dma_start3A_21 : memref<128xi32, #tpu.memory_space<vmem>>) semaphore(%run_scoped3A : memref<!tpu.dma_semaphore, #tpu.memory_space<semaphore_mem>>) {add = true}
        %dma_wait3A = arith.constant 0 : i32
        %dma_wait3A_25 = tpu.memref_slice %arg8[%scan3A_19, %dma_wait3A] : memref<80x128xi32, #tpu.memory_space<vmem>> -> memref<1x128xi32, #tpu.memory_space<vmem>>
        %dma_wait3A_26 = tpu.memref_squeeze %dma_wait3A_25 : memref<1x128xi32, #tpu.memory_space<vmem>> -> memref<128xi32, #tpu.memory_space<vmem>>
        %dma_wait3A_27 = arith.constant 0 : i32
        %dma_wait3A_28 = arith.constant 0 : i32
        %dma_wait3A_29 = tpu.memref_slice %arg10[%dma_wait3A_27, %dma_wait3A_28] : memref<10240x128xf32, #tpu.memory_space<vmem_shared>> -> memref<10240x128xf32, #tpu.memory_space<vmem_shared>>
        tpu.wait_indirect_dma semaphore(%run_scoped3A : memref<!tpu.dma_semaphore, #tpu.memory_space<semaphore_mem>>) src(%arg9 : memref<128x128xf32, #tpu.memory_space<vmem>>) dst(%dma_wait3A_29 : memref<10240x128xf32, #tpu.memory_space<vmem_shared>>)
        tpu.yield
      }) : () -> ()
    }
    %scan3A_11 = arith.constant 80 : i32
    %barrier3A_12 = arith.constant 0 : index
    tpu.barrier barrier_id(%barrier3A_12)
    %scan3A_13 = arith.constant 0 : i32
    %scan3A_14 = arith.constant 0 : i32
    %scan3A_15 = arith.constant 5 : i32
    %scan3A_16 = arith.addi %scan3A_14, %scan3A_15 : i32
    %scan3A_17 = arith.constant 1 : i32
    scf.for %scan3A_19 = %scan3A_14 to %scan3A_16 step %scan3A_17  : i32 {
      %mul3A_20 = arith.constant 640 : i32
      %mul3A_21 = arith.muli %arg1, %mul3A_20 : i32
      %mul3A_22 = arith.constant 128 : i32
      %mul3A_23 = arith.muli %scan3A_19, %mul3A_22 : i32
      %add3A_24 = arith.addi %mul3A_21, %mul3A_23 : i32
      "tpu.region"() ({
        %run_scoped3A = tpu.sem_alloc : memref<!tpu.dma_semaphore, #tpu.memory_space<semaphore_mem>>
        %dma_start3A = arith.constant 0 : i32
        %dma_start3A_25 = arith.constant 0 : i32
        %dma_start3A_26 = tpu.memref_slice %arg6[%arg0, %dma_start3A, %dma_start3A_25] : memref<2x10240x128xf32, #tpu.memory_space<hbm>> -> memref<1x10240x128xf32, #tpu.memory_space<hbm>>
        %dma_start3A_27 = tpu.memref_squeeze %dma_start3A_26 : memref<1x10240x128xf32, #tpu.memory_space<hbm>> -> memref<10240x128xf32, #tpu.memory_space<hbm>>
        %dma_start3A_28 = arith.constant 0 : i32
        %dma_start3A_29 = tpu.memref_slice %dma_start3A_27[%add3A_24, %dma_start3A_28] : memref<10240x128xf32, #tpu.memory_space<hbm>> -> memref<128x128xf32, #tpu.memory_space<hbm>>
        %dma_start3A_30 = arith.constant 0 : i32
        %dma_start3A_31 = tpu.memref_slice %arg10[%add3A_24, %dma_start3A_30] : memref<10240x128xf32, #tpu.memory_space<vmem_shared>> -> memref<128x128xf32, #tpu.memory_space<vmem_shared>>
        tpu.enqueue_dma source(%dma_start3A_31 : memref<128x128xf32, #tpu.memory_space<vmem_shared>>) target(%dma_start3A_29 : memref<128x128xf32, #tpu.memory_space<hbm>>) target_semaphore(%run_scoped3A : memref<!tpu.dma_semaphore, #tpu.memory_space<semaphore_mem>>)
        %dma_wait3A = arith.constant 0 : i32
        %dma_wait3A_32 = arith.constant 0 : i32
        %dma_wait3A_33 = tpu.memref_slice %arg6[%arg0, %dma_wait3A, %dma_wait3A_32] : memref<2x10240x128xf32, #tpu.memory_space<hbm>> -> memref<1x10240x128xf32, #tpu.memory_space<hbm>>
        %dma_wait3A_34 = tpu.memref_squeeze %dma_wait3A_33 : memref<1x10240x128xf32, #tpu.memory_space<hbm>> -> memref<10240x128xf32, #tpu.memory_space<hbm>>
        %dma_wait3A_35 = arith.constant 0 : i32
        %dma_wait3A_36 = tpu.memref_slice %dma_wait3A_34[%add3A_24, %dma_wait3A_35] : memref<10240x128xf32, #tpu.memory_space<hbm>> -> memref<128x128xf32, #tpu.memory_space<hbm>>
        %dma_wait3A_37 = arith.constant 0 : i32
        %dma_wait3A_38 = tpu.memref_slice %arg10[%add3A_24, %dma_wait3A_37] : memref<10240x128xf32, #tpu.memory_space<vmem_shared>> -> memref<128x128xf32, #tpu.memory_space<vmem_shared>>
        tpu.wait_dma2 semaphore(%run_scoped3A : memref<!tpu.dma_semaphore, #tpu.memory_space<semaphore_mem>>) src(%dma_wait3A_38 : memref<128x128xf32, #tpu.memory_space<vmem_shared>>) dst(%dma_wait3A_36 : memref<128x128xf32, #tpu.memory_space<hbm>>)
        tpu.yield
      }) : () -> ()
    }
    %scan3A_18 = arith.constant 5 : i32
    return
  }
}

#map = affine_map<(d0, d1) -> (0, 0)>
#map1 = affine_map<(d0, d1) -> (0, 0, 0)>
module attributes {stable_mosaic.version = 14 : i64} {
  func.func @_sc_propagate(%arg0: i32, %arg1: i32, %arg2: memref<10240x128xf32, #tpu.memory_space<hbm>>, %arg3: memref<32x80x128xi32, #tpu.memory_space<hbm>>, %arg4: memref<32x80x128xi32, #tpu.memory_space<hbm>>, %arg5: memref<128x128xf32, #tpu.memory_space<hbm>>, %arg6: memref<2x10240x128xf32, #tpu.memory_space<hbm>>, %arg7: memref<80x128xi32, #tpu.memory_space<vmem>>, %arg8: memref<80x128xi32, #tpu.memory_space<vmem>>, %arg9: memref<128x128xf32, #tpu.memory_space<vmem>>, %arg10: memref<10240x128xf32, #tpu.memory_space<vmem_shared>>) attributes {dimension_semantics = [#tpu.dimension_semantics<core_parallel>, #tpu.dimension_semantics<subcore_parallel>], iteration_bounds = array<i64: 2, 16>, scalar_prefetch = 0 : i64, scratch_operands = 4 : i64, tpu.core_type = #tpu.core_type<sc_vector_subcore>, window_params = [{transform_indices = #map}, {transform_indices = #map1}, {transform_indices = #map1}, {transform_indices = #map}, {transform_indices = #map1}]} {
    %mul3A = arith.constant 2 : i32
    %mul3A_0 = arith.muli %arg1, %mul3A : i32
    %add3A = arith.addi %mul3A_0, %arg0 : i32
    "tpu.region"() ({
      %run_scoped3A = tpu.sem_alloc : memref<!tpu.dma_semaphore, #tpu.memory_space<semaphore_mem>>
      %dma_start3A = arith.constant 0 : i32
      %dma_start3A_19 = arith.constant 0 : i32
      %dma_start3A_20 = tpu.memref_slice %arg3[%add3A, %dma_start3A, %dma_start3A_19] : memref<32x80x128xi32, #tpu.memory_space<hbm>> -> memref<1x80x128xi32, #tpu.memory_space<hbm>>
      %dma_start3A_21 = tpu.memref_squeeze %dma_start3A_20 : memref<1x80x128xi32, #tpu.memory_space<hbm>> -> memref<80x128xi32, #tpu.memory_space<hbm>>
      %dma_start3A_22 = arith.constant 0 : i32
      %dma_start3A_23 = arith.constant 0 : i32
      %dma_start3A_24 = tpu.memref_slice %arg3[%add3A, %dma_start3A_22, %dma_start3A_23] : memref<32x80x128xi32, #tpu.memory_space<hbm>> -> memref<1x80x128xi32, #tpu.memory_space<hbm>>
      %dma_start3A_25 = tpu.memref_squeeze %dma_start3A_24 : memref<1x80x128xi32, #tpu.memory_space<hbm>> -> memref<80x128xi32, #tpu.memory_space<hbm>>
      tpu.enqueue_dma source(%dma_start3A_25 : memref<80x128xi32, #tpu.memory_space<hbm>>) target(%arg7 : memref<80x128xi32, #tpu.memory_space<vmem>>) target_semaphore(%run_scoped3A : memref<!tpu.dma_semaphore, #tpu.memory_space<semaphore_mem>>)
      %dma_wait3A = arith.constant 0 : i32
      %dma_wait3A_26 = arith.constant 0 : i32
      %dma_wait3A_27 = tpu.memref_slice %arg3[%add3A, %dma_wait3A, %dma_wait3A_26] : memref<32x80x128xi32, #tpu.memory_space<hbm>> -> memref<1x80x128xi32, #tpu.memory_space<hbm>>
      %dma_wait3A_28 = tpu.memref_squeeze %dma_wait3A_27 : memref<1x80x128xi32, #tpu.memory_space<hbm>> -> memref<80x128xi32, #tpu.memory_space<hbm>>
      %dma_wait3A_29 = arith.constant 0 : i32
      %dma_wait3A_30 = arith.constant 0 : i32
      %dma_wait3A_31 = tpu.memref_slice %arg3[%add3A, %dma_wait3A_29, %dma_wait3A_30] : memref<32x80x128xi32, #tpu.memory_space<hbm>> -> memref<1x80x128xi32, #tpu.memory_space<hbm>>
      %dma_wait3A_32 = tpu.memref_squeeze %dma_wait3A_31 : memref<1x80x128xi32, #tpu.memory_space<hbm>> -> memref<80x128xi32, #tpu.memory_space<hbm>>
      tpu.wait_dma2 semaphore(%run_scoped3A : memref<!tpu.dma_semaphore, #tpu.memory_space<semaphore_mem>>) src(%dma_wait3A_32 : memref<80x128xi32, #tpu.memory_space<hbm>>) dst(%arg7 : memref<80x128xi32, #tpu.memory_space<vmem>>)
      tpu.yield
    }) : () -> ()
    "tpu.region"() ({
      %run_scoped3A = tpu.sem_alloc : memref<!tpu.dma_semaphore, #tpu.memory_space<semaphore_mem>>
      %dma_start3A = arith.constant 0 : i32
      %dma_start3A_19 = arith.constant 0 : i32
      %dma_start3A_20 = tpu.memref_slice %arg4[%add3A, %dma_start3A, %dma_start3A_19] : memref<32x80x128xi32, #tpu.memory_space<hbm>> -> memref<1x80x128xi32, #tpu.memory_space<hbm>>
      %dma_start3A_21 = tpu.memref_squeeze %dma_start3A_20 : memref<1x80x128xi32, #tpu.memory_space<hbm>> -> memref<80x128xi32, #tpu.memory_space<hbm>>
      %dma_start3A_22 = arith.constant 0 : i32
      %dma_start3A_23 = arith.constant 0 : i32
      %dma_start3A_24 = tpu.memref_slice %arg4[%add3A, %dma_start3A_22, %dma_start3A_23] : memref<32x80x128xi32, #tpu.memory_space<hbm>> -> memref<1x80x128xi32, #tpu.memory_space<hbm>>
      %dma_start3A_25 = tpu.memref_squeeze %dma_start3A_24 : memref<1x80x128xi32, #tpu.memory_space<hbm>> -> memref<80x128xi32, #tpu.memory_space<hbm>>
      tpu.enqueue_dma source(%dma_start3A_25 : memref<80x128xi32, #tpu.memory_space<hbm>>) target(%arg8 : memref<80x128xi32, #tpu.memory_space<vmem>>) target_semaphore(%run_scoped3A : memref<!tpu.dma_semaphore, #tpu.memory_space<semaphore_mem>>)
      %dma_wait3A = arith.constant 0 : i32
      %dma_wait3A_26 = arith.constant 0 : i32
      %dma_wait3A_27 = tpu.memref_slice %arg4[%add3A, %dma_wait3A, %dma_wait3A_26] : memref<32x80x128xi32, #tpu.memory_space<hbm>> -> memref<1x80x128xi32, #tpu.memory_space<hbm>>
      %dma_wait3A_28 = tpu.memref_squeeze %dma_wait3A_27 : memref<1x80x128xi32, #tpu.memory_space<hbm>> -> memref<80x128xi32, #tpu.memory_space<hbm>>
      %dma_wait3A_29 = arith.constant 0 : i32
      %dma_wait3A_30 = arith.constant 0 : i32
      %dma_wait3A_31 = tpu.memref_slice %arg4[%add3A, %dma_wait3A_29, %dma_wait3A_30] : memref<32x80x128xi32, #tpu.memory_space<hbm>> -> memref<1x80x128xi32, #tpu.memory_space<hbm>>
      %dma_wait3A_32 = tpu.memref_squeeze %dma_wait3A_31 : memref<1x80x128xi32, #tpu.memory_space<hbm>> -> memref<80x128xi32, #tpu.memory_space<hbm>>
      tpu.wait_dma2 semaphore(%run_scoped3A : memref<!tpu.dma_semaphore, #tpu.memory_space<semaphore_mem>>) src(%dma_wait3A_32 : memref<80x128xi32, #tpu.memory_space<hbm>>) dst(%arg8 : memref<80x128xi32, #tpu.memory_space<vmem>>)
      tpu.yield
    }) : () -> ()
    "tpu.region"() ({
      %run_scoped3A = tpu.sem_alloc : memref<!tpu.dma_semaphore, #tpu.memory_space<semaphore_mem>>
      tpu.enqueue_dma source(%arg5 : memref<128x128xf32, #tpu.memory_space<hbm>>) target(%arg9 : memref<128x128xf32, #tpu.memory_space<vmem>>) target_semaphore(%run_scoped3A : memref<!tpu.dma_semaphore, #tpu.memory_space<semaphore_mem>>)
      tpu.wait_dma2 semaphore(%run_scoped3A : memref<!tpu.dma_semaphore, #tpu.memory_space<semaphore_mem>>) src(%arg5 : memref<128x128xf32, #tpu.memory_space<hbm>>) dst(%arg9 : memref<128x128xf32, #tpu.memory_space<vmem>>)
      tpu.yield
    }) : () -> ()
    %scan3A = arith.constant 0 : i32
    %scan3A_1 = arith.constant 0 : i32
    %scan3A_2 = arith.constant 5 : i32
    %scan3A_3 = arith.addi %scan3A_1, %scan3A_2 : i32
    %scan3A_4 = arith.constant 1 : i32
    scf.for %scan3A_19 = %scan3A_1 to %scan3A_3 step %scan3A_4  : i32 {
      %mul3A_20 = arith.constant 640 : i32
      %mul3A_21 = arith.muli %arg1, %mul3A_20 : i32
      %mul3A_22 = arith.constant 128 : i32
      %mul3A_23 = arith.muli %scan3A_19, %mul3A_22 : i32
      %add3A_24 = arith.addi %mul3A_21, %mul3A_23 : i32
      "tpu.region"() ({
        %run_scoped3A = tpu.sem_alloc : memref<!tpu.dma_semaphore, #tpu.memory_space<semaphore_mem>>
        %dma_start3A = arith.constant 0 : i32
        %dma_start3A_25 = tpu.memref_slice %arg10[%add3A_24, %dma_start3A] : memref<10240x128xf32, #tpu.memory_space<vmem_shared>> -> memref<128x128xf32, #tpu.memory_space<vmem_shared>>
        %dma_start3A_26 = arith.constant 0 : i32
        %dma_start3A_27 = tpu.memref_slice %arg10[%add3A_24, %dma_start3A_26] : memref<10240x128xf32, #tpu.memory_space<vmem_shared>> -> memref<128x128xf32, #tpu.memory_space<vmem_shared>>
        tpu.enqueue_dma source(%arg9 : memref<128x128xf32, #tpu.memory_space<vmem>>) target(%dma_start3A_27 : memref<128x128xf32, #tpu.memory_space<vmem_shared>>) target_semaphore(%run_scoped3A : memref<!tpu.dma_semaphore, #tpu.memory_space<semaphore_mem>>)
        %dma_wait3A = arith.constant 0 : i32
        %dma_wait3A_28 = tpu.memref_slice %arg10[%add3A_24, %dma_wait3A] : memref<10240x128xf32, #tpu.memory_space<vmem_shared>> -> memref<128x128xf32, #tpu.memory_space<vmem_shared>>
        %dma_wait3A_29 = arith.constant 0 : i32
        %dma_wait3A_30 = tpu.memref_slice %arg10[%add3A_24, %dma_wait3A_29] : memref<10240x128xf32, #tpu.memory_space<vmem_shared>> -> memref<128x128xf32, #tpu.memory_space<vmem_shared>>
        tpu.wait_dma2 semaphore(%run_scoped3A : memref<!tpu.dma_semaphore, #tpu.memory_space<semaphore_mem>>) src(%arg9 : memref<128x128xf32, #tpu.memory_space<vmem>>) dst(%dma_wait3A_30 : memref<128x128xf32, #tpu.memory_space<vmem_shared>>)
        tpu.yield
      }) : () -> ()
    }
    %scan3A_5 = arith.constant 5 : i32
    %barrier3A = arith.constant 0 : index
    tpu.barrier barrier_id(%barrier3A)
    %scan3A_6 = arith.constant 0 : i32
    %scan3A_7 = arith.constant 0 : i32
    %scan3A_8 = arith.constant 80 : i32
    %scan3A_9 = arith.addi %scan3A_7, %scan3A_8 : i32
    %scan3A_10 = arith.constant 1 : i32
    scf.for %scan3A_19 = %scan3A_7 to %scan3A_9 step %scan3A_10  : i32 {
      "tpu.region"() ({
        %run_scoped3A = tpu.sem_alloc : memref<!tpu.dma_semaphore, #tpu.memory_space<semaphore_mem>>
        %dma_start3A = arith.constant 0 : i32
        %dma_start3A_20 = tpu.memref_slice %arg7[%scan3A_19, %dma_start3A] : memref<80x128xi32, #tpu.memory_space<vmem>> -> memref<1x128xi32, #tpu.memory_space<vmem>>
        %dma_start3A_21 = tpu.memref_squeeze %dma_start3A_20 : memref<1x128xi32, #tpu.memory_space<vmem>> -> memref<128xi32, #tpu.memory_space<vmem>>
        %dma_start3A_22 = arith.constant 0 : i32
        %dma_start3A_23 = arith.constant 0 : i32
        %dma_start3A_24 = tpu.memref_slice %arg2[%dma_start3A_22, %dma_start3A_23] : memref<10240x128xf32, #tpu.memory_space<hbm>> -> memref<10240x128xf32, #tpu.memory_space<hbm>>
        tpu.enqueue_indirect_dma source(%dma_start3A_24 : memref<10240x128xf32, #tpu.memory_space<hbm>>) target(%arg9 : memref<128x128xf32, #tpu.memory_space<vmem>>) offsets(%dma_start3A_21 : memref<128xi32, #tpu.memory_space<vmem>>) semaphore(%run_scoped3A : memref<!tpu.dma_semaphore, #tpu.memory_space<semaphore_mem>>)
        %dma_wait3A = arith.constant 0 : i32
        %dma_wait3A_25 = tpu.memref_slice %arg7[%scan3A_19, %dma_wait3A] : memref<80x128xi32, #tpu.memory_space<vmem>> -> memref<1x128xi32, #tpu.memory_space<vmem>>
        %dma_wait3A_26 = tpu.memref_squeeze %dma_wait3A_25 : memref<1x128xi32, #tpu.memory_space<vmem>> -> memref<128xi32, #tpu.memory_space<vmem>>
        %dma_wait3A_27 = arith.constant 0 : i32
        %dma_wait3A_28 = arith.constant 0 : i32
        %dma_wait3A_29 = tpu.memref_slice %arg2[%dma_wait3A_27, %dma_wait3A_28] : memref<10240x128xf32, #tpu.memory_space<hbm>> -> memref<10240x128xf32, #tpu.memory_space<hbm>>
        tpu.wait_indirect_dma semaphore(%run_scoped3A : memref<!tpu.dma_semaphore, #tpu.memory_space<semaphore_mem>>) src(%dma_wait3A_29 : memref<10240x128xf32, #tpu.memory_space<hbm>>) dst(%arg9 : memref<128x128xf32, #tpu.memory_space<vmem>>)
        tpu.yield
      }) : () -> ()
      "tpu.region"() ({
        %run_scoped3A = tpu.sem_alloc : memref<!tpu.dma_semaphore, #tpu.memory_space<semaphore_mem>>
        %dma_start3A = arith.constant 0 : i32
        %dma_start3A_20 = tpu.memref_slice %arg8[%scan3A_19, %dma_start3A] : memref<80x128xi32, #tpu.memory_space<vmem>> -> memref<1x128xi32, #tpu.memory_space<vmem>>
        %dma_start3A_21 = tpu.memref_squeeze %dma_start3A_20 : memref<1x128xi32, #tpu.memory_space<vmem>> -> memref<128xi32, #tpu.memory_space<vmem>>
        %dma_start3A_22 = arith.constant 0 : i32
        %dma_start3A_23 = arith.constant 0 : i32
        %dma_start3A_24 = tpu.memref_slice %arg10[%dma_start3A_22, %dma_start3A_23] : memref<10240x128xf32, #tpu.memory_space<vmem_shared>> -> memref<10240x128xf32, #tpu.memory_space<vmem_shared>>
        tpu.enqueue_indirect_dma source(%arg9 : memref<128x128xf32, #tpu.memory_space<vmem>>) target(%dma_start3A_24 : memref<10240x128xf32, #tpu.memory_space<vmem_shared>>) offsets(%dma_start3A_21 : memref<128xi32, #tpu.memory_space<vmem>>) semaphore(%run_scoped3A : memref<!tpu.dma_semaphore, #tpu.memory_space<semaphore_mem>>) {add = true}
        %dma_wait3A = arith.constant 0 : i32
        %dma_wait3A_25 = tpu.memref_slice %arg8[%scan3A_19, %dma_wait3A] : memref<80x128xi32, #tpu.memory_space<vmem>> -> memref<1x128xi32, #tpu.memory_space<vmem>>
        %dma_wait3A_26 = tpu.memref_squeeze %dma_wait3A_25 : memref<1x128xi32, #tpu.memory_space<vmem>> -> memref<128xi32, #tpu.memory_space<vmem>>
        %dma_wait3A_27 = arith.constant 0 : i32
        %dma_wait3A_28 = arith.constant 0 : i32
        %dma_wait3A_29 = tpu.memref_slice %arg10[%dma_wait3A_27, %dma_wait3A_28] : memref<10240x128xf32, #tpu.memory_space<vmem_shared>> -> memref<10240x128xf32, #tpu.memory_space<vmem_shared>>
        tpu.wait_indirect_dma semaphore(%run_scoped3A : memref<!tpu.dma_semaphore, #tpu.memory_space<semaphore_mem>>) src(%arg9 : memref<128x128xf32, #tpu.memory_space<vmem>>) dst(%dma_wait3A_29 : memref<10240x128xf32, #tpu.memory_space<vmem_shared>>)
        tpu.yield
      }) : () -> ()
    }
    %scan3A_11 = arith.constant 80 : i32
    %barrier3A_12 = arith.constant 0 : index
    tpu.barrier barrier_id(%barrier3A_12)
    %scan3A_13 = arith.constant 0 : i32
    %scan3A_14 = arith.constant 0 : i32
    %scan3A_15 = arith.constant 5 : i32
    %scan3A_16 = arith.addi %scan3A_14, %scan3A_15 : i32
    %scan3A_17 = arith.constant 1 : i32
    scf.for %scan3A_19 = %scan3A_14 to %scan3A_16 step %scan3A_17  : i32 {
      %mul3A_20 = arith.constant 640 : i32
      %mul3A_21 = arith.muli %arg1, %mul3A_20 : i32
      %mul3A_22 = arith.constant 128 : i32
      %mul3A_23 = arith.muli %scan3A_19, %mul3A_22 : i32
      %add3A_24 = arith.addi %mul3A_21, %mul3A_23 : i32
      "tpu.region"() ({
        %run_scoped3A = tpu.sem_alloc : memref<!tpu.dma_semaphore, #tpu.memory_space<semaphore_mem>>
        %dma_start3A = arith.constant 0 : i32
        %dma_start3A_25 = arith.constant 0 : i32
        %dma_start3A_26 = tpu.memref_slice %arg6[%arg0, %dma_start3A, %dma_start3A_25] : memref<2x10240x128xf32, #tpu.memory_space<hbm>> -> memref<1x10240x128xf32, #tpu.memory_space<hbm>>
        %dma_start3A_27 = tpu.memref_squeeze %dma_start3A_26 : memref<1x10240x128xf32, #tpu.memory_space<hbm>> -> memref<10240x128xf32, #tpu.memory_space<hbm>>
        %dma_start3A_28 = arith.constant 0 : i32
        %dma_start3A_29 = tpu.memref_slice %dma_start3A_27[%add3A_24, %dma_start3A_28] : memref<10240x128xf32, #tpu.memory_space<hbm>> -> memref<128x128xf32, #tpu.memory_space<hbm>>
        %dma_start3A_30 = arith.constant 0 : i32
        %dma_start3A_31 = tpu.memref_slice %arg10[%add3A_24, %dma_start3A_30] : memref<10240x128xf32, #tpu.memory_space<vmem_shared>> -> memref<128x128xf32, #tpu.memory_space<vmem_shared>>
        tpu.enqueue_dma source(%dma_start3A_31 : memref<128x128xf32, #tpu.memory_space<vmem_shared>>) target(%dma_start3A_29 : memref<128x128xf32, #tpu.memory_space<hbm>>) target_semaphore(%run_scoped3A : memref<!tpu.dma_semaphore, #tpu.memory_space<semaphore_mem>>)
        %dma_wait3A = arith.constant 0 : i32
        %dma_wait3A_32 = arith.constant 0 : i32
        %dma_wait3A_33 = tpu.memref_slice %arg6[%arg0, %dma_wait3A, %dma_wait3A_32] : memref<2x10240x128xf32, #tpu.memory_space<hbm>> -> memref<1x10240x128xf32, #tpu.memory_space<hbm>>
        %dma_wait3A_34 = tpu.memref_squeeze %dma_wait3A_33 : memref<1x10240x128xf32, #tpu.memory_space<hbm>> -> memref<10240x128xf32, #tpu.memory_space<hbm>>
        %dma_wait3A_35 = arith.constant 0 : i32
        %dma_wait3A_36 = tpu.memref_slice %dma_wait3A_34[%add3A_24, %dma_wait3A_35] : memref<10240x128xf32, #tpu.memory_space<hbm>> -> memref<128x128xf32, #tpu.memory_space<hbm>>
        %dma_wait3A_37 = arith.constant 0 : i32
        %dma_wait3A_38 = tpu.memref_slice %arg10[%add3A_24, %dma_wait3A_37] : memref<10240x128xf32, #tpu.memory_space<vmem_shared>> -> memref<128x128xf32, #tpu.memory_space<vmem_shared>>
        tpu.wait_dma2 semaphore(%run_scoped3A : memref<!tpu.dma_semaphore, #tpu.memory_space<semaphore_mem>>) src(%dma_wait3A_38 : memref<128x128xf32, #tpu.memory_space<vmem_shared>>) dst(%dma_wait3A_36 : memref<128x128xf32, #tpu.memory_space<hbm>>)
        tpu.yield
      }) : () -> ()
    }
    %scan3A_18 = arith.constant 5 : i32
    return
  }
}

module attributes {stable_mosaic.version = 14 : i64} {
  func.func @_tc_combine_body(%arg0: i32, %arg1: memref<2x1024x128xf32, #tpu.memory_space<vmem>>, %arg2: memref<2x1024x128xf32, #tpu.memory_space<vmem>>, %arg3: memref<1024x128xf32, #tpu.memory_space<vmem>>, %arg4: memref<1024x128xf32, #tpu.memory_space<vmem>>) attributes {dimension_semantics = [#tpu.dimension_semantics<arbitrary>], iteration_bounds = array<i64: 10>, scalar_prefetch = 0 : i64, scratch_operands = 0 : i64, tpu.core_type = #tpu.core_type<tc>, window_params = [{transform_indices = @transform_0, window_bounds = array<i64: 2, 1024, 128>}, {transform_indices = @transform_1, window_bounds = array<i64: 2, 1024, 128>}, {transform_indices = @transform_2, window_bounds = array<i64: 1024, 128>}, {transform_indices = @transform_3, window_bounds = array<i64: 1024, 128>}]} {
    %get3A = arith.constant 0 : index
    %get3A_0 = arith.constant 0 : index
    %get3A_1 = arith.constant 0 : index
    %get3A_2 = vector.load %arg1[%get3A, %get3A_0, %get3A_1] : memref<2x1024x128xf32, #tpu.memory_space<vmem>>, vector<2x1024x128xf32>
    %slice3A = vector.extract_strided_slice %get3A_2 {offsets = [0, 0, 0], sizes = [1, 1024, 1], strides = [1, 1, 1]} : vector<2x1024x128xf32> to vector<1x1024x1xf32>
    %squeeze3A = vector.shape_cast %slice3A : vector<1x1024x1xf32> to vector<1024x1xf32>
    %slice3A_3 = vector.extract_strided_slice %get3A_2 {offsets = [1, 0, 0], sizes = [1, 1024, 1], strides = [1, 1, 1]} : vector<2x1024x128xf32> to vector<1x1024x1xf32>
    %squeeze3A_4 = vector.shape_cast %slice3A_3 : vector<1x1024x1xf32> to vector<1024x1xf32>
    %add3A = arith.addf %squeeze3A, %squeeze3A_4 : vector<1024x1xf32>
    %max3A = arith.constant 1.000000e+00 : f32
    %max3A_5 = vector.broadcast %max3A : f32 to vector<1024x1xf32>
    %max3A_6 = arith.maximumf %add3A, %max3A_5 : vector<1024x1xf32>
    %rsqrt3A = math.rsqrt %max3A_6 : vector<1024x1xf32>
    %get3A_7 = arith.constant 0 : index
    %get3A_8 = arith.constant 0 : index
    %get3A_9 = arith.constant 0 : index
    %get3A_10 = vector.load %arg2[%get3A_7, %get3A_8, %get3A_9] : memref<2x1024x128xf32, #tpu.memory_space<vmem>>, vector<1x1024x128xf32>
    %get3A_11 = vector.shape_cast %get3A_10 : vector<1x1024x128xf32> to vector<1024x128xf32>
    %get3A_12 = arith.constant 1 : index
    %get3A_13 = arith.constant 0 : index
    %get3A_14 = arith.constant 0 : index
    %get3A_15 = vector.load %arg2[%get3A_12, %get3A_13, %get3A_14] : memref<2x1024x128xf32, #tpu.memory_space<vmem>>, vector<1x1024x128xf32>
    %get3A_16 = vector.shape_cast %get3A_15 : vector<1x1024x128xf32> to vector<1024x128xf32>
    %add3A_17 = arith.addf %get3A_11, %get3A_16 : vector<1024x128xf32>
    %mul3A = vector.broadcast %rsqrt3A : vector<1024x1xf32> to vector<1024x128xf32>
    %mul3A_18 = arith.mulf %add3A_17, %mul3A : vector<1024x128xf32>
    %swap3A = arith.constant 0 : index
    %swap3A_19 = arith.constant 0 : index
    %swap3A_20 = vector.load %arg3[%swap3A, %swap3A_19] : memref<1024x128xf32, #tpu.memory_space<vmem>>, vector<1024x128xf32>
    tpu.vector_store %arg3[%swap3A, %swap3A_19], %mul3A_18 {strides = array<i32>} : memref<1024x128xf32, #tpu.memory_space<vmem>>, vector<1024x128xf32>,
    %mul3A_21 = vector.broadcast %rsqrt3A : vector<1024x1xf32> to vector<1024x128xf32>
    %mul3A_22 = arith.mulf %mul3A_18, %mul3A_21 : vector<1024x128xf32>
    %swap3A_23 = arith.constant 0 : index
    %swap3A_24 = arith.constant 0 : index
    %swap3A_25 = vector.load %arg4[%swap3A_23, %swap3A_24] : memref<1024x128xf32, #tpu.memory_space<vmem>>, vector<1024x128xf32>
    tpu.vector_store %arg4[%swap3A_23, %swap3A_24], %mul3A_22 {strides = array<i32>} : memref<1024x128xf32, #tpu.memory_space<vmem>>, vector<1024x128xf32>,
    return
  }
  func.func @transform_0(%arg0: i32) -> (i32, i32, i32) {
    %c0_i32 = arith.constant 0 : i32
    %c0_i32_0 = arith.constant 0 : i32
    %c0_i32_1 = arith.constant 0 : i32
    return %c0_i32, %arg0, %c0_i32_0 : i32, i32, i32
  }
  func.func @transform_1(%arg0: i32) -> (i32, i32, i32) {
    %c0_i32 = arith.constant 0 : i32
    %c0_i32_0 = arith.constant 0 : i32
    %c0_i32_1 = arith.constant 0 : i32
    return %c0_i32, %arg0, %c0_i32_0 : i32, i32, i32
  }
  func.func @transform_2(%arg0: i32) -> (i32, i32) {
    %c0_i32 = arith.constant 0 : i32
    %c0_i32_0 = arith.constant 0 : i32
    return %arg0, %c0_i32 : i32, i32
  }
  func.func @transform_3(%arg0: i32) -> (i32, i32) {
    %c0_i32 = arith.constant 0 : i32
    %c0_i32_0 = arith.constant 0 : i32
    return %arg0, %c0_i32 : i32, i32
  }
}

module attributes {stable_mosaic.version = 14 : i64} {
  func.func @_tc_scale_body(%arg0: i32, %arg1: memref<2x1024x128xf32, #tpu.memory_space<vmem>>, %arg2: memref<1024x128xf32, #tpu.memory_space<vmem>>, %arg3: memref<1024x128xf32, #tpu.memory_space<vmem>>) attributes {dimension_semantics = [#tpu.dimension_semantics<arbitrary>], iteration_bounds = array<i64: 10>, scalar_prefetch = 0 : i64, scratch_operands = 0 : i64, tpu.core_type = #tpu.core_type<tc>, window_params = [{transform_indices = @transform_0, window_bounds = array<i64: 2, 1024, 128>}, {transform_indices = @transform_1, window_bounds = array<i64: 1024, 128>}, {transform_indices = @transform_2, window_bounds = array<i64: 1024, 128>}]} {
    %get3A = arith.constant 0 : index
    %get3A_0 = arith.constant 0 : index
    %get3A_1 = vector.load %arg2[%get3A, %get3A_0] : memref<1024x128xf32, #tpu.memory_space<vmem>>, vector<1024x128xf32>
    %get3A_2 = arith.constant 0 : index
    %get3A_3 = arith.constant 0 : index
    %get3A_4 = arith.constant 0 : index
    %get3A_5 = vector.load %arg1[%get3A_2, %get3A_3, %get3A_4] : memref<2x1024x128xf32, #tpu.memory_space<vmem>>, vector<2x1024x128xf32>
    %slice3A = vector.extract_strided_slice %get3A_5 {offsets = [0, 0, 0], sizes = [1, 1024, 1], strides = [1, 1, 1]} : vector<2x1024x128xf32> to vector<1x1024x1xf32>
    %squeeze3A = vector.shape_cast %slice3A : vector<1x1024x1xf32> to vector<1024x1xf32>
    %slice3A_6 = vector.extract_strided_slice %get3A_5 {offsets = [1, 0, 0], sizes = [1, 1024, 1], strides = [1, 1, 1]} : vector<2x1024x128xf32> to vector<1x1024x1xf32>
    %squeeze3A_7 = vector.shape_cast %slice3A_6 : vector<1x1024x1xf32> to vector<1024x1xf32>
    %add3A = arith.addf %squeeze3A, %squeeze3A_7 : vector<1024x1xf32>
    %max3A = arith.constant 1.000000e+00 : f32
    %max3A_8 = vector.broadcast %max3A : f32 to vector<1024x1xf32>
    %max3A_9 = arith.maximumf %add3A, %max3A_8 : vector<1024x1xf32>
    %rsqrt3A = math.rsqrt %max3A_9 : vector<1024x1xf32>
    %mul3A = vector.broadcast %rsqrt3A : vector<1024x1xf32> to vector<1024x128xf32>
    %mul3A_10 = arith.mulf %get3A_1, %mul3A : vector<1024x128xf32>
    %swap3A = arith.constant 0 : index
    %swap3A_11 = arith.constant 0 : index
    %swap3A_12 = vector.load %arg3[%swap3A, %swap3A_11] : memref<1024x128xf32, #tpu.memory_space<vmem>>, vector<1024x128xf32>
    tpu.vector_store %arg3[%swap3A, %swap3A_11], %mul3A_10 {strides = array<i32>} : memref<1024x128xf32, #tpu.memory_space<vmem>>, vector<1024x128xf32>,
    return
  }
  func.func @transform_0(%arg0: i32) -> (i32, i32, i32) {
    %c0_i32 = arith.constant 0 : i32
    %c0_i32_0 = arith.constant 0 : i32
    %c0_i32_1 = arith.constant 0 : i32
    return %c0_i32, %arg0, %c0_i32_0 : i32, i32, i32
  }
  func.func @transform_1(%arg0: i32) -> (i32, i32) {
    %c0_i32 = arith.constant 0 : i32
    %c0_i32_0 = arith.constant 0 : i32
    return %arg0, %c0_i32 : i32, i32
  }
  func.func @transform_2(%arg0: i32) -> (i32, i32) {
    %c0_i32 = arith.constant 0 : i32
    %c0_i32_0 = arith.constant 0 : i32
    return %arg0, %c0_i32 : i32, i32
  }
}

module attributes {stable_mosaic.version = 14 : i64} {
  func.func @_tc_matmul_body(%arg0: i32, %arg1: memref<2x1024x128xf32, #tpu.memory_space<vmem>>, %arg2: memref<1024x128xf32, #tpu.memory_space<vmem>>, %arg3: memref<1024x128xf32, #tpu.memory_space<vmem>>, %arg4: memref<2x1024x128xf32, #tpu.memory_space<vmem>>, %arg5: memref<128x128xf32, #tpu.memory_space<vmem>>, %arg6: memref<128x128xf32, #tpu.memory_space<vmem>>, %arg7: memref<128x128xf32, #tpu.memory_space<vmem>>, %arg8: memref<1x128xf32, #tpu.memory_space<vmem>>, %arg9: memref<1024x128xf32, #tpu.memory_space<vmem>>, %arg10: memref<1024x128xf32, #tpu.memory_space<vmem>>) attributes {dimension_semantics = [#tpu.dimension_semantics<arbitrary>], iteration_bounds = array<i64: 10>, scalar_prefetch = 0 : i64, scratch_operands = 0 : i64, tpu.core_type = #tpu.core_type<tc>, window_params = [{transform_indices = @transform_0, window_bounds = array<i64: 2, 1024, 128>}, {transform_indices = @transform_1, window_bounds = array<i64: 1024, 128>}, {transform_indices = @transform_2, window_bounds = array<i64: 1024, 128>}, {transform_indices = @transform_3, window_bounds = array<i64: 2, 1024, 128>}, {pipeline_mode = #tpu.pipeline_mode<synchronous>, transform_indices = @transform_4, window_bounds = array<i64: 128, 128>}, {pipeline_mode = #tpu.pipeline_mode<synchronous>, transform_indices = @transform_5, window_bounds = array<i64: 128, 128>}, {pipeline_mode = #tpu.pipeline_mode<synchronous>, transform_indices = @transform_6, window_bounds = array<i64: 128, 128>}, {pipeline_mode = #tpu.pipeline_mode<synchronous>, transform_indices = @transform_7, window_bounds = array<i64: 1, 128>}, {transform_indices = @transform_8, window_bounds = array<i64: 1024, 128>}, {transform_indices = @transform_9, window_bounds = array<i64: 1024, 128>}]} {
    %get3A = arith.constant 0 : index
    %get3A_0 = arith.constant 0 : index
    %get3A_1 = arith.constant 0 : index
    %get3A_2 = vector.load %arg1[%get3A, %get3A_0, %get3A_1] : memref<2x1024x128xf32, #tpu.memory_space<vmem>>, vector<2x1024x128xf32>
    %slice3A = vector.extract_strided_slice %get3A_2 {offsets = [0, 0, 0], sizes = [1, 1024, 1], strides = [1, 1, 1]} : vector<2x1024x128xf32> to vector<1x1024x1xf32>
    %squeeze3A = vector.shape_cast %slice3A : vector<1x1024x1xf32> to vector<1024x1xf32>
    %slice3A_3 = vector.extract_strided_slice %get3A_2 {offsets = [1, 0, 0], sizes = [1, 1024, 1], strides = [1, 1, 1]} : vector<2x1024x128xf32> to vector<1x1024x1xf32>
    %squeeze3A_4 = vector.shape_cast %slice3A_3 : vector<1x1024x1xf32> to vector<1024x1xf32>
    %add3A = arith.addf %squeeze3A, %squeeze3A_4 : vector<1024x1xf32>
    %max3A = arith.constant 1.000000e+00 : f32
    %max3A_5 = vector.broadcast %max3A : f32 to vector<1024x1xf32>
    %max3A_6 = arith.maximumf %add3A, %max3A_5 : vector<1024x1xf32>
    %rsqrt3A = math.rsqrt %max3A_6 : vector<1024x1xf32>
    %get3A_7 = arith.constant 0 : index
    %get3A_8 = arith.constant 0 : index
    %get3A_9 = arith.constant 0 : index
    %get3A_10 = vector.load %arg4[%get3A_7, %get3A_8, %get3A_9] : memref<2x1024x128xf32, #tpu.memory_space<vmem>>, vector<1x1024x128xf32>
    %get3A_11 = vector.shape_cast %get3A_10 : vector<1x1024x128xf32> to vector<1024x128xf32>
    %get3A_12 = arith.constant 1 : index
    %get3A_13 = arith.constant 0 : index
    %get3A_14 = arith.constant 0 : index
    %get3A_15 = vector.load %arg4[%get3A_12, %get3A_13, %get3A_14] : memref<2x1024x128xf32, #tpu.memory_space<vmem>>, vector<1x1024x128xf32>
    %get3A_16 = vector.shape_cast %get3A_15 : vector<1x1024x128xf32> to vector<1024x128xf32>
    %add3A_17 = arith.addf %get3A_11, %get3A_16 : vector<1024x128xf32>
    %mul3A = vector.broadcast %rsqrt3A : vector<1024x1xf32> to vector<1024x128xf32>
    %mul3A_18 = arith.mulf %add3A_17, %mul3A : vector<1024x128xf32>
    %get3A_19 = arith.constant 0 : index
    %get3A_20 = arith.constant 0 : index
    %get3A_21 = vector.load %arg2[%get3A_19, %get3A_20] : memref<1024x128xf32, #tpu.memory_space<vmem>>, vector<1024x128xf32>
    %get3A_22 = arith.constant 0 : index
    %get3A_23 = arith.constant 0 : index
    %get3A_24 = vector.load %arg5[%get3A_22, %get3A_23] : memref<128x128xf32, #tpu.memory_space<vmem>>, vector<128x128xf32>
    %dot_general3A = arith.constant dense<0.000000e+00> : vector<1024x128xf32>
    %dot_general3A_25 = tpu.matmul %get3A_21, %get3A_24, %dot_general3A {dimension_numbers = #tpu.dot_dimension_numbers<[1], [0], [0], [1], [0, 0, 1, 1], [], []>, transpose_lhs_hint = false} : vector<1024x128xf32>, vector<128x128xf32>, vector<1024x128xf32> -> vector<1024x128xf32>
    %get3A_26 = arith.constant 0 : index
    %get3A_27 = arith.constant 0 : index
    %get3A_28 = vector.load %arg3[%get3A_26, %get3A_27] : memref<1024x128xf32, #tpu.memory_space<vmem>>, vector<1024x128xf32>
    %get3A_29 = arith.constant 0 : index
    %get3A_30 = arith.constant 0 : index
    %get3A_31 = vector.load %arg6[%get3A_29, %get3A_30] : memref<128x128xf32, #tpu.memory_space<vmem>>, vector<128x128xf32>
    %dot_general3A_32 = arith.constant dense<0.000000e+00> : vector<1024x128xf32>
    %dot_general3A_33 = tpu.matmul %get3A_28, %get3A_31, %dot_general3A_32 {dimension_numbers = #tpu.dot_dimension_numbers<[1], [0], [0], [1], [0, 0, 1, 1], [], []>, transpose_lhs_hint = false} : vector<1024x128xf32>, vector<128x128xf32>, vector<1024x128xf32> -> vector<1024x128xf32>
    %add3A_34 = arith.addf %dot_general3A_25, %dot_general3A_33 : vector<1024x128xf32>
    %get3A_35 = arith.constant 0 : index
    %get3A_36 = arith.constant 0 : index
    %get3A_37 = vector.load %arg7[%get3A_35, %get3A_36] : memref<128x128xf32, #tpu.memory_space<vmem>>, vector<128x128xf32>
    %dot_general3A_38 = arith.constant dense<0.000000e+00> : vector<1024x128xf32>
    %dot_general3A_39 = tpu.matmul %mul3A_18, %get3A_37, %dot_general3A_38 {dimension_numbers = #tpu.dot_dimension_numbers<[1], [0], [0], [1], [0, 0, 1, 1], [], []>, transpose_lhs_hint = false} : vector<1024x128xf32>, vector<128x128xf32>, vector<1024x128xf32> -> vector<1024x128xf32>
    %add3A_40 = arith.addf %add3A_34, %dot_general3A_39 : vector<1024x128xf32>
    %get3A_41 = arith.constant 0 : index
    %get3A_42 = arith.constant 0 : index
    %get3A_43 = vector.load %arg8[%get3A_41, %get3A_42] : memref<1x128xf32, #tpu.memory_space<vmem>>, vector<1x128xf32>
    %add3A_44 = vector.broadcast %get3A_43 : vector<1x128xf32> to vector<1024x128xf32>
    %add3A_45 = arith.addf %add3A_40, %add3A_44 : vector<1024x128xf32>
    %max3A_46 = arith.constant 0.000000e+00 : f32
    %max3A_47 = vector.broadcast %max3A_46 : f32 to vector<1024x128xf32>
    %max3A_48 = arith.maximumf %add3A_45, %max3A_47 : vector<1024x128xf32>
    %swap3A = arith.constant 0 : index
    %swap3A_49 = arith.constant 0 : index
    %swap3A_50 = vector.load %arg9[%swap3A, %swap3A_49] : memref<1024x128xf32, #tpu.memory_space<vmem>>, vector<1024x128xf32>
    tpu.vector_store %arg9[%swap3A, %swap3A_49], %max3A_48 {strides = array<i32>} : memref<1024x128xf32, #tpu.memory_space<vmem>>, vector<1024x128xf32>,
    %mul3A_51 = vector.broadcast %rsqrt3A : vector<1024x1xf32> to vector<1024x128xf32>
    %mul3A_52 = arith.mulf %max3A_48, %mul3A_51 : vector<1024x128xf32>
    %swap3A_53 = arith.constant 0 : index
    %swap3A_54 = arith.constant 0 : index
    %swap3A_55 = vector.load %arg10[%swap3A_53, %swap3A_54] : memref<1024x128xf32, #tpu.memory_space<vmem>>, vector<1024x128xf32>
    tpu.vector_store %arg10[%swap3A_53, %swap3A_54], %mul3A_52 {strides = array<i32>} : memref<1024x128xf32, #tpu.memory_space<vmem>>, vector<1024x128xf32>,
    return
  }
  func.func @transform_0(%arg0: i32) -> (i32, i32, i32) {
    %c0_i32 = arith.constant 0 : i32
    %c0_i32_0 = arith.constant 0 : i32
    %c0_i32_1 = arith.constant 0 : i32
    return %c0_i32, %arg0, %c0_i32_0 : i32, i32, i32
  }
  func.func @transform_1(%arg0: i32) -> (i32, i32) {
    %c0_i32 = arith.constant 0 : i32
    %c0_i32_0 = arith.constant 0 : i32
    return %arg0, %c0_i32 : i32, i32
  }
  func.func @transform_2(%arg0: i32) -> (i32, i32) {
    %c0_i32 = arith.constant 0 : i32
    %c0_i32_0 = arith.constant 0 : i32
    return %arg0, %c0_i32 : i32, i32
  }
  func.func @transform_3(%arg0: i32) -> (i32, i32, i32) {
    %c0_i32 = arith.constant 0 : i32
    %c0_i32_0 = arith.constant 0 : i32
    %c0_i32_1 = arith.constant 0 : i32
    return %c0_i32, %arg0, %c0_i32_0 : i32, i32, i32
  }
  func.func @transform_4(%arg0: i32) -> (i32, i32) {
    %c0_i32 = arith.constant 0 : i32
    %c0_i32_0 = arith.constant 0 : i32
    %c0_i32_1 = arith.constant 0 : i32
    return %c0_i32, %c0_i32_0 : i32, i32
  }
  func.func @transform_5(%arg0: i32) -> (i32, i32) {
    %c0_i32 = arith.constant 0 : i32
    %c0_i32_0 = arith.constant 0 : i32
    %c0_i32_1 = arith.constant 0 : i32
    return %c0_i32, %c0_i32_0 : i32, i32
  }
  func.func @transform_6(%arg0: i32) -> (i32, i32) {
    %c0_i32 = arith.constant 0 : i32
    %c0_i32_0 = arith.constant 0 : i32
    %c0_i32_1 = arith.constant 0 : i32
    return %c0_i32, %c0_i32_0 : i32, i32
  }
  func.func @transform_7(%arg0: i32) -> (i32, i32) {
    %c0_i32 = arith.constant 0 : i32
    %c0_i32_0 = arith.constant 0 : i32
    %c0_i32_1 = arith.constant 0 : i32
    return %c0_i32, %c0_i32_0 : i32, i32
  }
  func.func @transform_8(%arg0: i32) -> (i32, i32) {
    %c0_i32 = arith.constant 0 : i32
    %c0_i32_0 = arith.constant 0 : i32
    return %arg0, %c0_i32 : i32, i32
  }
  func.func @transform_9(%arg0: i32) -> (i32, i32) {
    %c0_i32 = arith.constant 0 : i32
    %c0_i32_0 = arith.constant 0 : i32
    return %arg0, %c0_i32 : i32, i32
  }
}

module attributes {stable_mosaic.version = 14 : i64} {
  func.func @_tc_matmul_body(%arg0: i32, %arg1: memref<2x1024x128xf32, #tpu.memory_space<vmem>>, %arg2: memref<1024x128xf32, #tpu.memory_space<vmem>>, %arg3: memref<1024x128xf32, #tpu.memory_space<vmem>>, %arg4: memref<2x1024x128xf32, #tpu.memory_space<vmem>>, %arg5: memref<128x128xf32, #tpu.memory_space<vmem>>, %arg6: memref<128x128xf32, #tpu.memory_space<vmem>>, %arg7: memref<128x128xf32, #tpu.memory_space<vmem>>, %arg8: memref<1x128xf32, #tpu.memory_space<vmem>>, %arg9: memref<1024x128xf32, #tpu.memory_space<vmem>>, %arg10: memref<1024x128xf32, #tpu.memory_space<vmem>>) attributes {dimension_semantics = [#tpu.dimension_semantics<arbitrary>], iteration_bounds = array<i64: 10>, scalar_prefetch = 0 : i64, scratch_operands = 0 : i64, tpu.core_type = #tpu.core_type<tc>, window_params = [{transform_indices = @transform_0, window_bounds = array<i64: 2, 1024, 128>}, {transform_indices = @transform_1, window_bounds = array<i64: 1024, 128>}, {transform_indices = @transform_2, window_bounds = array<i64: 1024, 128>}, {transform_indices = @transform_3, window_bounds = array<i64: 2, 1024, 128>}, {pipeline_mode = #tpu.pipeline_mode<synchronous>, transform_indices = @transform_4, window_bounds = array<i64: 128, 128>}, {pipeline_mode = #tpu.pipeline_mode<synchronous>, transform_indices = @transform_5, window_bounds = array<i64: 128, 128>}, {pipeline_mode = #tpu.pipeline_mode<synchronous>, transform_indices = @transform_6, window_bounds = array<i64: 128, 128>}, {pipeline_mode = #tpu.pipeline_mode<synchronous>, transform_indices = @transform_7, window_bounds = array<i64: 1, 128>}, {transform_indices = @transform_8, window_bounds = array<i64: 1024, 128>}, {transform_indices = @transform_9, window_bounds = array<i64: 1024, 128>}]} {
    %get3A = arith.constant 0 : index
    %get3A_0 = arith.constant 0 : index
    %get3A_1 = arith.constant 0 : index
    %get3A_2 = vector.load %arg1[%get3A, %get3A_0, %get3A_1] : memref<2x1024x128xf32, #tpu.memory_space<vmem>>, vector<2x1024x128xf32>
    %slice3A = vector.extract_strided_slice %get3A_2 {offsets = [0, 0, 0], sizes = [1, 1024, 1], strides = [1, 1, 1]} : vector<2x1024x128xf32> to vector<1x1024x1xf32>
    %squeeze3A = vector.shape_cast %slice3A : vector<1x1024x1xf32> to vector<1024x1xf32>
    %slice3A_3 = vector.extract_strided_slice %get3A_2 {offsets = [1, 0, 0], sizes = [1, 1024, 1], strides = [1, 1, 1]} : vector<2x1024x128xf32> to vector<1x1024x1xf32>
    %squeeze3A_4 = vector.shape_cast %slice3A_3 : vector<1x1024x1xf32> to vector<1024x1xf32>
    %add3A = arith.addf %squeeze3A, %squeeze3A_4 : vector<1024x1xf32>
    %max3A = arith.constant 1.000000e+00 : f32
    %max3A_5 = vector.broadcast %max3A : f32 to vector<1024x1xf32>
    %max3A_6 = arith.maximumf %add3A, %max3A_5 : vector<1024x1xf32>
    %rsqrt3A = math.rsqrt %max3A_6 : vector<1024x1xf32>
    %get3A_7 = arith.constant 0 : index
    %get3A_8 = arith.constant 0 : index
    %get3A_9 = arith.constant 0 : index
    %get3A_10 = vector.load %arg4[%get3A_7, %get3A_8, %get3A_9] : memref<2x1024x128xf32, #tpu.memory_space<vmem>>, vector<1x1024x128xf32>
    %get3A_11 = vector.shape_cast %get3A_10 : vector<1x1024x128xf32> to vector<1024x128xf32>
    %get3A_12 = arith.constant 1 : index
    %get3A_13 = arith.constant 0 : index
    %get3A_14 = arith.constant 0 : index
    %get3A_15 = vector.load %arg4[%get3A_12, %get3A_13, %get3A_14] : memref<2x1024x128xf32, #tpu.memory_space<vmem>>, vector<1x1024x128xf32>
    %get3A_16 = vector.shape_cast %get3A_15 : vector<1x1024x128xf32> to vector<1024x128xf32>
    %add3A_17 = arith.addf %get3A_11, %get3A_16 : vector<1024x128xf32>
    %mul3A = vector.broadcast %rsqrt3A : vector<1024x1xf32> to vector<1024x128xf32>
    %mul3A_18 = arith.mulf %add3A_17, %mul3A : vector<1024x128xf32>
    %get3A_19 = arith.constant 0 : index
    %get3A_20 = arith.constant 0 : index
    %get3A_21 = vector.load %arg2[%get3A_19, %get3A_20] : memref<1024x128xf32, #tpu.memory_space<vmem>>, vector<1024x128xf32>
    %get3A_22 = arith.constant 0 : index
    %get3A_23 = arith.constant 0 : index
    %get3A_24 = vector.load %arg5[%get3A_22, %get3A_23] : memref<128x128xf32, #tpu.memory_space<vmem>>, vector<128x128xf32>
    %dot_general3A = arith.constant dense<0.000000e+00> : vector<1024x128xf32>
    %dot_general3A_25 = tpu.matmul %get3A_21, %get3A_24, %dot_general3A {dimension_numbers = #tpu.dot_dimension_numbers<[1], [0], [0], [1], [0, 0, 1, 1], [], []>, transpose_lhs_hint = false} : vector<1024x128xf32>, vector<128x128xf32>, vector<1024x128xf32> -> vector<1024x128xf32>
    %get3A_26 = arith.constant 0 : index
    %get3A_27 = arith.constant 0 : index
    %get3A_28 = vector.load %arg3[%get3A_26, %get3A_27] : memref<1024x128xf32, #tpu.memory_space<vmem>>, vector<1024x128xf32>
    %get3A_29 = arith.constant 0 : index
    %get3A_30 = arith.constant 0 : index
    %get3A_31 = vector.load %arg6[%get3A_29, %get3A_30] : memref<128x128xf32, #tpu.memory_space<vmem>>, vector<128x128xf32>
    %dot_general3A_32 = arith.constant dense<0.000000e+00> : vector<1024x128xf32>
    %dot_general3A_33 = tpu.matmul %get3A_28, %get3A_31, %dot_general3A_32 {dimension_numbers = #tpu.dot_dimension_numbers<[1], [0], [0], [1], [0, 0, 1, 1], [], []>, transpose_lhs_hint = false} : vector<1024x128xf32>, vector<128x128xf32>, vector<1024x128xf32> -> vector<1024x128xf32>
    %add3A_34 = arith.addf %dot_general3A_25, %dot_general3A_33 : vector<1024x128xf32>
    %get3A_35 = arith.constant 0 : index
    %get3A_36 = arith.constant 0 : index
    %get3A_37 = vector.load %arg7[%get3A_35, %get3A_36] : memref<128x128xf32, #tpu.memory_space<vmem>>, vector<128x128xf32>
    %dot_general3A_38 = arith.constant dense<0.000000e+00> : vector<1024x128xf32>
    %dot_general3A_39 = tpu.matmul %mul3A_18, %get3A_37, %dot_general3A_38 {dimension_numbers = #tpu.dot_dimension_numbers<[1], [0], [0], [1], [0, 0, 1, 1], [], []>, transpose_lhs_hint = false} : vector<1024x128xf32>, vector<128x128xf32>, vector<1024x128xf32> -> vector<1024x128xf32>
    %add3A_40 = arith.addf %add3A_34, %dot_general3A_39 : vector<1024x128xf32>
    %get3A_41 = arith.constant 0 : index
    %get3A_42 = arith.constant 0 : index
    %get3A_43 = vector.load %arg8[%get3A_41, %get3A_42] : memref<1x128xf32, #tpu.memory_space<vmem>>, vector<1x128xf32>
    %add3A_44 = vector.broadcast %get3A_43 : vector<1x128xf32> to vector<1024x128xf32>
    %add3A_45 = arith.addf %add3A_40, %add3A_44 : vector<1024x128xf32>
    %max3A_46 = arith.constant 0.000000e+00 : f32
    %max3A_47 = vector.broadcast %max3A_46 : f32 to vector<1024x128xf32>
    %max3A_48 = arith.maximumf %add3A_45, %max3A_47 : vector<1024x128xf32>
    %swap3A = arith.constant 0 : index
    %swap3A_49 = arith.constant 0 : index
    %swap3A_50 = vector.load %arg9[%swap3A, %swap3A_49] : memref<1024x128xf32, #tpu.memory_space<vmem>>, vector<1024x128xf32>
    tpu.vector_store %arg9[%swap3A, %swap3A_49], %max3A_48 {strides = array<i32>} : memref<1024x128xf32, #tpu.memory_space<vmem>>, vector<1024x128xf32>,
    %mul3A_51 = vector.broadcast %rsqrt3A : vector<1024x1xf32> to vector<1024x128xf32>
    %mul3A_52 = arith.mulf %max3A_48, %mul3A_51 : vector<1024x128xf32>
    %swap3A_53 = arith.constant 0 : index
    %swap3A_54 = arith.constant 0 : index
    %swap3A_55 = vector.load %arg10[%swap3A_53, %swap3A_54] : memref<1024x128xf32, #tpu.memory_space<vmem>>, vector<1024x128xf32>
    tpu.vector_store %arg10[%swap3A_53, %swap3A_54], %mul3A_52 {strides = array<i32>} : memref<1024x128xf32, #tpu.memory_space<vmem>>, vector<1024x128xf32>,
    return
  }
  func.func @transform_0(%arg0: i32) -> (i32, i32, i32) {
    %c0_i32 = arith.constant 0 : i32
    %c0_i32_0 = arith.constant 0 : i32
    %c0_i32_1 = arith.constant 0 : i32
    return %c0_i32, %arg0, %c0_i32_0 : i32, i32, i32
  }
  func.func @transform_1(%arg0: i32) -> (i32, i32) {
    %c0_i32 = arith.constant 0 : i32
    %c0_i32_0 = arith.constant 0 : i32
    return %arg0, %c0_i32 : i32, i32
  }
  func.func @transform_2(%arg0: i32) -> (i32, i32) {
    %c0_i32 = arith.constant 0 : i32
    %c0_i32_0 = arith.constant 0 : i32
    return %arg0, %c0_i32 : i32, i32
  }
  func.func @transform_3(%arg0: i32) -> (i32, i32, i32) {
    %c0_i32 = arith.constant 0 : i32
    %c0_i32_0 = arith.constant 0 : i32
    %c0_i32_1 = arith.constant 0 : i32
    return %c0_i32, %arg0, %c0_i32_0 : i32, i32, i32
  }
  func.func @transform_4(%arg0: i32) -> (i32, i32) {
    %c0_i32 = arith.constant 0 : i32
    %c0_i32_0 = arith.constant 0 : i32
    %c0_i32_1 = arith.constant 0 : i32
    return %c0_i32, %c0_i32_0 : i32, i32
  }
  func.func @transform_5(%arg0: i32) -> (i32, i32) {
    %c0_i32 = arith.constant 0 : i32
    %c0_i32_0 = arith.constant 0 : i32
    %c0_i32_1 = arith.constant 0 : i32
    return %c0_i32, %c0_i32_0 : i32, i32
  }
  func.func @transform_6(%arg0: i32) -> (i32, i32) {
    %c0_i32 = arith.constant 0 : i32
    %c0_i32_0 = arith.constant 0 : i32
    %c0_i32_1 = arith.constant 0 : i32
    return %c0_i32, %c0_i32_0 : i32, i32
  }
  func.func @transform_7(%arg0: i32) -> (i32, i32) {
    %c0_i32 = arith.constant 0 : i32
    %c0_i32_0 = arith.constant 0 : i32
    %c0_i32_1 = arith.constant 0 : i32
    return %c0_i32, %c0_i32_0 : i32, i32
  }
  func.func @transform_8(%arg0: i32) -> (i32, i32) {
    %c0_i32 = arith.constant 0 : i32
    %c0_i32_0 = arith.constant 0 : i32
    return %arg0, %c0_i32 : i32, i32
  }
  func.func @transform_9(%arg0: i32) -> (i32, i32) {
    %c0_i32 = arith.constant 0 : i32
    %c0_i32_0 = arith.constant 0 : i32
    return %arg0, %c0_i32 : i32, i32
  }
}

</mosaic_0001>

<sc_bundles>
// kernel: kernel.12.cloned.1.call-start
scs
__scs_entry_jumppad:
0x0: {  	(pc) =	sbr.rel $0x88, $3  }
0x1: {  	(tag) =	ssettag $0x0;
	lr =	simm.s32 $0x1  }
0x2: {  	[smem:$0x3F9B] =	sst lr;
	_ =	strace $0xD0000000  }
0x3: {  	_ = 	snop  }
0x4: {  	_ = 	snop  }
0x5: {  	_ = 	snop  }
0x6: {  	_ = 	snop  }
0x7: {  	_ = 	snop  }
__scs_overlays_trampoline_lowered:
0x8: {  	[smem:$0x3FAA] =	sst s0  }
0x9: {  	[smem:$0x3FAB] =	sst s1  }
0xa: {  	[smem:$0x3FAC] =	sst s2  }
0xb: {  	[smem:$0x3FAD] =	sst s3  }
0xc: {  	[smem:$0x3FAE] =	sst s4  }
0xd: {  	[smem:$0x3FAF] =	sst s5  }
0xe: {  	[smem:$0x3FB0] =	sst s6  }
0xf: {  	[smem:$0x3FB1] =	sst s7  }
0x10: {  	[smem:$0x3FB2] =	sst s8  }
0x11: {  	[smem:$0x3FB3] =	sst s9;
	s0 =	simm.s32 @!p0 $0x0  }
0x12: {  	s1 =	sld [smem:$0x3F99];
	s0 =	simm.s32 @p0 $0x1  }
0x13: {  	[smem:$0x3FB4] =	sst s0;
	s0 =	simm.s32 @!p1 $0x0  }
0x14: {  	s2 =	sld [smem:$0x3F98];
	s0 =	simm.s32 @p1 $0x1  }
0x15: {  	[smem:$0x3FB5] =	sst s0;
	s0 =	simm.s32 @!p2 $0x0  }
0x16: {  	s3 =	sld [smem:$0x3FDB];
	s0 =	simm.s32 @p2 $0x1  }
0x17: {  	s4 =	simm.s32 $0x1BF5;
	[smem:$0x3FB7] =	sst s0  }
0x18: {  	s0 =	sld [smem:$0x3F9A];
	_ =	swait.ge [sflag:s4], $0x0  }
0x19: {  	s7 =	sld [smem:$0x3F9B]  }
0x1a: {  	s8 =	sadd.s32 $0xFFFFE003, lr  }
0x1b: {  	s9 =	sadd.s32 $0xFFFFFEF7, lr;
	s5 =	simm.s32 $0xFFFFFFFF;
	p2 =	slt.u32 s8, $0xFFFFF086  }
0x1c: {  	p1 =	slt.u32 s9, $0xF7A;
	s5 =	simm.s32 @!p2 $0x0  }
0x1d: {  	s5 =	simm.s32 @p1 $0x1;
	p0 =	seq.s32 s7, s2  }
0x1e: {  	s7 =	smul.u32 @!p0 $0xF7A, s2;
	p2 =	seq.s32 @!p0 s5, $0x0  }
0x1f: {  	s9 =	smul.u32 $0xF7A, s1;
	s8 =	simm.s32 @!p0 $0x1BF5;
	p2 =	por !p2, p0  }
0x20: {  	[sflag:s8] =	ssyncset.s32 @!p0 $0xFFFFF086;
	s6 =	sadd.s32 @!p0 s3, s7;
	s7 =	simm.s32 @!p0 $0x108  }
0x21: {  	s3 =	sadd.s32 s3, s9;
	s6 =	sadd.s32 @!p0 $0x88, s6;
	s7 =	simm.s32 @p2 $0x1082  }
0x22: {  	[simem:s7], [sflag:s8] =	dma.local @!p0 [hbm:s6], $0xF7A  }
0x23: {  	s9 =	sor.u32 $0xD0000000, s2;
	s6 =	simm.s32 $0x108;
	_ =	swait.ge @!p0 [sflag:s8], $0x0  }
0x24: {  	s3 =	sadd.s32 $0x88, s3;
	s6 =	simm.s32 @!p1 $0x1082;
	[sflag:s4] =	ssyncset.s32 $0xFFFFF086  }
0x25: {  	[simem:s6], [sflag:s4] =	dma.local [hbm:s3], $0xF7A  }
0x26: {  	[smem:$0x3F9B] =	sst s1;
	(tag) =	ssettag s2;
	_ =	strace s9  }
0x27: {  	s1 =	sld [smem:$0x3FAB]  }
0x28: {  	s2 =	sld [smem:$0x3FAC]  }
0x29: {  	s4 =	sld [smem:$0x3FAE]  }
0x2a: {  	p0 =	seq.s32 s5, $0x0;
	s5 =	sld [smem:$0x3FAF]  }
0x2b: {  	s6 =	sld [smem:$0x3FB0]  }
0x2c: {  	s7 =	sld [smem:$0x3FB1]  }
0x2d: {  	s3 =	simm.s32 $0x108;
	s8 =	sld [smem:$0x3FB2]  }
0x2e: {  	s3 =	simm.s32 @!p0 $0x1082;
	s9 =	sld [smem:$0x3FB3]  }
0x2f: {  	lr =	sadd.s32 s0, s3;
	s0 =	sld [smem:$0x3FAA]  }
0x30: {  	s3 =	sld [smem:$0x3FAD]  }
0x31: {  	[smem:$0x3FB6] =	sst s10  }
0x32: {  	s10 =	sld [smem:$0x3FB4];
	_ =	sdelay $0x3  }
0x33: {  	p0 =	seq.s32 s10, $0x1;
	s10 =	sld [smem:$0x3FB6];
	_ =	sdelay $0x3  }
0x34: {  	[smem:$0x3FB6] =	sst s10  }
0x35: {  	s10 =	sld [smem:$0x3FB5];
	_ =	sdelay $0x3  }
0x36: {  	p1 =	seq.s32 s10, $0x1;
	s10 =	sld [smem:$0x3FB6];
	_ =	sdelay $0x3  }
0x37: {  	[smem:$0x3FB6] =	sst s10  }
0x38: {  	s10 =	sld [smem:$0x3FB7]  }
0x39: {  	_ = 	snop;
	(pc) =	sbr.ind lr, $3  }
0x3a: {  	_ = 	snop  }
0x3b: {  	_ = 	snop  }
0x3c: {  	p2 =	seq.s32 s10, $0x1;
	s10 =	sld [smem:$0x3FB6]  }
0x3d: {  	_ =	shalt  }
0x3e: {  	_ =	shalt  }
0x3f: {  	_ =	shalt  }
0x40: {  	_ =	shalt  }
0x41: {  	_ =	shalt  }
0x42: {  	_ =	shalt  }
0x43: {  	_ =	shalt  }
0x44: {  	_ =	shalt  }
0x45: {  	_ =	shalt  }
0x46: {  	_ =	shalt  }
0x47: {  	_ =	shalt  }
0x48: {  	_ =	shalt  }
0x49: {  	_ =	shalt  }
0x4a: {  	_ =	shalt  }
0x4b: {  	_ =	shalt  }
0x4c: {  	_ =	shalt  }
0x4d: {  	_ =	shalt  }
0x4e: {  	_ =	shalt  }
0x4f: {  	_ =	shalt  }
0x50: {  	_ =	shalt  }
0x51: {  	_ =	shalt  }
0x52: {  	_ =	shalt  }
0x53: {  	_ =	shalt  }
0x54: {  	_ =	shalt  }
0x55: {  	_ =	shalt  }
0x56: {  	_ =	shalt  }
0x57: {  	_ =	shalt  }
0x58: {  	_ =	shalt  }
0x59: {  	_ =	shalt  }
0x5a: {  	_ =	shalt  }
0x5b: {  	_ =	shalt  }
0x5c: {  	_ =	shalt  }
0x5d: {  	_ =	shalt  }
0x5e: {  	_ =	shalt  }
0x5f: {  	_ =	shalt  }
0x60: {  	_ =	shalt  }
0x61: {  	_ =	shalt  }
0x62: {  	_ =	shalt  }
0x63: {  	_ =	shalt  }
0x64: {  	_ =	shalt  }
0x65: {  	_ =	shalt  }
0x66: {  	_ =	shalt  }
0x67: {  	_ =	shalt  }
0x68: {  	_ =	shalt  }
0x69: {  	_ =	shalt  }
0x6a: {  	_ =	shalt  }
0x6b: {  	_ =	shalt  }
0x6c: {  	_ =	shalt  }
0x6d: {  	_ =	shalt  }
0x6e: {  	_ =	shalt  }
0x6f: {  	_ =	shalt  }
0x70: {  	_ =	shalt  }
0x71: {  	_ =	shalt  }
0x72: {  	_ =	shalt  }
0x73: {  	_ =	shalt  }
0x74: {  	_ =	shalt  }
0x75: {  	_ =	shalt  }
0x76: {  	_ =	shalt  }
0x77: {  	_ =	shalt  }
0x78: {  	_ =	shalt  }
0x79: {  	_ =	shalt  }
0x7a: {  	_ =	shalt  }
0x7b: {  	_ =	shalt  }
0x7c: {  	_ =	shalt  }
0x7d: {  	_ =	shalt  }
0x7e: {  	_ =	shalt  }
0x7f: {  	_ =	shalt  }
0x80: {  	_ =	shalt  }
0x81: {  	_ =	shalt  }
0x82: {  	_ =	shalt  }
0x83: {  	_ =	shalt  }
0x84: {  	_ =	shalt  }
0x85: {  	_ =	shalt  }
0x86: {  	_ =	shalt  }
0x87: {  	_ =	shalt  }
.Lfunc_end0:
.L_simem_size_0:
called_computation_lowered:
.L_overlay_start_0:
0x88: {  	s2 =	sld [smem:$0x3FD9]  }
0x89: {  	s3 =	sld [smem:$0x3FFE];
	_ =	sdelay $0x1  }
0x8a: {  	s1 =	srdreg.scid  }
0x8b: {  	s0 =	sand.u32 $0x1, s1  }
0x8c: {  	s16 =	sshll.u32 s0, $0xA;
	s2 =	sadd.s32 s3, s2  }
0x8d: {  	s2 =	sadd.s32 s2, s16  }
0x8e: {  	[smem:$0x3FC2] =	sst s2  }
0x8f: {  	_ = 	snop  }
0x90: {  	(tm) =	ssettm $0x1  }
0x91: {  	s17 =	sld [smem:$0x3FFB];
	_ =	sdelay $0x3  }
0x92: {  	_ =	strace s17  }
0x93: {  	s2 =	sld [smem:$0x3FFC];
	_ =	sdelay $0x3  }
0x94: {  	_ =	strace s2  }
0x95: {  	s2 =	sld [smem:$0x3FFD];
	_ =	sdelay $0x3  }
0x96: {  	_ =	strace s2  }
0x97: {  	_ =	strace $0x8FFFFFFF  }
0x98: {  	s18 =	sld [smem:$0x3FDB];
	_ =	sdelay $0x1  }
0x99: {  	s19 =	simm.s32 $_scs_section_size  }
0x9a: {  	s4 =	simm.s32 $_size__tile_overlayer_lowered;
	s5 =	simm.s32 $_tile_overlayer_lowered  }
0x9b: {  	s22 =	simm.s32 $0x1BFF;
	s21 =	sshll.u32 s5, $0x1;
	s2 =	sadd.s32 s19, s18  }
0x9c: {  	s6 =	simm.s32 $0x0;
	s20 =	sshll.u32 s4, $0x1;
	s4 =	sadd.s32 s21, s2  }
0x9d: {  	[timem:s6], [sflag:s22] =	dma.local [hbm:s4], s20  }
0x9e: {  	_ =	swait.ge [sflag:s22], s20  }
0x9f: {  	s3 =	ssub.s32 $0x0, s20;
	[sflag:s22] =	ssyncset.done $0x0  }
0xa0: {  	[sflag:s22] =	ssyncadd.s32 s3;
	_ =	sdelay $0x1  }
0xa1: {  	s23 =	simm.s32 $0x1B8B  }
0xa2: {  	_ =	swait.ge [sflag:s23], $0x1  }
0xa3: {  	[sflag:s23] =	ssyncset.done $0x0  }
0xa4: {  	s25 =	simm.s32 $0x1B8E;
	s24 =	sld [smem:$0x3FFE];
	[sflag:s23] =	ssyncadd.s32 $0xFFFFFFFF  }
0xa5: {  	s26 =	simm.s32 $execute0_lowered;
	[smem:$0x3FD2] =	sst s25  }
0xa6: {  	s4 =	sshll.u32 s26, $0x1;
	_ =	strace $0x80000046;
	[dreg:$0x1] =	wrdreg $0xFFFFFFFF  }
0xa7: {  	s28 =	simm.s32 $_size_execute0_lowered;
	s2 =	sadd.s32 s2, s4;
	[dreg:$0x0] =	wrdreg $0x0  }
0xa8: {  	s4 =	sshll.u32 s28, $0x1;
	[dreg:$0x2] =	wrdreg s2  }
0xa9: {  	[dreg:$0x3] =	wrdreg s4  }
0xaa: {  	[dreg:$0x4] =	wrdreg $0xC0  }
0xab: {  	_ =	task [dreg:s6], $0x5FFFF  }
0xac: {  	[dreg:$0x1] =	wrdreg $0xFFFFFFFF  }
0xad: {  	[dreg:$0x0] =	wrdreg $0x60  }
0xae: {  	[dreg:$0x2] =	wrdreg s24  }
0xaf: {  	[dreg:$0x3] =	wrdreg $0xA8000  }
0xb0: {  	[dreg:$0x4] =	wrdreg $0x9  }
0xb1: {  	_ =	task.clear_ibuf [dreg:s6], $0x5FFFF;
	_ =	strace $0x90000046  }
0xb2: {  	s29 =	simm.s32 $0x9;
	_ =	strace $0x80000048  }
0xb3: {  	_ =	swait.ge [sflag:s29], $0x1  }
0xb4: {  	[sflag:s29] =	ssyncadd.s32 $0xFFFFFFFF  }
0xb5: {  	_ =	strace $0x90000048  }
0xb6: {  	_ =	sfence  }
0xb7: {  	s30 =	sld [smem:$0x0];
	_ =	sdelay $0x2  }
0xb8: {  	s31 =	sshll.u32 s1, $0xD;
	s1 =	sshrl.u32 s1, $0x2  }
0xb9: {  	s3 =	sand.u32 $0x4000, s31;
	s1 =	sadd.s32 s1, s30  }
0xba: {  	s0 =	sor.u32 s3, s0;
	s1 =	sshll.u32 s1, $0x11  }
0xbb: {  	s0 =	sor.u32 s1, s0  }
0xbc: {  	s0 =	sadd.s32 $0x8F2B, s0  }
0xbd: {  	[sflag:s0] =	ssyncadd.remote.s32 $0x1  }
0xbe: {  	_ =	sfence.sel $0xFFFF  }
0xbf: {  	[dreg:$0x0] =	wrdreg $0xFFFFFFFF;
	(pc) =	sbr.abs _section_cstart, $3  }
0xc0: {  	[dreg:$0x1] =	wrdreg $0xFFFFFFFF  }
0xc1: {  	_ =	task.clear_ibuf [dreg:s6], $0x2FFFF;
	_ =	strace $0x9FFFFFFF  }
0xc2: {  	(tm) =	ssettm $0x7FFFFFFF  }
0xc3: {  	_ =	shalt  }
tec
execute0_lowered:
.L_overlay_start_1:
0x0: {  	(tag) =	ssettag $0x1  }
0x1: {  	s1 =	srdreg.scid;
	s6 =	rddreg [dreg:$0x0]  }
0x2: {  	s0 =	stileid.u32;
	s2 =	rddreg [dreg:$0x1];
	s3 =	simm.s32 $0x0  }
0x3: {  	s5 =	sand.u32 $0x1, s1;
	s1 =	rddreg [dreg:$0x2];
	s10 =	smul.u32 $0x50000, s0  }
0x4: {  	s24 =	sshll.u32 s0, $0x1;
	[smem:$0x7FF] =	sst s3;
	s13 =	smul.u32 $0x280, s0  }
0x5: {  	s16 =	smul.u32 $0x2800, s0;
	s4 =	sor.u32 s5, s24;
	_ =	strace $0x80000047  }
0x6: {  	s8 =	smul.u32 $0x28000, s5;
	s9 =	ssub.s32 $0x2, s5;
	s5 =	sadd.s32 $0xF200, s6  }
0x7: {  	s4 =	smul.u32 $0x500, s4;
	s25 =	sshrl.u32 s9, $0x1;
	s26 =	sshrl.u32 s10, $0x2  }
0x8: {  	s14 =	sadd.s32 $0x80, s13;
	s17 =	sadd.s32 $0x100, s13;
	s29 =	sadd.s32 $0x180, s13  }
0x9: {  	s13 =	sadd.s32 $0x200, s13;
	s8 =	sadd.s32 s8, s6;
	s9 =	ssub.s32 s9, s25  }
0xa: {  	s15 =	sshll.u32 s14, $0x7;
	s18 =	sshll.u32 s14, $0x4;
	s28 =	sshll.u32 s17, $0x7  }
0xb: {  	s19 =	sshll.u32 s17, $0x4;
	s30 =	sshll.u32 s29, $0x7;
	s31 =	sshll.u32 s13, $0x7  }
0xc: {  	s21 =	sshll.u32 s29, $0x4;
	s14 =	simm.s32 $0x2800;
	s7 =	sadd.s32 s4, s6  }
0xd: {  	s4 =	sadd.s32 $0xEA00, s6;
	s20 =	sadd.s32 $0xFA00, s8;
	s8 =	smax.u32 s9, $0x1  }
0xe: {  	s22 =	sadd.s32 s15, s2;
	s23 =	sadd.s32 s28, s2;
	s24 =	sadd.s32 s30, s2  }
0xf: {  	s25 =	sadd.s32 s31, s2;
	s15 =	simm.s32 $0x6800;
	s6 =	sadd.s32 $0x4A00, s7  }
0x10: {  	s7 =	sadd.s32 s26, s2;
	s26 =	sshll.u32 s13, $0x4;
	s13 =	simm.s32 $0x1  }
0x11: {  	s16 =	sadd.s32 s16, s20;
	s17 =	sadd.s32 s18, s20;
	s18 =	sadd.s32 s19, s20  }
0x12: {  	s19 =	sadd.s32 s21, s20;
	s21 =	simm.s32 $0x80;
	s22 =	sshrl.u32 s22, $0x3  }
0x13: {  	s23 =	sshrl.u32 s23, $0x3;
	s24 =	sshrl.u32 s24, $0x3;
	s25 =	sshrl.u32 s25, $0x3  }
0x14: {  	s9 =	sadd.s32 $0x4000, s7;
	s10 =	sadd.s32 $0x8000, s7;
	s11 =	sadd.s32 $0xC000, s7  }
0x15: {  	s12 =	sadd.s32 $0x10000, s7;
	s20 =	sadd.s32 s26, s20;
	s26 =	simm.s32 $0x0  }
.LBB2_1:
0x16: {  	[tilespmem:s3], [sflag:$0x1] =	stream.linear.gather [hbm4b:s6+s3], $0x2800, $0x38;
	[tilespmem:$0x1E800] =	vst v63  }
0x17: {  	_ =	swait.ge [sflag:s13], $0x2800  }
0x18: {  	[sflag:s13] =	ssyncset.done $0x0  }
0x19: {  	[sflag:s13] =	ssyncadd.s32 $0xFFFFD800  }
0x1a: {  	[tilespmem:s14], [sflag:$0x1] =	stream.linear.gather [hbm4b:s5+s3], $0x4000, $0x38;
	[tilespmem:$0x1E800] =	vst v63  }
0x1b: {  	_ =	swait.ge [sflag:s13], $0x4000  }
0x1c: {  	[sflag:s13] =	ssyncset.done $0x0  }
0x1d: {  	[sflag:s13] =	ssyncadd.s32 $0xFFFFC000  }
0x1e: {  	[tilespmem:s15], [sflag:$0x1] =	stream.linear.gather [hbm4b:s4+s3], $0x4000, $0x38;
	[tilespmem:$0x1E800] =	vst v63  }
0x1f: {  	_ =	swait.ge [sflag:s13], $0x4000  }
0x20: {  	[sflag:s13] =	ssyncset.done $0x0  }
0x21: {  	[sflag:s13] =	ssyncadd.s32 $0xFFFFC000  }
0x22: {  	[spmem:s7] =	stream.linear.scatter [tilespmem:s15], [sflag:$0x1], $0x4000, $0x38;
	[tilespmem:$0x1E800] =	vst v63  }
0x23: {  	_ =	swait.ge [sflag:s13], $0x4000  }
0x24: {  	[sflag:s13] =	ssyncset.done $0x0  }
0x25: {  	[sflag:s13] =	ssyncadd.s32 $0xFFFFC000  }
0x26: {  	[spmem:s9] =	stream.linear.scatter [tilespmem:s15], [sflag:$0x1], $0x4000, $0x38;
	[tilespmem:$0x1E800] =	vst v63  }
0x27: {  	_ =	swait.ge [sflag:s13], $0x4000  }
0x28: {  	[sflag:s13] =	ssyncset.done $0x0  }
0x29: {  	[sflag:s13] =	ssyncadd.s32 $0xFFFFC000  }
0x2a: {  	[spmem:s10] =	stream.linear.scatter [tilespmem:s15], [sflag:$0x1], $0x4000, $0x38;
	[tilespmem:$0x1E800] =	vst v63  }
0x2b: {  	_ =	swait.ge [sflag:s13], $0x4000  }
0x2c: {  	[sflag:s13] =	ssyncset.done $0x0  }
0x2d: {  	[sflag:s13] =	ssyncadd.s32 $0xFFFFC000  }
0x2e: {  	[spmem:s11] =	stream.linear.scatter [tilespmem:s15], [sflag:$0x1], $0x4000, $0x38;
	[tilespmem:$0x1E800] =	vst v63  }
0x2f: {  	_ =	swait.ge [sflag:s13], $0x4000  }
0x30: {  	[sflag:s13] =	ssyncset.done $0x0  }
0x31: {  	[sflag:s13] =	ssyncadd.s32 $0xFFFFC000  }
0x32: {  	[spmem:s12] =	stream.linear.scatter [tilespmem:s15], [sflag:$0x1], $0x4000, $0x38;
	[tilespmem:$0x1E800] =	vst v63  }
0x33: {  	_ =	swait.ge [sflag:s13], $0x4000  }
0x34: {  	[sflag:s13] =	ssyncset.done $0x0  }
0x35: {  	[sflag:s13] =	ssyncadd.s32 $0xFFFFC000  }
0x36: {  	s28 =	simm.s32 $0x0;
	[bflag:$0x0] =	sbarrier.arrive $0xFFFF  }
0x37: {  	[spmem:s2] =	stream.indirect.scatter.add.f32 [tilespmem:s14], [sflag:$0x1], $0x80, s28, s21, $0xb8;
	[tilespmem:$0x1E800] =	vst v63  }
0x38: {  	_ =	swait.ge [sflag:s13], $0x4000  }
0x39: {  	s28 =	simm.s32 $0x200;
	[sflag:s13] =	ssyncset.done $0x0  }
.LBB2_2:
0x3a: {  	s29 =	sshra.s32 s28, $0x2;
	[sflag:s13] =	ssyncadd.s32 $0xFFFFC000;
	p0 =	sne.s32 s28, $0x9E00  }
0x3b: {  	[spmem:s2] =	stream.indirect.scatter.add.f32 [tilespmem:s14], [sflag:$0x1], $0x80, s29, s21, $0xb8;
	[tilespmem:$0x1E800] =	vst v63  }
.Ltmp0:
0x3c: {  	_ = 	snop;
	(pc) =	sbr.rel @p0 .LBB2_2-.Ltmp0, $4  }
0x3d: {  	_ = 	snop  }
0x3e: {  	s28 =	sadd.s32 $0x200, s28  }
0x3f: {  	_ =	swait.ge [sflag:s13], $0x4000  }
0x40: {  	[sflag:s13] =	ssyncset.done $0x0  }
0x41: {  	[sflag:s13] =	ssyncadd.s32 $0xFFFFC000;
	s28 =	sshll.u32 s0, $0x6  }
0x42: {  	s29 =	sshrl.u32 s7, $0x3;
	[bflag:$0x0] =	sbarrier.arrive $0xFFFF;
	s28 =	sor.u32 $0x1C01, s28  }
0x43: {  	[hbm:s16], [sflag:s28] =	dma.local [spmem:s29], $0x800  }
0x44: {  	_ =	swait.ge [sflag:s13], $0x800  }
0x45: {  	[sflag:s13] =	ssyncset.done $0x0  }
0x46: {  	[sflag:s13] =	ssyncadd.s32 $0xFFFFF800  }
0x47: {  	[hbm:s17], [sflag:s28] =	dma.local [spmem:s22], $0x800  }
0x48: {  	_ =	swait.ge [sflag:s13], $0x800  }
0x49: {  	[sflag:s13] =	ssyncset.done $0x0  }
0x4a: {  	[sflag:s13] =	ssyncadd.s32 $0xFFFFF800  }
0x4b: {  	[hbm:s18], [sflag:s28] =	dma.local [spmem:s23], $0x800  }
0x4c: {  	_ =	swait.ge [sflag:s13], $0x800  }
0x4d: {  	[sflag:s13] =	ssyncset.done $0x0  }
0x4e: {  	[sflag:s13] =	ssyncadd.s32 $0xFFFFF800  }
0x4f: {  	[hbm:s19], [sflag:s28] =	dma.local [spmem:s24], $0x800  }
0x50: {  	s26 =	sadd.s32 $0x1, s26;
	_ =	swait.ge [sflag:s13], $0x800  }
0x51: {  	p0 =	sne.s32 s26, s8;
	[sflag:s13] =	ssyncset.done $0x0  }
.Ltmp1:
0x52: {  	[sflag:s13] =	ssyncadd.s32 $0xFFFFF800;
	(pc) =	sbr.rel @p0 .LBB2_1-.Ltmp1, $4  }
0x53: {  	[hbm:s20], [sflag:s28] =	dma.local [spmem:s25], $0x800  }
0x54: {  	_ =	swait.ge [sflag:s13], $0x800  }
0x55: {  	[sflag:s13] =	ssyncset.done $0x0  }
0x56: {  	[sflag:s13] =	ssyncadd.s32 $0xFFFFF800  }
0x57: {  	_ =	sfence.sel $0x180000  }
0x58: {  	[bflag:$0x0] =	sbarrier.arrive $0xFFFF  }
0x59: {  	p0 =	sne.s32 s0, $0x0;
	_ =	strace $0x90000047  }
0x5a: {  	s0 =	sadd.s32 @!p0 $0x100000, s1;
	[bflag:$0x2] =	sbarrier.arrive $0xFFFF  }
0x5b: {  	[sflag:s0] =	ssyncadd.tile.s32 @!p0 $0x1;
	_ =	shalt  }
.Lfunc_end2:
_tile_overlayer_lowered:
.L_overlay_start_2:
0x5c: {  	(tag) =	ssettag $0x2  }
0x5d: {  	s0 =	rddreg [dreg:$0x0];
	s2 =	stileid.u32  }
0x5e: {  	s1 =	rddreg [dreg:$0x1];
	p0 =	sne.s32 s2, $0x0  }
0x5f: {  	s3 =	rddreg [dreg:$0x2];
	[bflag:$0x3] =	sbarrier.arrive $0xFFFF;
	s2 =	simm.s32 @!p0 $0x1C01  }
0x60: {  	[timem:s3], [sflag:s2] =	dma.local @!p0 [hbm:s0], s1  }
0x61: {  	s0 =	simm.s32 @!p0 $0x1  }
0x62: {  	_ =	swait.ge @!p0 [sflag:s0], s1  }
0x63: {  	s1 =	ssub.s32 @!p0 $0x0, s1;
	[sflag:s0] =	ssyncset.done @!p0 $0x0  }
0x64: {  	[sflag:s0] =	ssyncadd.s32 @!p0 s1  }
0x65: {  	[bflag:$0x3] =	sbarrier.arrive $0xFFFF  }
0x66: {  	_ =	shalt  }

// kernel: kernel.15.cloned.1.call-start
scs
__scs_entry_jumppad:
0x0: {  	(pc) =	sbr.rel $0x88, $3  }
0x1: {  	(tag) =	ssettag $0x0;
	lr =	simm.s32 $0x1  }
0x2: {  	[smem:$0x3F9B] =	sst lr;
	_ =	strace $0xD0000000  }
0x3: {  	_ = 	snop  }
0x4: {  	_ = 	snop  }
0x5: {  	_ = 	snop  }
0x6: {  	_ = 	snop  }
0x7: {  	_ = 	snop  }
__scs_overlays_trampoline_lowered:
0x8: {  	[smem:$0x3FAA] =	sst s0  }
0x9: {  	[smem:$0x3FAB] =	sst s1  }
0xa: {  	[smem:$0x3FAC] =	sst s2  }
0xb: {  	[smem:$0x3FAD] =	sst s3  }
0xc: {  	[smem:$0x3FAE] =	sst s4  }
0xd: {  	[smem:$0x3FAF] =	sst s5  }
0xe: {  	[smem:$0x3FB0] =	sst s6  }
0xf: {  	[smem:$0x3FB1] =	sst s7  }
0x10: {  	[smem:$0x3FB2] =	sst s8  }
0x11: {  	[smem:$0x3FB3] =	sst s9;
	s0 =	simm.s32 @!p0 $0x0  }
0x12: {  	s1 =	sld [smem:$0x3F99];
	s0 =	simm.s32 @p0 $0x1  }
0x13: {  	[smem:$0x3FB4] =	sst s0;
	s0 =	simm.s32 @!p1 $0x0  }
0x14: {  	s2 =	sld [smem:$0x3F98];
	s0 =	simm.s32 @p1 $0x1  }
0x15: {  	[smem:$0x3FB5] =	sst s0;
	s0 =	simm.s32 @!p2 $0x0  }
0x16: {  	s3 =	sld [smem:$0x3FDB];
	s0 =	simm.s32 @p2 $0x1  }
0x17: {  	s4 =	simm.s32 $0x1BF5;
	[smem:$0x3FB7] =	sst s0  }
0x18: {  	s0 =	sld [smem:$0x3F9A];
	_ =	swait.ge [sflag:s4], $0x0  }
0x19: {  	s7 =	sld [smem:$0x3F9B]  }
0x1a: {  	s8 =	sadd.s32 $0xFFFFE003, lr  }
0x1b: {  	s9 =	sadd.s32 $0xFFFFFEF7, lr;
	s5 =	simm.s32 $0xFFFFFFFF;
	p2 =	slt.u32 s8, $0xFFFFF086  }
0x1c: {  	p1 =	slt.u32 s9, $0xF7A;
	s5 =	simm.s32 @!p2 $0x0  }
0x1d: {  	s5 =	simm.s32 @p1 $0x1;
	p0 =	seq.s32 s7, s2  }
0x1e: {  	s7 =	smul.u32 @!p0 $0xF7A, s2;
	p2 =	seq.s32 @!p0 s5, $0x0  }
0x1f: {  	s9 =	smul.u32 $0xF7A, s1;
	s8 =	simm.s32 @!p0 $0x1BF5;
	p2 =	por !p2, p0  }
0x20: {  	[sflag:s8] =	ssyncset.s32 @!p0 $0xFFFFF086;
	s6 =	sadd.s32 @!p0 s3, s7;
	s7 =	simm.s32 @!p0 $0x108  }
0x21: {  	s3 =	sadd.s32 s3, s9;
	s6 =	sadd.s32 @!p0 $0x88, s6;
	s7 =	simm.s32 @p2 $0x1082  }
0x22: {  	[simem:s7], [sflag:s8] =	dma.local @!p0 [hbm:s6], $0xF7A  }
0x23: {  	s9 =	sor.u32 $0xD0000000, s2;
	s6 =	simm.s32 $0x108;
	_ =	swait.ge @!p0 [sflag:s8], $0x0  }
0x24: {  	s3 =	sadd.s32 $0x88, s3;
	s6 =	simm.s32 @!p1 $0x1082;
	[sflag:s4] =	ssyncset.s32 $0xFFFFF086  }
0x25: {  	[simem:s6], [sflag:s4] =	dma.local [hbm:s3], $0xF7A  }
0x26: {  	[smem:$0x3F9B] =	sst s1;
	(tag) =	ssettag s2;
	_ =	strace s9  }
0x27: {  	s1 =	sld [smem:$0x3FAB]  }
0x28: {  	s2 =	sld [smem:$0x3FAC]  }
0x29: {  	s4 =	sld [smem:$0x3FAE]  }
0x2a: {  	p0 =	seq.s32 s5, $0x0;
	s5 =	sld [smem:$0x3FAF]  }
0x2b: {  	s6 =	sld [smem:$0x3FB0]  }
0x2c: {  	s7 =	sld [smem:$0x3FB1]  }
0x2d: {  	s3 =	simm.s32 $0x108;
	s8 =	sld [smem:$0x3FB2]  }
0x2e: {  	s3 =	simm.s32 @!p0 $0x1082;
	s9 =	sld [smem:$0x3FB3]  }
0x2f: {  	lr =	sadd.s32 s0, s3;
	s0 =	sld [smem:$0x3FAA]  }
0x30: {  	s3 =	sld [smem:$0x3FAD]  }
0x31: {  	[smem:$0x3FB6] =	sst s10  }
0x32: {  	s10 =	sld [smem:$0x3FB4];
	_ =	sdelay $0x3  }
0x33: {  	p0 =	seq.s32 s10, $0x1;
	s10 =	sld [smem:$0x3FB6];
	_ =	sdelay $0x3  }
0x34: {  	[smem:$0x3FB6] =	sst s10  }
0x35: {  	s10 =	sld [smem:$0x3FB5];
	_ =	sdelay $0x3  }
0x36: {  	p1 =	seq.s32 s10, $0x1;
	s10 =	sld [smem:$0x3FB6];
	_ =	sdelay $0x3  }
0x37: {  	[smem:$0x3FB6] =	sst s10  }
0x38: {  	s10 =	sld [smem:$0x3FB7]  }
0x39: {  	_ = 	snop;
	(pc) =	sbr.ind lr, $3  }
0x3a: {  	_ = 	snop  }
0x3b: {  	_ = 	snop  }
0x3c: {  	p2 =	seq.s32 s10, $0x1;
	s10 =	sld [smem:$0x3FB6]  }
0x3d: {  	_ =	shalt  }
0x3e: {  	_ =	shalt  }
0x3f: {  	_ =	shalt  }
0x40: {  	_ =	shalt  }
0x41: {  	_ =	shalt  }
0x42: {  	_ =	shalt  }
0x43: {  	_ =	shalt  }
0x44: {  	_ =	shalt  }
0x45: {  	_ =	shalt  }
0x46: {  	_ =	shalt  }
0x47: {  	_ =	shalt  }
0x48: {  	_ =	shalt  }
0x49: {  	_ =	shalt  }
0x4a: {  	_ =	shalt  }
0x4b: {  	_ =	shalt  }
0x4c: {  	_ =	shalt  }
0x4d: {  	_ =	shalt  }
0x4e: {  	_ =	shalt  }
0x4f: {  	_ =	shalt  }
0x50: {  	_ =	shalt  }
0x51: {  	_ =	shalt  }
0x52: {  	_ =	shalt  }
0x53: {  	_ =	shalt  }
0x54: {  	_ =	shalt  }
0x55: {  	_ =	shalt  }
0x56: {  	_ =	shalt  }
0x57: {  	_ =	shalt  }
0x58: {  	_ =	shalt  }
0x59: {  	_ =	shalt  }
0x5a: {  	_ =	shalt  }
0x5b: {  	_ =	shalt  }
0x5c: {  	_ =	shalt  }
0x5d: {  	_ =	shalt  }
0x5e: {  	_ =	shalt  }
0x5f: {  	_ =	shalt  }
0x60: {  	_ =	shalt  }
0x61: {  	_ =	shalt  }
0x62: {  	_ =	shalt  }
0x63: {  	_ =	shalt  }
0x64: {  	_ =	shalt  }
0x65: {  	_ =	shalt  }
0x66: {  	_ =	shalt  }
0x67: {  	_ =	shalt  }
0x68: {  	_ =	shalt  }
0x69: {  	_ =	shalt  }
0x6a: {  	_ =	shalt  }
0x6b: {  	_ =	shalt  }
0x6c: {  	_ =	shalt  }
0x6d: {  	_ =	shalt  }
0x6e: {  	_ =	shalt  }
0x6f: {  	_ =	shalt  }
0x70: {  	_ =	shalt  }
0x71: {  	_ =	shalt  }
0x72: {  	_ =	shalt  }
0x73: {  	_ =	shalt  }
0x74: {  	_ =	shalt  }
0x75: {  	_ =	shalt  }
0x76: {  	_ =	shalt  }
0x77: {  	_ =	shalt  }
0x78: {  	_ =	shalt  }
0x79: {  	_ =	shalt  }
0x7a: {  	_ =	shalt  }
0x7b: {  	_ =	shalt  }
0x7c: {  	_ =	shalt  }
0x7d: {  	_ =	shalt  }
0x7e: {  	_ =	shalt  }
0x7f: {  	_ =	shalt  }
0x80: {  	_ =	shalt  }
0x81: {  	_ =	shalt  }
0x82: {  	_ =	shalt  }
0x83: {  	_ =	shalt  }
0x84: {  	_ =	shalt  }
0x85: {  	_ =	shalt  }
0x86: {  	_ =	shalt  }
0x87: {  	_ =	shalt  }
.Lfunc_end0:
.L_simem_size_0:
called_computation.1_lowered:
.L_overlay_start_0:
0x88: {  	s2 =	sld [smem:$0x3FD9]  }
0x89: {  	s3 =	sld [smem:$0x3FFE];
	_ =	sdelay $0x1  }
0x8a: {  	s1 =	srdreg.scid  }
0x8b: {  	s0 =	sand.u32 $0x1, s1  }
0x8c: {  	s17 =	sshll.u32 s0, $0xA;
	s2 =	sadd.s32 s3, s2  }
0x8d: {  	s2 =	sadd.s32 s2, s17  }
0x8e: {  	[smem:$0x3FC2] =	sst s2  }
0x8f: {  	_ = 	snop  }
0x90: {  	s2 =	sld [smem:$0x3FD0];
	(tm) =	ssettm $0x1  }
0x91: {  	s18 =	sld [smem:$0x3FFB];
	_ =	sdelay $0x3  }
0x92: {  	_ =	strace s18  }
0x93: {  	s3 =	sld [smem:$0x3FFC];
	_ =	sdelay $0x3  }
0x94: {  	_ =	strace s3  }
0x95: {  	s3 =	sld [smem:$0x3FFD];
	_ =	sdelay $0x3  }
0x96: {  	_ =	strace s3  }
0x97: {  	_ =	strace $0x8FFFFFFF  }
0x98: {  	s19 =	sld [smem:$0x3FDB];
	_ =	sdelay $0x1  }
0x99: {  	s4 =	simm.s32 $_scs_section_size  }
0x9a: {  	s5 =	simm.s32 $_size__tile_overlayer_lowered;
	s6 =	simm.s32 $_tile_overlayer_lowered  }
0x9b: {  	s22 =	simm.s32 $0x1BFF;
	s21 =	sshll.u32 s6, $0x1;
	s3 =	sadd.s32 s4, s19  }
0x9c: {  	s7 =	simm.s32 $0x0;
	s20 =	sshll.u32 s5, $0x1;
	s5 =	sadd.s32 s21, s3  }
0x9d: {  	[timem:s7], [sflag:s22] =	dma.local [hbm:s5], s20  }
0x9e: {  	_ =	swait.ge [sflag:s22], s20  }
0x9f: {  	s4 =	ssub.s32 $0x0, s20;
	[sflag:s22] =	ssyncset.done $0x0  }
0xa0: {  	[sflag:s22] =	ssyncadd.s32 s4;
	_ =	sdelay $0x1  }
0xa1: {  	s23 =	simm.s32 $0x1B8B  }
0xa2: {  	_ =	swait.ge [sflag:s23], $0x1  }
0xa3: {  	[sflag:s23] =	ssyncset.done $0x0  }
0xa4: {  	s25 =	simm.s32 $0x1B8E;
	s24 =	sld [smem:$0x3FFE];
	[sflag:s23] =	ssyncadd.s32 $0xFFFFFFFF  }
0xa5: {  	s26 =	simm.s32 $execute0_lowered;
	[smem:$0x3FD2] =	sst s25  }
0xa6: {  	s5 =	sshll.u32 s26, $0x1;
	_ =	strace $0x80000049;
	[dreg:$0x1] =	wrdreg $0xFFFFFFFF  }
0xa7: {  	s28 =	simm.s32 $_size_execute0_lowered;
	s3 =	sadd.s32 s3, s5;
	[dreg:$0x0] =	wrdreg $0x0  }
0xa8: {  	s5 =	sshll.u32 s28, $0x1;
	[dreg:$0x2] =	wrdreg s3  }
0xa9: {  	[dreg:$0x3] =	wrdreg s5  }
0xaa: {  	[dreg:$0x4] =	wrdreg $0xC0  }
0xab: {  	_ =	task [dreg:s7], $0x5FFFF  }
0xac: {  	[dreg:$0x1] =	wrdreg $0xFFFFFFFF  }
0xad: {  	[dreg:$0x0] =	wrdreg $0x60  }
0xae: {  	[dreg:$0x2] =	wrdreg s24  }
0xaf: {  	[dreg:$0x3] =	wrdreg s2  }
0xb0: {  	[dreg:$0x4] =	wrdreg $0x90000  }
0xb1: {  	[dreg:$0x5] =	wrdreg $0x9  }
0xb2: {  	_ =	task.clear_ibuf [dreg:s7], $0x6FFFF;
	_ =	strace $0x90000049  }
0xb3: {  	s29 =	simm.s32 $0x9;
	_ =	strace $0x8000004B  }
0xb4: {  	_ =	swait.ge [sflag:s29], $0x1  }
0xb5: {  	[sflag:s29] =	ssyncadd.s32 $0xFFFFFFFF  }
0xb6: {  	_ =	strace $0x9000004B  }
0xb7: {  	_ =	sfence  }
0xb8: {  	s30 =	sld [smem:$0x0];
	_ =	sdelay $0x2  }
0xb9: {  	s31 =	sshll.u32 s1, $0xD;
	s1 =	sshrl.u32 s1, $0x2  }
0xba: {  	s3 =	sand.u32 $0x4000, s31;
	s1 =	sadd.s32 s1, s30  }
0xbb: {  	s0 =	sor.u32 s3, s0;
	s1 =	sshll.u32 s1, $0x11  }
0xbc: {  	s0 =	sor.u32 s1, s0  }
0xbd: {  	s0 =	sadd.s32 $0x8F2B, s0  }
0xbe: {  	[sflag:s0] =	ssyncadd.remote.s32 $0x1  }
0xbf: {  	_ =	sfence.sel $0xFFFF  }
0xc0: {  	[dreg:$0x0] =	wrdreg $0xFFFFFFFF;
	(pc) =	sbr.abs _section_cstart, $3  }
0xc1: {  	[dreg:$0x1] =	wrdreg $0xFFFFFFFF  }
0xc2: {  	_ =	task.clear_ibuf [dreg:s7], $0x2FFFF;
	_ =	strace $0x9FFFFFFF  }
0xc3: {  	(tm) =	ssettm $0x7FFFFFFF  }
tec
execute0_lowered:
.L_overlay_start_1:
0x0: {  	(tag) =	ssettag $0x1  }
0x1: {  	s6 =	rddreg [dreg:$0x0]  }
0x2: {  	s7 =	rddreg [dreg:$0x1]  }
0x3: {  	s2 =	rddreg [dreg:$0x2]  }
0x4: {  	s4 =	srdreg.scid;
	s1 =	stileid.u32;
	s3 =	simm.s32 $0x0  }
0x5: {  	s28 =	simm.s32 $0x0;
	s5 =	sand.u32 $0x1, s4;
	s13 =	smul.u32 $0x50000, s1  }
0x6: {  	s30 =	sshll.u32 s1, $0x1;
	[smem:$0x7FF] =	sst s3;
	s14 =	smul.u32 $0x280, s1  }
0x7: {  	s16 =	smul.u32 $0x2800, s1;
	s4 =	sor.u32 s5, s30;
	_ =	strace $0x8000004A  }
0x8: {  	s9 =	smul.u32 $0x28000, s5;
	s10 =	ssub.s32 $0x2, s5;
	s5 =	sadd.s32 $0xEA00, s6  }
0x9: {  	s8 =	smul.u32 $0x500, s4;
	s4 =	sadd.s32 $0x5FA00, s6;
	s12 =	sshrl.u32 s10, $0x1  }
0xa: {  	s31 =	sshrl.u32 s13, $0x2;
	s15 =	sadd.s32 $0x80, s14;
	s18 =	sadd.s32 $0x100, s14  }
0xb: {  	s29 =	sadd.s32 $0x180, s14;
	s14 =	sadd.s32 $0x200, s14;
	s9 =	sadd.s32 s9, s6  }
0xc: {  	s10 =	ssub.s32 s10, s12;
	s17 =	sshll.u32 s15, $0x7;
	s0 =	sshll.u32 s15, $0x4  }
0xd: {  	s26 =	sshll.u32 s18, $0x7;
	s18 =	sshll.u32 s18, $0x4;
	s19 =	sshll.u32 s29, $0x7  }
0xe: {  	s21 =	sshll.u32 s14, $0x7;
	s30 =	sshll.u32 s29, $0x4;
	s15 =	simm.s32 $0x2800  }
0xf: {  	s11 =	sadd.s32 s8, s6;
	s6 =	sadd.s32 s7, s8;
	s8 =	sadd.s32 s31, s2  }
0x10: {  	s20 =	sadd.s32 $0x87A00, s9;
	s9 =	smax.u32 s10, $0x1;
	s22 =	sadd.s32 s17, s2  }
0x11: {  	s23 =	sadd.s32 s26, s2;
	s24 =	sadd.s32 s19, s2;
	s25 =	sadd.s32 s21, s2  }
0x12: {  	s31 =	sshll.u32 s14, $0x4;
	s14 =	simm.s32 $0x1;
	s21 =	simm.s32 $0x5000  }
0x13: {  	s26 =	simm.s32 $0x80;
	s7 =	sadd.s32 $0x4A00, s11;
	s10 =	sadd.s32 $0x4000, s8  }
0x14: {  	s11 =	sadd.s32 $0x8000, s8;
	s12 =	sadd.s32 $0xC000, s8;
	s13 =	sadd.s32 $0x10000, s8  }
0x15: {  	s16 =	sadd.s32 s16, s20;
	s17 =	sadd.s32 s0, s20;
	s18 =	sadd.s32 s18, s20  }
0x16: {  	s19 =	sadd.s32 s30, s20;
	s20 =	sadd.s32 s31, s20;
	s22 =	sshrl.u32 s22, $0x3  }
0x17: {  	s23 =	sshrl.u32 s23, $0x3;
	s24 =	sshrl.u32 s24, $0x3;
	s25 =	sshrl.u32 s25, $0x3  }
.LBB2_1:
0x18: {  	[tilespmem:s3], [sflag:$0x1] =	stream.linear.gather [hbm4b:s6+s3], $0x2800, $0x38;
	[tilespmem:$0x1D000] =	vst v63  }
0x19: {  	_ =	swait.ge [sflag:s14], $0x2800  }
0x1a: {  	[sflag:s14] =	ssyncset.done $0x0  }
0x1b: {  	[sflag:s14] =	ssyncadd.s32 $0xFFFFD800  }
0x1c: {  	[tilespmem:s15], [sflag:$0x1] =	stream.linear.gather [hbm4b:s7+s3], $0x2800, $0x38;
	[tilespmem:$0x1D000] =	vst v63  }
0x1d: {  	_ =	swait.ge [sflag:s14], $0x2800  }
0x1e: {  	[sflag:s14] =	ssyncset.done $0x0  }
0x1f: {  	[sflag:s14] =	ssyncadd.s32 $0xFFFFD800  }
0x20: {  	[tilespmem:s21], [sflag:$0x1] =	stream.linear.gather [hbm4b:s5+s3], $0x4000, $0x38;
	[tilespmem:$0x1D000] =	vst v63  }
0x21: {  	_ =	swait.ge [sflag:s14], $0x4000  }
0x22: {  	[sflag:s14] =	ssyncset.done $0x0  }
0x23: {  	[sflag:s14] =	ssyncadd.s32 $0xFFFFC000  }
0x24: {  	[spmem:s8] =	stream.linear.scatter [tilespmem:s21], [sflag:$0x1], $0x4000, $0x38;
	[tilespmem:$0x1D000] =	vst v63  }
0x25: {  	_ =	swait.ge [sflag:s14], $0x4000  }
0x26: {  	[sflag:s14] =	ssyncset.done $0x0  }
0x27: {  	[sflag:s14] =	ssyncadd.s32 $0xFFFFC000  }
0x28: {  	[spmem:s10] =	stream.linear.scatter [tilespmem:s21], [sflag:$0x1], $0x4000, $0x38;
	[tilespmem:$0x1D000] =	vst v63  }
0x29: {  	_ =	swait.ge [sflag:s14], $0x4000  }
0x2a: {  	[sflag:s14] =	ssyncset.done $0x0  }
0x2b: {  	[sflag:s14] =	ssyncadd.s32 $0xFFFFC000  }
0x2c: {  	[spmem:s11] =	stream.linear.scatter [tilespmem:s21], [sflag:$0x1], $0x4000, $0x38;
	[tilespmem:$0x1D000] =	vst v63  }
0x2d: {  	_ =	swait.ge [sflag:s14], $0x4000  }
0x2e: {  	[sflag:s14] =	ssyncset.done $0x0  }
0x2f: {  	[sflag:s14] =	ssyncadd.s32 $0xFFFFC000  }
0x30: {  	[spmem:s12] =	stream.linear.scatter [tilespmem:s21], [sflag:$0x1], $0x4000, $0x38;
	[tilespmem:$0x1D000] =	vst v63  }
0x31: {  	_ =	swait.ge [sflag:s14], $0x4000  }
0x32: {  	[sflag:s14] =	ssyncset.done $0x0  }
0x33: {  	[sflag:s14] =	ssyncadd.s32 $0xFFFFC000  }
0x34: {  	[spmem:s13] =	stream.linear.scatter [tilespmem:s21], [sflag:$0x1], $0x4000, $0x38;
	[tilespmem:$0x1D000] =	vst v63  }
0x35: {  	_ =	swait.ge [sflag:s14], $0x4000  }
0x36: {  	[sflag:s14] =	ssyncset.done $0x0  }
0x37: {  	[sflag:s14] =	ssyncadd.s32 $0xFFFFC000  }
0x38: {  	s29 =	simm.s32 $0x0;
	[bflag:$0x0] =	sbarrier.arrive $0xFFFF  }
0x39: {  	[tilespmem:s21], [sflag:$0x1] =	stream.indirect.gather [hbm4b:s4+s26], $0x80, s29, s26, $0xb8;
	[tilespmem:$0x1D000] =	vst v63  }
0x3a: {  	_ =	swait.ge [sflag:s14], $0x4000  }
0x3b: {  	[sflag:s14] =	ssyncset.done $0x0  }
0x3c: {  	s29 =	simm.s32 $0x2800;
	[sflag:s14] =	ssyncadd.s32 $0xFFFFC000  }
0x3d: {  	[spmem:s2] =	stream.indirect.scatter.add.f32 [tilespmem:s21], [sflag:$0x1], $0x80, s29, s26, $0xb8;
	[tilespmem:$0x1D000] =	vst v63  }
0x3e: {  	_ =	swait.ge [sflag:s14], $0x4000  }
0x3f: {  	s30 =	simm.s32 $0x400;
	s29 =	simm.s32 $0x200;
	[sflag:s14] =	ssyncset.done $0x0  }
.LBB2_2:
0x40: {  	s31 =	sshra.s32 s29, $0x2  }
0x41: {  	[sflag:s14] =	ssyncadd.s32 $0xFFFFC000;
	s29 =	smov.u32 s30;
	s0 =	sadd.s32 $0x200, s30  }
0x42: {  	[tilespmem:s21], [sflag:$0x1] =	stream.indirect.gather [hbm4b:s4+s26], $0x80, s31, s26, $0xb8;
	[tilespmem:$0x1D000] =	vst v63  }
0x43: {  	p0 =	sne.s32 s30, $0x9E00;
	_ =	swait.ge [sflag:s14], $0x4000  }
.Ltmp0:
0x44: {  	[sflag:s14] =	ssyncset.done $0x0;
	(pc) =	sbr.rel @p0 .LBB2_2-.Ltmp0, $4  }
0x45: {  	s30 =	sadd.s32 $0x2800, s31;
	[sflag:s14] =	ssyncadd.s32 $0xFFFFC000  }
0x46: {  	[spmem:s2] =	stream.indirect.scatter.add.f32 [tilespmem:s21], [sflag:$0x1], $0x80, s30, s26, $0xb8;
	[tilespmem:$0x1D000] =	vst v63  }
0x47: {  	_ =	swait.ge [sflag:s14], $0x4000  }
0x48: {  	s30 =	smov.u32 s0;
	[sflag:s14] =	ssyncset.done $0x0  }
0x49: {  	s0 =	sshra.s32 s29, $0x2;
	[sflag:s14] =	ssyncadd.s32 $0xFFFFC000  }
0x4a: {  	[tilespmem:s21], [sflag:$0x1] =	stream.indirect.gather [hbm4b:s4+s26], $0x80, s0, s26, $0xb8;
	[tilespmem:$0x1D000] =	vst v63  }
0x4b: {  	_ =	swait.ge [sflag:s14], $0x4000  }
0x4c: {  	[sflag:s14] =	ssyncset.done $0x0  }
0x4d: {  	s0 =	sadd.s32 $0x2800, s0;
	[sflag:s14] =	ssyncadd.s32 $0xFFFFC000  }
0x4e: {  	[spmem:s2] =	stream.indirect.scatter.add.f32 [tilespmem:s21], [sflag:$0x1], $0x80, s0, s26, $0xb8;
	[tilespmem:$0x1D000] =	vst v63  }
0x4f: {  	_ =	swait.ge [sflag:s14], $0x4000  }
0x50: {  	[sflag:s14] =	ssyncset.done $0x0  }
0x51: {  	s30 =	sshll.u32 s1, $0x6;
	[sflag:s14] =	ssyncadd.s32 $0xFFFFC000  }
0x52: {  	s31 =	sshrl.u32 s8, $0x3;
	s0 =	sor.u32 $0x1C01, s30;
	[bflag:$0x0] =	sbarrier.arrive $0xFFFF  }
0x53: {  	[hbm:s16], [sflag:s0] =	dma.local [spmem:s31], $0x800  }
0x54: {  	_ =	swait.ge [sflag:s14], $0x800  }
0x55: {  	[sflag:s14] =	ssyncset.done $0x0  }
0x56: {  	[sflag:s14] =	ssyncadd.s32 $0xFFFFF800  }
0x57: {  	[hbm:s17], [sflag:s0] =	dma.local [spmem:s22], $0x800  }
0x58: {  	_ =	swait.ge [sflag:s14], $0x800  }
0x59: {  	[sflag:s14] =	ssyncset.done $0x0  }
0x5a: {  	[sflag:s14] =	ssyncadd.s32 $0xFFFFF800  }
0x5b: {  	[hbm:s18], [sflag:s0] =	dma.local [spmem:s23], $0x800  }
0x5c: {  	_ =	swait.ge [sflag:s14], $0x800  }
0x5d: {  	[sflag:s14] =	ssyncset.done $0x0  }
0x5e: {  	[sflag:s14] =	ssyncadd.s32 $0xFFFFF800  }
0x5f: {  	[hbm:s19], [sflag:s0] =	dma.local [spmem:s24], $0x800  }
0x60: {  	s28 =	sadd.s32 $0x1, s28;
	_ =	swait.ge [sflag:s14], $0x800  }
0x61: {  	p0 =	sne.s32 s28, s9;
	[sflag:s14] =	ssyncset.done $0x0  }
.Ltmp1:
0x62: {  	[sflag:s14] =	ssyncadd.s32 $0xFFFFF800;
	(pc) =	sbr.rel @p0 .LBB2_1-.Ltmp1, $4  }
0x63: {  	[hbm:s20], [sflag:s0] =	dma.local [spmem:s25], $0x800  }
0x64: {  	_ =	swait.ge [sflag:s14], $0x800  }
0x65: {  	[sflag:s14] =	ssyncset.done $0x0  }
0x66: {  	[sflag:s14] =	ssyncadd.s32 $0xFFFFF800  }
0x67: {  	_ =	sfence.sel $0x180000  }
0x68: {  	[bflag:$0x0] =	sbarrier.arrive $0xFFFF  }
0x69: {  	_ =	strace $0x9000004A  }
0x6a: {  	[bflag:$0x2] =	sbarrier.arrive $0xFFFF  }
0x6b: {  	p0 =	sne.s32 s1, $0x0;
	s0 =	rddreg [dreg:$0x3]  }
0x6c: {  	s0 =	sadd.s32 @!p0 $0x100000, s0  }
0x6d: {  	[sflag:s0] =	ssyncadd.tile.s32 @!p0 $0x1;
	_ =	shalt  }
.Lfunc_end2:
_tile_overlayer_lowered:
.L_overlay_start_2:
0x6e: {  	(tag) =	ssettag $0x2  }
0x6f: {  	s0 =	rddreg [dreg:$0x0];
	s2 =	stileid.u32  }
0x70: {  	s1 =	rddreg [dreg:$0x1];
	p0 =	sne.s32 s2, $0x0  }
0x71: {  	s3 =	rddreg [dreg:$0x2];
	[bflag:$0x3] =	sbarrier.arrive $0xFFFF;
	s2 =	simm.s32 @!p0 $0x1C01  }
0x72: {  	[timem:s3], [sflag:s2] =	dma.local @!p0 [hbm:s0], s1  }
0x73: {  	s0 =	simm.s32 @!p0 $0x1  }
0x74: {  	_ =	swait.ge @!p0 [sflag:s0], s1  }
0x75: {  	s1 =	ssub.s32 @!p0 $0x0, s1;
	[sflag:s0] =	ssyncset.done @!p0 $0x0  }
0x76: {  	[sflag:s0] =	ssyncadd.s32 @!p0 s1  }
0x77: {  	[bflag:$0x3] =	sbarrier.arrive $0xFFFF  }
0x78: {  	_ =	shalt  }

// kernel: kernel.18.cloned.1.call-start
scs
__scs_entry_jumppad:
0x0: {  	(pc) =	sbr.rel $0x88, $3  }
0x1: {  	(tag) =	ssettag $0x0;
	lr =	simm.s32 $0x1  }
0x2: {  	[smem:$0x3F9B] =	sst lr;
	_ =	strace $0xD0000000  }
0x3: {  	_ = 	snop  }
0x4: {  	_ = 	snop  }
0x5: {  	_ = 	snop  }
0x6: {  	_ = 	snop  }
0x7: {  	_ = 	snop  }
__scs_overlays_trampoline_lowered:
0x8: {  	[smem:$0x3FAA] =	sst s0  }
0x9: {  	[smem:$0x3FAB] =	sst s1  }
0xa: {  	[smem:$0x3FAC] =	sst s2  }
0xb: {  	[smem:$0x3FAD] =	sst s3  }
0xc: {  	[smem:$0x3FAE] =	sst s4  }
0xd: {  	[smem:$0x3FAF] =	sst s5  }
0xe: {  	[smem:$0x3FB0] =	sst s6  }
0xf: {  	[smem:$0x3FB1] =	sst s7  }
0x10: {  	[smem:$0x3FB2] =	sst s8  }
0x11: {  	[smem:$0x3FB3] =	sst s9;
	s0 =	simm.s32 @!p0 $0x0  }
0x12: {  	s1 =	sld [smem:$0x3F99];
	s0 =	simm.s32 @p0 $0x1  }
0x13: {  	[smem:$0x3FB4] =	sst s0;
	s0 =	simm.s32 @!p1 $0x0  }
0x14: {  	s2 =	sld [smem:$0x3F98];
	s0 =	simm.s32 @p1 $0x1  }
0x15: {  	[smem:$0x3FB5] =	sst s0;
	s0 =	simm.s32 @!p2 $0x0  }
0x16: {  	s3 =	sld [smem:$0x3FDB];
	s0 =	simm.s32 @p2 $0x1  }
0x17: {  	s4 =	simm.s32 $0x1BF5;
	[smem:$0x3FB7] =	sst s0  }
0x18: {  	s0 =	sld [smem:$0x3F9A];
	_ =	swait.ge [sflag:s4], $0x0  }
0x19: {  	s7 =	sld [smem:$0x3F9B]  }
0x1a: {  	s8 =	sadd.s32 $0xFFFFE003, lr  }
0x1b: {  	s9 =	sadd.s32 $0xFFFFFEF7, lr;
	s5 =	simm.s32 $0xFFFFFFFF;
	p2 =	slt.u32 s8, $0xFFFFF086  }
0x1c: {  	p1 =	slt.u32 s9, $0xF7A;
	s5 =	simm.s32 @!p2 $0x0  }
0x1d: {  	s5 =	simm.s32 @p1 $0x1;
	p0 =	seq.s32 s7, s2  }
0x1e: {  	s7 =	smul.u32 @!p0 $0xF7A, s2;
	p2 =	seq.s32 @!p0 s5, $0x0  }
0x1f: {  	s9 =	smul.u32 $0xF7A, s1;
	s8 =	simm.s32 @!p0 $0x1BF5;
	p2 =	por !p2, p0  }
0x20: {  	[sflag:s8] =	ssyncset.s32 @!p0 $0xFFFFF086;
	s6 =	sadd.s32 @!p0 s3, s7;
	s7 =	simm.s32 @!p0 $0x108  }
0x21: {  	s3 =	sadd.s32 s3, s9;
	s6 =	sadd.s32 @!p0 $0x88, s6;
	s7 =	simm.s32 @p2 $0x1082  }
0x22: {  	[simem:s7], [sflag:s8] =	dma.local @!p0 [hbm:s6], $0xF7A  }
0x23: {  	s9 =	sor.u32 $0xD0000000, s2;
	s6 =	simm.s32 $0x108;
	_ =	swait.ge @!p0 [sflag:s8], $0x0  }
0x24: {  	s3 =	sadd.s32 $0x88, s3;
	s6 =	simm.s32 @!p1 $0x1082;
	[sflag:s4] =	ssyncset.s32 $0xFFFFF086  }
0x25: {  	[simem:s6], [sflag:s4] =	dma.local [hbm:s3], $0xF7A  }
0x26: {  	[smem:$0x3F9B] =	sst s1;
	(tag) =	ssettag s2;
	_ =	strace s9  }
0x27: {  	s1 =	sld [smem:$0x3FAB]  }
0x28: {  	s2 =	sld [smem:$0x3FAC]  }
0x29: {  	s4 =	sld [smem:$0x3FAE]  }
0x2a: {  	p0 =	seq.s32 s5, $0x0;
	s5 =	sld [smem:$0x3FAF]  }
0x2b: {  	s6 =	sld [smem:$0x3FB0]  }
0x2c: {  	s7 =	sld [smem:$0x3FB1]  }
0x2d: {  	s3 =	simm.s32 $0x108;
	s8 =	sld [smem:$0x3FB2]  }
0x2e: {  	s3 =	simm.s32 @!p0 $0x1082;
	s9 =	sld [smem:$0x3FB3]  }
0x2f: {  	lr =	sadd.s32 s0, s3;
	s0 =	sld [smem:$0x3FAA]  }
0x30: {  	s3 =	sld [smem:$0x3FAD]  }
0x31: {  	[smem:$0x3FB6] =	sst s10  }
0x32: {  	s10 =	sld [smem:$0x3FB4];
	_ =	sdelay $0x3  }
0x33: {  	p0 =	seq.s32 s10, $0x1;
	s10 =	sld [smem:$0x3FB6];
	_ =	sdelay $0x3  }
0x34: {  	[smem:$0x3FB6] =	sst s10  }
0x35: {  	s10 =	sld [smem:$0x3FB5];
	_ =	sdelay $0x3  }
0x36: {  	p1 =	seq.s32 s10, $0x1;
	s10 =	sld [smem:$0x3FB6];
	_ =	sdelay $0x3  }
0x37: {  	[smem:$0x3FB6] =	sst s10  }
0x38: {  	s10 =	sld [smem:$0x3FB7]  }
0x39: {  	_ = 	snop;
	(pc) =	sbr.ind lr, $3  }
0x3a: {  	_ = 	snop  }
0x3b: {  	_ = 	snop  }
0x3c: {  	p2 =	seq.s32 s10, $0x1;
	s10 =	sld [smem:$0x3FB6]  }
0x3d: {  	_ =	shalt  }
0x3e: {  	_ =	shalt  }
0x3f: {  	_ =	shalt  }
0x40: {  	_ =	shalt  }
0x41: {  	_ =	shalt  }
0x42: {  	_ =	shalt  }
0x43: {  	_ =	shalt  }
0x44: {  	_ =	shalt  }
0x45: {  	_ =	shalt  }
0x46: {  	_ =	shalt  }
0x47: {  	_ =	shalt  }
0x48: {  	_ =	shalt  }
0x49: {  	_ =	shalt  }
0x4a: {  	_ =	shalt  }
0x4b: {  	_ =	shalt  }
0x4c: {  	_ =	shalt  }
0x4d: {  	_ =	shalt  }
0x4e: {  	_ =	shalt  }
0x4f: {  	_ =	shalt  }
0x50: {  	_ =	shalt  }
0x51: {  	_ =	shalt  }
0x52: {  	_ =	shalt  }
0x53: {  	_ =	shalt  }
0x54: {  	_ =	shalt  }
0x55: {  	_ =	shalt  }
0x56: {  	_ =	shalt  }
0x57: {  	_ =	shalt  }
0x58: {  	_ =	shalt  }
0x59: {  	_ =	shalt  }
0x5a: {  	_ =	shalt  }
0x5b: {  	_ =	shalt  }
0x5c: {  	_ =	shalt  }
0x5d: {  	_ =	shalt  }
0x5e: {  	_ =	shalt  }
0x5f: {  	_ =	shalt  }
0x60: {  	_ =	shalt  }
0x61: {  	_ =	shalt  }
0x62: {  	_ =	shalt  }
0x63: {  	_ =	shalt  }
0x64: {  	_ =	shalt  }
0x65: {  	_ =	shalt  }
0x66: {  	_ =	shalt  }
0x67: {  	_ =	shalt  }
0x68: {  	_ =	shalt  }
0x69: {  	_ =	shalt  }
0x6a: {  	_ =	shalt  }
0x6b: {  	_ =	shalt  }
0x6c: {  	_ =	shalt  }
0x6d: {  	_ =	shalt  }
0x6e: {  	_ =	shalt  }
0x6f: {  	_ =	shalt  }
0x70: {  	_ =	shalt  }
0x71: {  	_ =	shalt  }
0x72: {  	_ =	shalt  }
0x73: {  	_ =	shalt  }
0x74: {  	_ =	shalt  }
0x75: {  	_ =	shalt  }
0x76: {  	_ =	shalt  }
0x77: {  	_ =	shalt  }
0x78: {  	_ =	shalt  }
0x79: {  	_ =	shalt  }
0x7a: {  	_ =	shalt  }
0x7b: {  	_ =	shalt  }
0x7c: {  	_ =	shalt  }
0x7d: {  	_ =	shalt  }
0x7e: {  	_ =	shalt  }
0x7f: {  	_ =	shalt  }
0x80: {  	_ =	shalt  }
0x81: {  	_ =	shalt  }
0x82: {  	_ =	shalt  }
0x83: {  	_ =	shalt  }
0x84: {  	_ =	shalt  }
0x85: {  	_ =	shalt  }
0x86: {  	_ =	shalt  }
0x87: {  	_ =	shalt  }
.Lfunc_end0:
.L_simem_size_0:
called_computation.2_lowered:
.L_overlay_start_0:
0x88: {  	s2 =	sld [smem:$0x3FD9]  }
0x89: {  	s3 =	sld [smem:$0x3FFE];
	_ =	sdelay $0x1  }
0x8a: {  	s1 =	srdreg.scid  }
0x8b: {  	s0 =	sand.u32 $0x1, s1  }
0x8c: {  	s17 =	sshll.u32 s0, $0xA;
	s2 =	sadd.s32 s3, s2  }
0x8d: {  	s2 =	sadd.s32 s2, s17  }
0x8e: {  	[smem:$0x3FC2] =	sst s2  }
0x8f: {  	_ = 	snop  }
0x90: {  	s2 =	sld [smem:$0x3FD0];
	(tm) =	ssettm $0x1  }
0x91: {  	s18 =	sld [smem:$0x3FFB];
	_ =	sdelay $0x3  }
0x92: {  	_ =	strace s18  }
0x93: {  	s3 =	sld [smem:$0x3FFC];
	_ =	sdelay $0x3  }
0x94: {  	_ =	strace s3  }
0x95: {  	s3 =	sld [smem:$0x3FFD];
	_ =	sdelay $0x3  }
0x96: {  	_ =	strace s3  }
0x97: {  	_ =	strace $0x8FFFFFFF  }
0x98: {  	s19 =	sld [smem:$0x3FDB];
	_ =	sdelay $0x1  }
0x99: {  	s4 =	simm.s32 $_scs_section_size  }
0x9a: {  	s5 =	simm.s32 $_size__tile_overlayer_lowered;
	s6 =	simm.s32 $_tile_overlayer_lowered  }
0x9b: {  	s22 =	simm.s32 $0x1BFF;
	s21 =	sshll.u32 s6, $0x1;
	s3 =	sadd.s32 s4, s19  }
0x9c: {  	s7 =	simm.s32 $0x0;
	s20 =	sshll.u32 s5, $0x1;
	s5 =	sadd.s32 s21, s3  }
0x9d: {  	[timem:s7], [sflag:s22] =	dma.local [hbm:s5], s20  }
0x9e: {  	_ =	swait.ge [sflag:s22], s20  }
0x9f: {  	s4 =	ssub.s32 $0x0, s20;
	[sflag:s22] =	ssyncset.done $0x0  }
0xa0: {  	[sflag:s22] =	ssyncadd.s32 s4;
	_ =	sdelay $0x1  }
0xa1: {  	s23 =	simm.s32 $0x1B8B  }
0xa2: {  	_ =	swait.ge [sflag:s23], $0x1  }
0xa3: {  	[sflag:s23] =	ssyncset.done $0x0  }
0xa4: {  	s25 =	simm.s32 $0x1B8E;
	s24 =	sld [smem:$0x3FFE];
	[sflag:s23] =	ssyncadd.s32 $0xFFFFFFFF  }
0xa5: {  	s26 =	simm.s32 $execute0_lowered;
	[smem:$0x3FD2] =	sst s25  }
0xa6: {  	s5 =	sshll.u32 s26, $0x1;
	_ =	strace $0x8000004C;
	[dreg:$0x1] =	wrdreg $0xFFFFFFFF  }
0xa7: {  	s28 =	simm.s32 $_size_execute0_lowered;
	s3 =	sadd.s32 s3, s5;
	[dreg:$0x0] =	wrdreg $0x0  }
0xa8: {  	s5 =	sshll.u32 s28, $0x1;
	[dreg:$0x2] =	wrdreg s3  }
0xa9: {  	[dreg:$0x3] =	wrdreg s5  }
0xaa: {  	[dreg:$0x4] =	wrdreg $0xC0  }
0xab: {  	_ =	task [dreg:s7], $0x5FFFF  }
0xac: {  	[dreg:$0x1] =	wrdreg $0xFFFFFFFF  }
0xad: {  	[dreg:$0x0] =	wrdreg $0x60  }
0xae: {  	[dreg:$0x2] =	wrdreg s24  }
0xaf: {  	[dreg:$0x3] =	wrdreg s2  }
0xb0: {  	[dreg:$0x4] =	wrdreg $0x90000  }
0xb1: {  	[dreg:$0x5] =	wrdreg $0x9  }
0xb2: {  	_ =	task.clear_ibuf [dreg:s7], $0x6FFFF;
	_ =	strace $0x9000004C  }
0xb3: {  	s29 =	simm.s32 $0x9;
	_ =	strace $0x8000004E  }
0xb4: {  	_ =	swait.ge [sflag:s29], $0x1  }
0xb5: {  	[sflag:s29] =	ssyncadd.s32 $0xFFFFFFFF  }
0xb6: {  	_ =	strace $0x9000004E  }
0xb7: {  	_ =	sfence  }
0xb8: {  	s30 =	sld [smem:$0x0];
	_ =	sdelay $0x2  }
0xb9: {  	s31 =	sshll.u32 s1, $0xD;
	s1 =	sshrl.u32 s1, $0x2  }
0xba: {  	s3 =	sand.u32 $0x4000, s31;
	s1 =	sadd.s32 s1, s30  }
0xbb: {  	s0 =	sor.u32 s3, s0;
	s1 =	sshll.u32 s1, $0x11  }
0xbc: {  	s0 =	sor.u32 s1, s0  }
0xbd: {  	s0 =	sadd.s32 $0x8F2B, s0  }
0xbe: {  	[sflag:s0] =	ssyncadd.remote.s32 $0x1  }
0xbf: {  	_ =	sfence.sel $0xFFFF  }
0xc0: {  	[dreg:$0x0] =	wrdreg $0xFFFFFFFF;
	(pc) =	sbr.abs _section_cstart, $3  }
0xc1: {  	[dreg:$0x1] =	wrdreg $0xFFFFFFFF  }
0xc2: {  	_ =	task.clear_ibuf [dreg:s7], $0x2FFFF;
	_ =	strace $0x9FFFFFFF  }
0xc3: {  	(tm) =	ssettm $0x7FFFFFFF  }
tec
execute0_lowered:
.L_overlay_start_1:
0x0: {  	(tag) =	ssettag $0x1  }
0x1: {  	s6 =	rddreg [dreg:$0x0]  }
0x2: {  	s7 =	rddreg [dreg:$0x1]  }
0x3: {  	s2 =	rddreg [dreg:$0x2]  }
0x4: {  	s4 =	srdreg.scid;
	s1 =	stileid.u32;
	s3 =	simm.s32 $0x0  }
0x5: {  	s28 =	simm.s32 $0x0;
	s5 =	sand.u32 $0x1, s4;
	s13 =	smul.u32 $0x50000, s1  }
0x6: {  	s30 =	sshll.u32 s1, $0x1;
	[smem:$0x7FF] =	sst s3;
	s14 =	smul.u32 $0x280, s1  }
0x7: {  	s16 =	smul.u32 $0x2800, s1;
	s4 =	sor.u32 s5, s30;
	_ =	strace $0x8000004D  }
0x8: {  	s9 =	smul.u32 $0x28000, s5;
	s10 =	ssub.s32 $0x2, s5;
	s5 =	sadd.s32 $0xEA00, s6  }
0x9: {  	s8 =	smul.u32 $0x500, s4;
	s4 =	sadd.s32 $0x5FA00, s6;
	s12 =	sshrl.u32 s10, $0x1  }
0xa: {  	s31 =	sshrl.u32 s13, $0x2;
	s15 =	sadd.s32 $0x80, s14;
	s18 =	sadd.s32 $0x100, s14  }
0xb: {  	s29 =	sadd.s32 $0x180, s14;
	s14 =	sadd.s32 $0x200, s14;
	s9 =	sadd.s32 s9, s6  }
0xc: {  	s10 =	ssub.s32 s10, s12;
	s17 =	sshll.u32 s15, $0x7;
	s0 =	sshll.u32 s15, $0x4  }
0xd: {  	s26 =	sshll.u32 s18, $0x7;
	s18 =	sshll.u32 s18, $0x4;
	s19 =	sshll.u32 s29, $0x7  }
0xe: {  	s21 =	sshll.u32 s14, $0x7;
	s30 =	sshll.u32 s29, $0x4;
	s15 =	simm.s32 $0x2800  }
0xf: {  	s11 =	sadd.s32 s8, s6;
	s6 =	sadd.s32 s7, s8;
	s8 =	sadd.s32 s31, s2  }
0x10: {  	s20 =	sadd.s32 $0x87A00, s9;
	s9 =	smax.u32 s10, $0x1;
	s22 =	sadd.s32 s17, s2  }
0x11: {  	s23 =	sadd.s32 s26, s2;
	s24 =	sadd.s32 s19, s2;
	s25 =	sadd.s32 s21, s2  }
0x12: {  	s31 =	sshll.u32 s14, $0x4;
	s14 =	simm.s32 $0x1;
	s21 =	simm.s32 $0x5000  }
0x13: {  	s26 =	simm.s32 $0x80;
	s7 =	sadd.s32 $0x4A00, s11;
	s10 =	sadd.s32 $0x4000, s8  }
0x14: {  	s11 =	sadd.s32 $0x8000, s8;
	s12 =	sadd.s32 $0xC000, s8;
	s13 =	sadd.s32 $0x10000, s8  }
0x15: {  	s16 =	sadd.s32 s16, s20;
	s17 =	sadd.s32 s0, s20;
	s18 =	sadd.s32 s18, s20  }
0x16: {  	s19 =	sadd.s32 s30, s20;
	s20 =	sadd.s32 s31, s20;
	s22 =	sshrl.u32 s22, $0x3  }
0x17: {  	s23 =	sshrl.u32 s23, $0x3;
	s24 =	sshrl.u32 s24, $0x3;
	s25 =	sshrl.u32 s25, $0x3  }
.LBB2_1:
0x18: {  	[tilespmem:s3], [sflag:$0x1] =	stream.linear.gather [hbm4b:s6+s3], $0x2800, $0x38;
	[tilespmem:$0x1D000] =	vst v63  }
0x19: {  	_ =	swait.ge [sflag:s14], $0x2800  }
0x1a: {  	[sflag:s14] =	ssyncset.done $0x0  }
0x1b: {  	[sflag:s14] =	ssyncadd.s32 $0xFFFFD800  }
0x1c: {  	[tilespmem:s15], [sflag:$0x1] =	stream.linear.gather [hbm4b:s7+s3], $0x2800, $0x38;
	[tilespmem:$0x1D000] =	vst v63  }
0x1d: {  	_ =	swait.ge [sflag:s14], $0x2800  }
0x1e: {  	[sflag:s14] =	ssyncset.done $0x0  }
0x1f: {  	[sflag:s14] =	ssyncadd.s32 $0xFFFFD800  }
0x20: {  	[tilespmem:s21], [sflag:$0x1] =	stream.linear.gather [hbm4b:s5+s3], $0x4000, $0x38;
	[tilespmem:$0x1D000] =	vst v63  }
0x21: {  	_ =	swait.ge [sflag:s14], $0x4000  }
0x22: {  	[sflag:s14] =	ssyncset.done $0x0  }
0x23: {  	[sflag:s14] =	ssyncadd.s32 $0xFFFFC000  }
0x24: {  	[spmem:s8] =	stream.linear.scatter [tilespmem:s21], [sflag:$0x1], $0x4000, $0x38;
	[tilespmem:$0x1D000] =	vst v63  }
0x25: {  	_ =	swait.ge [sflag:s14], $0x4000  }
0x26: {  	[sflag:s14] =	ssyncset.done $0x0  }
0x27: {  	[sflag:s14] =	ssyncadd.s32 $0xFFFFC000  }
0x28: {  	[spmem:s10] =	stream.linear.scatter [tilespmem:s21], [sflag:$0x1], $0x4000, $0x38;
	[tilespmem:$0x1D000] =	vst v63  }
0x29: {  	_ =	swait.ge [sflag:s14], $0x4000  }
0x2a: {  	[sflag:s14] =	ssyncset.done $0x0  }
0x2b: {  	[sflag:s14] =	ssyncadd.s32 $0xFFFFC000  }
0x2c: {  	[spmem:s11] =	stream.linear.scatter [tilespmem:s21], [sflag:$0x1], $0x4000, $0x38;
	[tilespmem:$0x1D000] =	vst v63  }
0x2d: {  	_ =	swait.ge [sflag:s14], $0x4000  }
0x2e: {  	[sflag:s14] =	ssyncset.done $0x0  }
0x2f: {  	[sflag:s14] =	ssyncadd.s32 $0xFFFFC000  }
0x30: {  	[spmem:s12] =	stream.linear.scatter [tilespmem:s21], [sflag:$0x1], $0x4000, $0x38;
	[tilespmem:$0x1D000] =	vst v63  }
0x31: {  	_ =	swait.ge [sflag:s14], $0x4000  }
0x32: {  	[sflag:s14] =	ssyncset.done $0x0  }
0x33: {  	[sflag:s14] =	ssyncadd.s32 $0xFFFFC000  }
0x34: {  	[spmem:s13] =	stream.linear.scatter [tilespmem:s21], [sflag:$0x1], $0x4000, $0x38;
	[tilespmem:$0x1D000] =	vst v63  }
0x35: {  	_ =	swait.ge [sflag:s14], $0x4000  }
0x36: {  	[sflag:s14] =	ssyncset.done $0x0  }
0x37: {  	[sflag:s14] =	ssyncadd.s32 $0xFFFFC000  }
0x38: {  	s29 =	simm.s32 $0x0;
	[bflag:$0x0] =	sbarrier.arrive $0xFFFF  }
0x39: {  	[tilespmem:s21], [sflag:$0x1] =	stream.indirect.gather [hbm4b:s4+s26], $0x80, s29, s26, $0xb8;
	[tilespmem:$0x1D000] =	vst v63  }
0x3a: {  	_ =	swait.ge [sflag:s14], $0x4000  }
0x3b: {  	[sflag:s14] =	ssyncset.done $0x0  }
0x3c: {  	s29 =	simm.s32 $0x2800;
	[sflag:s14] =	ssyncadd.s32 $0xFFFFC000  }
0x3d: {  	[spmem:s2] =	stream.indirect.scatter.add.f32 [tilespmem:s21], [sflag:$0x1], $0x80, s29, s26, $0xb8;
	[tilespmem:$0x1D000] =	vst v63  }
0x3e: {  	_ =	swait.ge [sflag:s14], $0x4000  }
0x3f: {  	s30 =	simm.s32 $0x400;
	s29 =	simm.s32 $0x200;
	[sflag:s14] =	ssyncset.done $0x0  }
.LBB2_2:
0x40: {  	s31 =	sshra.s32 s29, $0x2  }
0x41: {  	[sflag:s14] =	ssyncadd.s32 $0xFFFFC000;
	s29 =	smov.u32 s30;
	s0 =	sadd.s32 $0x200, s30  }
0x42: {  	[tilespmem:s21], [sflag:$0x1] =	stream.indirect.gather [hbm4b:s4+s26], $0x80, s31, s26, $0xb8;
	[tilespmem:$0x1D000] =	vst v63  }
0x43: {  	p0 =	sne.s32 s30, $0x9E00;
	_ =	swait.ge [sflag:s14], $0x4000  }
.Ltmp0:
0x44: {  	[sflag:s14] =	ssyncset.done $0x0;
	(pc) =	sbr.rel @p0 .LBB2_2-.Ltmp0, $4  }
0x45: {  	s30 =	sadd.s32 $0x2800, s31;
	[sflag:s14] =	ssyncadd.s32 $0xFFFFC000  }
0x46: {  	[spmem:s2] =	stream.indirect.scatter.add.f32 [tilespmem:s21], [sflag:$0x1], $0x80, s30, s26, $0xb8;
	[tilespmem:$0x1D000] =	vst v63  }
0x47: {  	_ =	swait.ge [sflag:s14], $0x4000  }
0x48: {  	s30 =	smov.u32 s0;
	[sflag:s14] =	ssyncset.done $0x0  }
0x49: {  	s0 =	sshra.s32 s29, $0x2;
	[sflag:s14] =	ssyncadd.s32 $0xFFFFC000  }
0x4a: {  	[tilespmem:s21], [sflag:$0x1] =	stream.indirect.gather [hbm4b:s4+s26], $0x80, s0, s26, $0xb8;
	[tilespmem:$0x1D000] =	vst v63  }
0x4b: {  	_ =	swait.ge [sflag:s14], $0x4000  }
0x4c: {  	[sflag:s14] =	ssyncset.done $0x0  }
0x4d: {  	s0 =	sadd.s32 $0x2800, s0;
	[sflag:s14] =	ssyncadd.s32 $0xFFFFC000  }
0x4e: {  	[spmem:s2] =	stream.indirect.scatter.add.f32 [tilespmem:s21], [sflag:$0x1], $0x80, s0, s26, $0xb8;
	[tilespmem:$0x1D000] =	vst v63  }
0x4f: {  	_ =	swait.ge [sflag:s14], $0x4000  }
0x50: {  	[sflag:s14] =	ssyncset.done $0x0  }
0x51: {  	s30 =	sshll.u32 s1, $0x6;
	[sflag:s14] =	ssyncadd.s32 $0xFFFFC000  }
0x52: {  	s31 =	sshrl.u32 s8, $0x3;
	s0 =	sor.u32 $0x1C01, s30;
	[bflag:$0x0] =	sbarrier.arrive $0xFFFF  }
0x53: {  	[hbm:s16], [sflag:s0] =	dma.local [spmem:s31], $0x800  }
0x54: {  	_ =	swait.ge [sflag:s14], $0x800  }
0x55: {  	[sflag:s14] =	ssyncset.done $0x0  }
0x56: {  	[sflag:s14] =	ssyncadd.s32 $0xFFFFF800  }
0x57: {  	[hbm:s17], [sflag:s0] =	dma.local [spmem:s22], $0x800  }
0x58: {  	_ =	swait.ge [sflag:s14], $0x800  }
0x59: {  	[sflag:s14] =	ssyncset.done $0x0  }
0x5a: {  	[sflag:s14] =	ssyncadd.s32 $0xFFFFF800  }
0x5b: {  	[hbm:s18], [sflag:s0] =	dma.local [spmem:s23], $0x800  }
0x5c: {  	_ =	swait.ge [sflag:s14], $0x800  }
0x5d: {  	[sflag:s14] =	ssyncset.done $0x0  }
0x5e: {  	[sflag:s14] =	ssyncadd.s32 $0xFFFFF800  }
0x5f: {  	[hbm:s19], [sflag:s0] =	dma.local [spmem:s24], $0x800  }
0x60: {  	s28 =	sadd.s32 $0x1, s28;
	_ =	swait.ge [sflag:s14], $0x800  }
0x61: {  	p0 =	sne.s32 s28, s9;
	[sflag:s14] =	ssyncset.done $0x0  }
.Ltmp1:
0x62: {  	[sflag:s14] =	ssyncadd.s32 $0xFFFFF800;
	(pc) =	sbr.rel @p0 .LBB2_1-.Ltmp1, $4  }
0x63: {  	[hbm:s20], [sflag:s0] =	dma.local [spmem:s25], $0x800  }
0x64: {  	_ =	swait.ge [sflag:s14], $0x800  }
0x65: {  	[sflag:s14] =	ssyncset.done $0x0  }
0x66: {  	[sflag:s14] =	ssyncadd.s32 $0xFFFFF800  }
0x67: {  	_ =	sfence.sel $0x180000  }
0x68: {  	[bflag:$0x0] =	sbarrier.arrive $0xFFFF  }
0x69: {  	_ =	strace $0x9000004D  }
0x6a: {  	[bflag:$0x2] =	sbarrier.arrive $0xFFFF  }
0x6b: {  	p0 =	sne.s32 s1, $0x0;
	s0 =	rddreg [dreg:$0x3]  }
0x6c: {  	s0 =	sadd.s32 @!p0 $0x100000, s0  }
0x6d: {  	[sflag:s0] =	ssyncadd.tile.s32 @!p0 $0x1;
	_ =	shalt  }
.Lfunc_end2:
_tile_overlayer_lowered:
.L_overlay_start_2:
0x6e: {  	(tag) =	ssettag $0x2  }
0x6f: {  	s0 =	rddreg [dreg:$0x0];
	s2 =	stileid.u32  }
0x70: {  	s1 =	rddreg [dreg:$0x1];
	p0 =	sne.s32 s2, $0x0  }
0x71: {  	s3 =	rddreg [dreg:$0x2];
	[bflag:$0x3] =	sbarrier.arrive $0xFFFF;
	s2 =	simm.s32 @!p0 $0x1C01  }
0x72: {  	[timem:s3], [sflag:s2] =	dma.local @!p0 [hbm:s0], s1  }
0x73: {  	s0 =	simm.s32 @!p0 $0x1  }
0x74: {  	_ =	swait.ge @!p0 [sflag:s0], s1  }
0x75: {  	s1 =	ssub.s32 @!p0 $0x0, s1;
	[sflag:s0] =	ssyncset.done @!p0 $0x0  }
0x76: {  	[sflag:s0] =	ssyncadd.s32 @!p0 s1  }
0x77: {  	[bflag:$0x3] =	sbarrier.arrive $0xFFFF  }
0x78: {  	_ =	shalt  }

// kernel: kernel.21.cloned.1.call-start
scs
__scs_entry_jumppad:
0x0: {  	(pc) =	sbr.rel $0x88, $3  }
0x1: {  	(tag) =	ssettag $0x0;
	lr =	simm.s32 $0x1  }
0x2: {  	[smem:$0x3F9B] =	sst lr;
	_ =	strace $0xD0000000  }
0x3: {  	_ = 	snop  }
0x4: {  	_ = 	snop  }
0x5: {  	_ = 	snop  }
0x6: {  	_ = 	snop  }
0x7: {  	_ = 	snop  }
__scs_overlays_trampoline_lowered:
0x8: {  	[smem:$0x3FAA] =	sst s0  }
0x9: {  	[smem:$0x3FAB] =	sst s1  }
0xa: {  	[smem:$0x3FAC] =	sst s2  }
0xb: {  	[smem:$0x3FAD] =	sst s3  }
0xc: {  	[smem:$0x3FAE] =	sst s4  }
0xd: {  	[smem:$0x3FAF] =	sst s5  }
0xe: {  	[smem:$0x3FB0] =	sst s6  }
0xf: {  	[smem:$0x3FB1] =	sst s7  }
0x10: {  	[smem:$0x3FB2] =	sst s8  }
0x11: {  	[smem:$0x3FB3] =	sst s9;
	s0 =	simm.s32 @!p0 $0x0  }
0x12: {  	s1 =	sld [smem:$0x3F99];
	s0 =	simm.s32 @p0 $0x1  }
0x13: {  	[smem:$0x3FB4] =	sst s0;
	s0 =	simm.s32 @!p1 $0x0  }
0x14: {  	s2 =	sld [smem:$0x3F98];
	s0 =	simm.s32 @p1 $0x1  }
0x15: {  	[smem:$0x3FB5] =	sst s0;
	s0 =	simm.s32 @!p2 $0x0  }
0x16: {  	s3 =	sld [smem:$0x3FDB];
	s0 =	simm.s32 @p2 $0x1  }
0x17: {  	s4 =	simm.s32 $0x1BF5;
	[smem:$0x3FB7] =	sst s0  }
0x18: {  	s0 =	sld [smem:$0x3F9A];
	_ =	swait.ge [sflag:s4], $0x0  }
0x19: {  	s7 =	sld [smem:$0x3F9B]  }
0x1a: {  	s8 =	sadd.s32 $0xFFFFE003, lr  }
0x1b: {  	s9 =	sadd.s32 $0xFFFFFEF7, lr;
	s5 =	simm.s32 $0xFFFFFFFF;
	p2 =	slt.u32 s8, $0xFFFFF086  }
0x1c: {  	p1 =	slt.u32 s9, $0xF7A;
	s5 =	simm.s32 @!p2 $0x0  }
0x1d: {  	s5 =	simm.s32 @p1 $0x1;
	p0 =	seq.s32 s7, s2  }
0x1e: {  	s7 =	smul.u32 @!p0 $0xF7A, s2;
	p2 =	seq.s32 @!p0 s5, $0x0  }
0x1f: {  	s9 =	smul.u32 $0xF7A, s1;
	s8 =	simm.s32 @!p0 $0x1BF5;
	p2 =	por !p2, p0  }
0x20: {  	[sflag:s8] =	ssyncset.s32 @!p0 $0xFFFFF086;
	s6 =	sadd.s32 @!p0 s3, s7;
	s7 =	simm.s32 @!p0 $0x108  }
0x21: {  	s3 =	sadd.s32 s3, s9;
	s6 =	sadd.s32 @!p0 $0x88, s6;
	s7 =	simm.s32 @p2 $0x1082  }
0x22: {  	[simem:s7], [sflag:s8] =	dma.local @!p0 [hbm:s6], $0xF7A  }
0x23: {  	s9 =	sor.u32 $0xD0000000, s2;
	s6 =	simm.s32 $0x108;
	_ =	swait.ge @!p0 [sflag:s8], $0x0  }
0x24: {  	s3 =	sadd.s32 $0x88, s3;
	s6 =	simm.s32 @!p1 $0x1082;
	[sflag:s4] =	ssyncset.s32 $0xFFFFF086  }
0x25: {  	[simem:s6], [sflag:s4] =	dma.local [hbm:s3], $0xF7A  }
0x26: {  	[smem:$0x3F9B] =	sst s1;
	(tag) =	ssettag s2;
	_ =	strace s9  }
0x27: {  	s1 =	sld [smem:$0x3FAB]  }
0x28: {  	s2 =	sld [smem:$0x3FAC]  }
0x29: {  	s4 =	sld [smem:$0x3FAE]  }
0x2a: {  	p0 =	seq.s32 s5, $0x0;
	s5 =	sld [smem:$0x3FAF]  }
0x2b: {  	s6 =	sld [smem:$0x3FB0]  }
0x2c: {  	s7 =	sld [smem:$0x3FB1]  }
0x2d: {  	s3 =	simm.s32 $0x108;
	s8 =	sld [smem:$0x3FB2]  }
0x2e: {  	s3 =	simm.s32 @!p0 $0x1082;
	s9 =	sld [smem:$0x3FB3]  }
0x2f: {  	lr =	sadd.s32 s0, s3;
	s0 =	sld [smem:$0x3FAA]  }
0x30: {  	s3 =	sld [smem:$0x3FAD]  }
0x31: {  	[smem:$0x3FB6] =	sst s10  }
0x32: {  	s10 =	sld [smem:$0x3FB4];
	_ =	sdelay $0x3  }
0x33: {  	p0 =	seq.s32 s10, $0x1;
	s10 =	sld [smem:$0x3FB6];
	_ =	sdelay $0x3  }
0x34: {  	[smem:$0x3FB6] =	sst s10  }
0x35: {  	s10 =	sld [smem:$0x3FB5];
	_ =	sdelay $0x3  }
0x36: {  	p1 =	seq.s32 s10, $0x1;
	s10 =	sld [smem:$0x3FB6];
	_ =	sdelay $0x3  }
0x37: {  	[smem:$0x3FB6] =	sst s10  }
0x38: {  	s10 =	sld [smem:$0x3FB7]  }
0x39: {  	_ = 	snop;
	(pc) =	sbr.ind lr, $3  }
0x3a: {  	_ = 	snop  }
0x3b: {  	_ = 	snop  }
0x3c: {  	p2 =	seq.s32 s10, $0x1;
	s10 =	sld [smem:$0x3FB6]  }
0x3d: {  	_ =	shalt  }
0x3e: {  	_ =	shalt  }
0x3f: {  	_ =	shalt  }
0x40: {  	_ =	shalt  }
0x41: {  	_ =	shalt  }
0x42: {  	_ =	shalt  }
0x43: {  	_ =	shalt  }
0x44: {  	_ =	shalt  }
0x45: {  	_ =	shalt  }
0x46: {  	_ =	shalt  }
0x47: {  	_ =	shalt  }
0x48: {  	_ =	shalt  }
0x49: {  	_ =	shalt  }
0x4a: {  	_ =	shalt  }
0x4b: {  	_ =	shalt  }
0x4c: {  	_ =	shalt  }
0x4d: {  	_ =	shalt  }
0x4e: {  	_ =	shalt  }
0x4f: {  	_ =	shalt  }
0x50: {  	_ =	shalt  }
0x51: {  	_ =	shalt  }
0x52: {  	_ =	shalt  }
0x53: {  	_ =	shalt  }
0x54: {  	_ =	shalt  }
0x55: {  	_ =	shalt  }
0x56: {  	_ =	shalt  }
0x57: {  	_ =	shalt  }
0x58: {  	_ =	shalt  }
0x59: {  	_ =	shalt  }
0x5a: {  	_ =	shalt  }
0x5b: {  	_ =	shalt  }
0x5c: {  	_ =	shalt  }
0x5d: {  	_ =	shalt  }
0x5e: {  	_ =	shalt  }
0x5f: {  	_ =	shalt  }
0x60: {  	_ =	shalt  }
0x61: {  	_ =	shalt  }
0x62: {  	_ =	shalt  }
0x63: {  	_ =	shalt  }
0x64: {  	_ =	shalt  }
0x65: {  	_ =	shalt  }
0x66: {  	_ =	shalt  }
0x67: {  	_ =	shalt  }
0x68: {  	_ =	shalt  }
0x69: {  	_ =	shalt  }
0x6a: {  	_ =	shalt  }
0x6b: {  	_ =	shalt  }
0x6c: {  	_ =	shalt  }
0x6d: {  	_ =	shalt  }
0x6e: {  	_ =	shalt  }
0x6f: {  	_ =	shalt  }
0x70: {  	_ =	shalt  }
0x71: {  	_ =	shalt  }
0x72: {  	_ =	shalt  }
0x73: {  	_ =	shalt  }
0x74: {  	_ =	shalt  }
0x75: {  	_ =	shalt  }
0x76: {  	_ =	shalt  }
0x77: {  	_ =	shalt  }
0x78: {  	_ =	shalt  }
0x79: {  	_ =	shalt  }
0x7a: {  	_ =	shalt  }
0x7b: {  	_ =	shalt  }
0x7c: {  	_ =	shalt  }
0x7d: {  	_ =	shalt  }
0x7e: {  	_ =	shalt  }
0x7f: {  	_ =	shalt  }
0x80: {  	_ =	shalt  }
0x81: {  	_ =	shalt  }
0x82: {  	_ =	shalt  }
0x83: {  	_ =	shalt  }
0x84: {  	_ =	shalt  }
0x85: {  	_ =	shalt  }
0x86: {  	_ =	shalt  }
0x87: {  	_ =	shalt  }
.Lfunc_end0:
.L_simem_size_0:
called_computation.3_lowered:
.L_overlay_start_0:
0x88: {  	s2 =	sld [smem:$0x3FD9]  }
0x89: {  	s3 =	sld [smem:$0x3FFE];
	_ =	sdelay $0x1  }
0x8a: {  	s1 =	srdreg.scid  }
0x8b: {  	s0 =	sand.u32 $0x1, s1  }
0x8c: {  	s17 =	sshll.u32 s0, $0xA;
	s2 =	sadd.s32 s3, s2  }
0x8d: {  	s2 =	sadd.s32 s2, s17  }
0x8e: {  	[smem:$0x3FC2] =	sst s2  }
0x8f: {  	_ = 	snop  }
0x90: {  	s2 =	sld [smem:$0x3FD0];
	(tm) =	ssettm $0x1  }
0x91: {  	s18 =	sld [smem:$0x3FFB];
	_ =	sdelay $0x3  }
0x92: {  	_ =	strace s18  }
0x93: {  	s3 =	sld [smem:$0x3FFC];
	_ =	sdelay $0x3  }
0x94: {  	_ =	strace s3  }
0x95: {  	s3 =	sld [smem:$0x3FFD];
	_ =	sdelay $0x3  }
0x96: {  	_ =	strace s3  }
0x97: {  	_ =	strace $0x8FFFFFFF  }
0x98: {  	s19 =	sld [smem:$0x3FDB];
	_ =	sdelay $0x1  }
0x99: {  	s4 =	simm.s32 $_scs_section_size  }
0x9a: {  	s5 =	simm.s32 $_size__tile_overlayer_lowered;
	s6 =	simm.s32 $_tile_overlayer_lowered  }
0x9b: {  	s22 =	simm.s32 $0x1BFF;
	s21 =	sshll.u32 s6, $0x1;
	s3 =	sadd.s32 s4, s19  }
0x9c: {  	s7 =	simm.s32 $0x0;
	s20 =	sshll.u32 s5, $0x1;
	s5 =	sadd.s32 s21, s3  }
0x9d: {  	[timem:s7], [sflag:s22] =	dma.local [hbm:s5], s20  }
0x9e: {  	_ =	swait.ge [sflag:s22], s20  }
0x9f: {  	s4 =	ssub.s32 $0x0, s20;
	[sflag:s22] =	ssyncset.done $0x0  }
0xa0: {  	[sflag:s22] =	ssyncadd.s32 s4;
	_ =	sdelay $0x1  }
0xa1: {  	s23 =	simm.s32 $0x1B8B  }
0xa2: {  	_ =	swait.ge [sflag:s23], $0x1  }
0xa3: {  	[sflag:s23] =	ssyncset.done $0x0  }
0xa4: {  	s25 =	simm.s32 $0x1B8E;
	s24 =	sld [smem:$0x3FFE];
	[sflag:s23] =	ssyncadd.s32 $0xFFFFFFFF  }
0xa5: {  	s26 =	simm.s32 $execute0_lowered;
	[smem:$0x3FD2] =	sst s25  }
0xa6: {  	s5 =	sshll.u32 s26, $0x1;
	_ =	strace $0x8000004F;
	[dreg:$0x1] =	wrdreg $0xFFFFFFFF  }
0xa7: {  	s28 =	simm.s32 $_size_execute0_lowered;
	s3 =	sadd.s32 s3, s5;
	[dreg:$0x0] =	wrdreg $0x0  }
0xa8: {  	s5 =	sshll.u32 s28, $0x1;
	[dreg:$0x2] =	wrdreg s3  }
0xa9: {  	[dreg:$0x3] =	wrdreg s5  }
0xaa: {  	[dreg:$0x4] =	wrdreg $0xC0  }
0xab: {  	_ =	task [dreg:s7], $0x5FFFF  }
0xac: {  	[dreg:$0x1] =	wrdreg $0xFFFFFFFF  }
0xad: {  	[dreg:$0x0] =	wrdreg $0x60  }
0xae: {  	[dreg:$0x2] =	wrdreg s24  }
0xaf: {  	[dreg:$0x3] =	wrdreg s2  }
0xb0: {  	[dreg:$0x4] =	wrdreg $0x90000  }
0xb1: {  	[dreg:$0x5] =	wrdreg $0x9  }
0xb2: {  	_ =	task.clear_ibuf [dreg:s7], $0x6FFFF;
	_ =	strace $0x9000004F  }
0xb3: {  	s29 =	simm.s32 $0x9;
	_ =	strace $0x80000051  }
0xb4: {  	_ =	swait.ge [sflag:s29], $0x1  }
0xb5: {  	[sflag:s29] =	ssyncadd.s32 $0xFFFFFFFF  }
0xb6: {  	_ =	strace $0x90000051  }
0xb7: {  	_ =	sfence  }
0xb8: {  	s30 =	sld [smem:$0x0];
	_ =	sdelay $0x2  }
0xb9: {  	s31 =	sshll.u32 s1, $0xD;
	s1 =	sshrl.u32 s1, $0x2  }
0xba: {  	s3 =	sand.u32 $0x4000, s31;
	s1 =	sadd.s32 s1, s30  }
0xbb: {  	s0 =	sor.u32 s3, s0;
	s1 =	sshll.u32 s1, $0x11  }
0xbc: {  	s0 =	sor.u32 s1, s0  }
0xbd: {  	s0 =	sadd.s32 $0x8F2B, s0  }
0xbe: {  	[sflag:s0] =	ssyncadd.remote.s32 $0x1  }
0xbf: {  	_ =	sfence.sel $0xFFFF  }
0xc0: {  	[dreg:$0x0] =	wrdreg $0xFFFFFFFF;
	(pc) =	sbr.abs _section_cstart, $3  }
0xc1: {  	[dreg:$0x1] =	wrdreg $0xFFFFFFFF  }
0xc2: {  	_ =	task.clear_ibuf [dreg:s7], $0x2FFFF;
	_ =	strace $0x9FFFFFFF  }
0xc3: {  	(tm) =	ssettm $0x7FFFFFFF  }
tec
execute0_lowered:
.L_overlay_start_1:
0x0: {  	(tag) =	ssettag $0x1  }
0x1: {  	s6 =	rddreg [dreg:$0x0]  }
0x2: {  	s7 =	rddreg [dreg:$0x1]  }
0x3: {  	s2 =	rddreg [dreg:$0x2]  }
0x4: {  	s4 =	srdreg.scid;
	s1 =	stileid.u32;
	s3 =	simm.s32 $0x0  }
0x5: {  	s28 =	simm.s32 $0x0;
	s5 =	sand.u32 $0x1, s4;
	s13 =	smul.u32 $0x50000, s1  }
0x6: {  	s30 =	sshll.u32 s1, $0x1;
	[smem:$0x7FF] =	sst s3;
	s14 =	smul.u32 $0x280, s1  }
0x7: {  	s16 =	smul.u32 $0x2800, s1;
	s4 =	sor.u32 s5, s30;
	_ =	strace $0x80000050  }
0x8: {  	s9 =	smul.u32 $0x28000, s5;
	s10 =	ssub.s32 $0x2, s5;
	s5 =	sadd.s32 $0xEA00, s6  }
0x9: {  	s8 =	smul.u32 $0x500, s4;
	s4 =	sadd.s32 $0x5FA00, s6;
	s12 =	sshrl.u32 s10, $0x1  }
0xa: {  	s31 =	sshrl.u32 s13, $0x2;
	s15 =	sadd.s32 $0x80, s14;
	s18 =	sadd.s32 $0x100, s14  }
0xb: {  	s29 =	sadd.s32 $0x180, s14;
	s14 =	sadd.s32 $0x200, s14;
	s9 =	sadd.s32 s9, s6  }
0xc: {  	s10 =	ssub.s32 s10, s12;
	s17 =	sshll.u32 s15, $0x7;
	s0 =	sshll.u32 s15, $0x4  }
0xd: {  	s26 =	sshll.u32 s18, $0x7;
	s18 =	sshll.u32 s18, $0x4;
	s19 =	sshll.u32 s29, $0x7  }
0xe: {  	s21 =	sshll.u32 s14, $0x7;
	s30 =	sshll.u32 s29, $0x4;
	s15 =	simm.s32 $0x2800  }
0xf: {  	s11 =	sadd.s32 s8, s6;
	s6 =	sadd.s32 s7, s8;
	s8 =	sadd.s32 s31, s2  }
0x10: {  	s20 =	sadd.s32 $0xAFA00, s9;
	s9 =	smax.u32 s10, $0x1;
	s22 =	sadd.s32 s17, s2  }
0x11: {  	s23 =	sadd.s32 s26, s2;
	s24 =	sadd.s32 s19, s2;
	s25 =	sadd.s32 s21, s2  }
0x12: {  	s31 =	sshll.u32 s14, $0x4;
	s14 =	simm.s32 $0x1;
	s21 =	simm.s32 $0x5000  }
0x13: {  	s26 =	simm.s32 $0x80;
	s7 =	sadd.s32 $0x4A00, s11;
	s10 =	sadd.s32 $0x4000, s8  }
0x14: {  	s11 =	sadd.s32 $0x8000, s8;
	s12 =	sadd.s32 $0xC000, s8;
	s13 =	sadd.s32 $0x10000, s8  }
0x15: {  	s16 =	sadd.s32 s16, s20;
	s17 =	sadd.s32 s0, s20;
	s18 =	sadd.s32 s18, s20  }
0x16: {  	s19 =	sadd.s32 s30, s20;
	s20 =	sadd.s32 s31, s20;
	s22 =	sshrl.u32 s22, $0x3  }
0x17: {  	s23 =	sshrl.u32 s23, $0x3;
	s24 =	sshrl.u32 s24, $0x3;
	s25 =	sshrl.u32 s25, $0x3  }
.LBB2_1:
0x18: {  	[tilespmem:s3], [sflag:$0x1] =	stream.linear.gather [hbm4b:s6+s3], $0x2800, $0x38;
	[tilespmem:$0x1D000] =	vst v63  }
0x19: {  	_ =	swait.ge [sflag:s14], $0x2800  }
0x1a: {  	[sflag:s14] =	ssyncset.done $0x0  }
0x1b: {  	[sflag:s14] =	ssyncadd.s32 $0xFFFFD800  }
0x1c: {  	[tilespmem:s15], [sflag:$0x1] =	stream.linear.gather [hbm4b:s7+s3], $0x2800, $0x38;
	[tilespmem:$0x1D000] =	vst v63  }
0x1d: {  	_ =	swait.ge [sflag:s14], $0x2800  }
0x1e: {  	[sflag:s14] =	ssyncset.done $0x0  }
0x1f: {  	[sflag:s14] =	ssyncadd.s32 $0xFFFFD800  }
0x20: {  	[tilespmem:s21], [sflag:$0x1] =	stream.linear.gather [hbm4b:s5+s3], $0x4000, $0x38;
	[tilespmem:$0x1D000] =	vst v63  }
0x21: {  	_ =	swait.ge [sflag:s14], $0x4000  }
0x22: {  	[sflag:s14] =	ssyncset.done $0x0  }
0x23: {  	[sflag:s14] =	ssyncadd.s32 $0xFFFFC000  }
0x24: {  	[spmem:s8] =	stream.linear.scatter [tilespmem:s21], [sflag:$0x1], $0x4000, $0x38;
	[tilespmem:$0x1D000] =	vst v63  }
0x25: {  	_ =	swait.ge [sflag:s14], $0x4000  }
0x26: {  	[sflag:s14] =	ssyncset.done $0x0  }
0x27: {  	[sflag:s14] =	ssyncadd.s32 $0xFFFFC000  }
0x28: {  	[spmem:s10] =	stream.linear.scatter [tilespmem:s21], [sflag:$0x1], $0x4000, $0x38;
	[tilespmem:$0x1D000] =	vst v63  }
0x29: {  	_ =	swait.ge [sflag:s14], $0x4000  }
0x2a: {  	[sflag:s14] =	ssyncset.done $0x0  }
0x2b: {  	[sflag:s14] =	ssyncadd.s32 $0xFFFFC000  }
0x2c: {  	[spmem:s11] =	stream.linear.scatter [tilespmem:s21], [sflag:$0x1], $0x4000, $0x38;
	[tilespmem:$0x1D000] =	vst v63  }
0x2d: {  	_ =	swait.ge [sflag:s14], $0x4000  }
0x2e: {  	[sflag:s14] =	ssyncset.done $0x0  }
0x2f: {  	[sflag:s14] =	ssyncadd.s32 $0xFFFFC000  }
0x30: {  	[spmem:s12] =	stream.linear.scatter [tilespmem:s21], [sflag:$0x1], $0x4000, $0x38;
	[tilespmem:$0x1D000] =	vst v63  }
0x31: {  	_ =	swait.ge [sflag:s14], $0x4000  }
0x32: {  	[sflag:s14] =	ssyncset.done $0x0  }
0x33: {  	[sflag:s14] =	ssyncadd.s32 $0xFFFFC000  }
0x34: {  	[spmem:s13] =	stream.linear.scatter [tilespmem:s21], [sflag:$0x1], $0x4000, $0x38;
	[tilespmem:$0x1D000] =	vst v63  }
0x35: {  	_ =	swait.ge [sflag:s14], $0x4000  }
0x36: {  	[sflag:s14] =	ssyncset.done $0x0  }
0x37: {  	[sflag:s14] =	ssyncadd.s32 $0xFFFFC000  }
0x38: {  	s29 =	simm.s32 $0x0;
	[bflag:$0x0] =	sbarrier.arrive $0xFFFF  }
0x39: {  	[tilespmem:s21], [sflag:$0x1] =	stream.indirect.gather [hbm4b:s4+s26], $0x80, s29, s26, $0xb8;
	[tilespmem:$0x1D000] =	vst v63  }
0x3a: {  	_ =	swait.ge [sflag:s14], $0x4000  }
0x3b: {  	[sflag:s14] =	ssyncset.done $0x0  }
0x3c: {  	s29 =	simm.s32 $0x2800;
	[sflag:s14] =	ssyncadd.s32 $0xFFFFC000  }
0x3d: {  	[spmem:s2] =	stream.indirect.scatter.add.f32 [tilespmem:s21], [sflag:$0x1], $0x80, s29, s26, $0xb8;
	[tilespmem:$0x1D000] =	vst v63  }
0x3e: {  	_ =	swait.ge [sflag:s14], $0x4000  }
0x3f: {  	s30 =	simm.s32 $0x400;
	s29 =	simm.s32 $0x200;
	[sflag:s14] =	ssyncset.done $0x0  }
.LBB2_2:
0x40: {  	s31 =	sshra.s32 s29, $0x2  }
0x41: {  	[sflag:s14] =	ssyncadd.s32 $0xFFFFC000;
	s29 =	smov.u32 s30;
	s0 =	sadd.s32 $0x200, s30  }
0x42: {  	[tilespmem:s21], [sflag:$0x1] =	stream.indirect.gather [hbm4b:s4+s26], $0x80, s31, s26, $0xb8;
	[tilespmem:$0x1D000] =	vst v63  }
0x43: {  	p0 =	sne.s32 s30, $0x9E00;
	_ =	swait.ge [sflag:s14], $0x4000  }
.Ltmp0:
0x44: {  	[sflag:s14] =	ssyncset.done $0x0;
	(pc) =	sbr.rel @p0 .LBB2_2-.Ltmp0, $4  }
0x45: {  	s30 =	sadd.s32 $0x2800, s31;
	[sflag:s14] =	ssyncadd.s32 $0xFFFFC000  }
0x46: {  	[spmem:s2] =	stream.indirect.scatter.add.f32 [tilespmem:s21], [sflag:$0x1], $0x80, s30, s26, $0xb8;
	[tilespmem:$0x1D000] =	vst v63  }
0x47: {  	_ =	swait.ge [sflag:s14], $0x4000  }
0x48: {  	s30 =	smov.u32 s0;
	[sflag:s14] =	ssyncset.done $0x0  }
0x49: {  	s0 =	sshra.s32 s29, $0x2;
	[sflag:s14] =	ssyncadd.s32 $0xFFFFC000  }
0x4a: {  	[tilespmem:s21], [sflag:$0x1] =	stream.indirect.gather [hbm4b:s4+s26], $0x80, s0, s26, $0xb8;
	[tilespmem:$0x1D000] =	vst v63  }
0x4b: {  	_ =	swait.ge [sflag:s14], $0x4000  }
0x4c: {  	[sflag:s14] =	ssyncset.done $0x0  }
0x4d: {  	s0 =	sadd.s32 $0x2800, s0;
	[sflag:s14] =	ssyncadd.s32 $0xFFFFC000  }
0x4e: {  	[spmem:s2] =	stream.indirect.scatter.add.f32 [tilespmem:s21], [sflag:$0x1], $0x80, s0, s26, $0xb8;
	[tilespmem:$0x1D000] =	vst v63  }
0x4f: {  	_ =	swait.ge [sflag:s14], $0x4000  }
0x50: {  	[sflag:s14] =	ssyncset.done $0x0  }
0x51: {  	s30 =	sshll.u32 s1, $0x6;
	[sflag:s14] =	ssyncadd.s32 $0xFFFFC000  }
0x52: {  	s31 =	sshrl.u32 s8, $0x3;
	s0 =	sor.u32 $0x1C01, s30;
	[bflag:$0x0] =	sbarrier.arrive $0xFFFF  }
0x53: {  	[hbm:s16], [sflag:s0] =	dma.local [spmem:s31], $0x800  }
0x54: {  	_ =	swait.ge [sflag:s14], $0x800  }
0x55: {  	[sflag:s14] =	ssyncset.done $0x0  }
0x56: {  	[sflag:s14] =	ssyncadd.s32 $0xFFFFF800  }
0x57: {  	[hbm:s17], [sflag:s0] =	dma.local [spmem:s22], $0x800  }
0x58: {  	_ =	swait.ge [sflag:s14], $0x800  }
0x59: {  	[sflag:s14] =	ssyncset.done $0x0  }
0x5a: {  	[sflag:s14] =	ssyncadd.s32 $0xFFFFF800  }
0x5b: {  	[hbm:s18], [sflag:s0] =	dma.local [spmem:s23], $0x800  }
0x5c: {  	_ =	swait.ge [sflag:s14], $0x800  }
0x5d: {  	[sflag:s14] =	ssyncset.done $0x0  }
0x5e: {  	[sflag:s14] =	ssyncadd.s32 $0xFFFFF800  }
0x5f: {  	[hbm:s19], [sflag:s0] =	dma.local [spmem:s24], $0x800  }
0x60: {  	s28 =	sadd.s32 $0x1, s28;
	_ =	swait.ge [sflag:s14], $0x800  }
0x61: {  	p0 =	sne.s32 s28, s9;
	[sflag:s14] =	ssyncset.done $0x0  }
.Ltmp1:
0x62: {  	[sflag:s14] =	ssyncadd.s32 $0xFFFFF800;
	(pc) =	sbr.rel @p0 .LBB2_1-.Ltmp1, $4  }
0x63: {  	[hbm:s20], [sflag:s0] =	dma.local [spmem:s25], $0x800  }
0x64: {  	_ =	swait.ge [sflag:s14], $0x800  }
0x65: {  	[sflag:s14] =	ssyncset.done $0x0  }
0x66: {  	[sflag:s14] =	ssyncadd.s32 $0xFFFFF800  }
0x67: {  	_ =	sfence.sel $0x180000  }
0x68: {  	[bflag:$0x0] =	sbarrier.arrive $0xFFFF  }
0x69: {  	_ =	strace $0x90000050  }
0x6a: {  	[bflag:$0x2] =	sbarrier.arrive $0xFFFF  }
0x6b: {  	p0 =	sne.s32 s1, $0x0;
	s0 =	rddreg [dreg:$0x3]  }
0x6c: {  	s0 =	sadd.s32 @!p0 $0x100000, s0  }
0x6d: {  	[sflag:s0] =	ssyncadd.tile.s32 @!p0 $0x1;
	_ =	shalt  }
.Lfunc_end2:
_tile_overlayer_lowered:
.L_overlay_start_2:
0x6e: {  	(tag) =	ssettag $0x2  }
0x6f: {  	s0 =	rddreg [dreg:$0x0];
	s2 =	stileid.u32  }
0x70: {  	s1 =	rddreg [dreg:$0x1];
	p0 =	sne.s32 s2, $0x0  }
0x71: {  	s3 =	rddreg [dreg:$0x2];
	[bflag:$0x3] =	sbarrier.arrive $0xFFFF;
	s2 =	simm.s32 @!p0 $0x1C01  }
0x72: {  	[timem:s3], [sflag:s2] =	dma.local @!p0 [hbm:s0], s1  }
0x73: {  	s0 =	simm.s32 @!p0 $0x1  }
0x74: {  	_ =	swait.ge @!p0 [sflag:s0], s1  }
0x75: {  	s1 =	ssub.s32 @!p0 $0x0, s1;
	[sflag:s0] =	ssyncset.done @!p0 $0x0  }
0x76: {  	[sflag:s0] =	ssyncadd.s32 @!p0 s1  }
0x77: {  	[bflag:$0x3] =	sbarrier.arrive $0xFFFF  }
0x78: {  	_ =	shalt  }

// kernel: kernel.24.cloned.1.call-start
scs
__scs_entry_jumppad:
0x0: {  	(pc) =	sbr.rel $0x88, $3  }
0x1: {  	(tag) =	ssettag $0x0;
	lr =	simm.s32 $0x1  }
0x2: {  	[smem:$0x3F9B] =	sst lr;
	_ =	strace $0xD0000000  }
0x3: {  	_ = 	snop  }
0x4: {  	_ = 	snop  }
0x5: {  	_ = 	snop  }
0x6: {  	_ = 	snop  }
0x7: {  	_ = 	snop  }
__scs_overlays_trampoline_lowered:
0x8: {  	[smem:$0x3FAA] =	sst s0  }
0x9: {  	[smem:$0x3FAB] =	sst s1  }
0xa: {  	[smem:$0x3FAC] =	sst s2  }
0xb: {  	[smem:$0x3FAD] =	sst s3  }
0xc: {  	[smem:$0x3FAE] =	sst s4  }
0xd: {  	[smem:$0x3FAF] =	sst s5  }
0xe: {  	[smem:$0x3FB0] =	sst s6  }
0xf: {  	[smem:$0x3FB1] =	sst s7  }
0x10: {  	[smem:$0x3FB2] =	sst s8  }
0x11: {  	[smem:$0x3FB3] =	sst s9;
	s0 =	simm.s32 @!p0 $0x0  }
0x12: {  	s1 =	sld [smem:$0x3F99];
	s0 =	simm.s32 @p0 $0x1  }
0x13: {  	[smem:$0x3FB4] =	sst s0;
	s0 =	simm.s32 @!p1 $0x0  }
0x14: {  	s2 =	sld [smem:$0x3F98];
	s0 =	simm.s32 @p1 $0x1  }
0x15: {  	[smem:$0x3FB5] =	sst s0;
	s0 =	simm.s32 @!p2 $0x0  }
0x16: {  	s3 =	sld [smem:$0x3FDB];
	s0 =	simm.s32 @p2 $0x1  }
0x17: {  	s4 =	simm.s32 $0x1BF5;
	[smem:$0x3FB7] =	sst s0  }
0x18: {  	s0 =	sld [smem:$0x3F9A];
	_ =	swait.ge [sflag:s4], $0x0  }
0x19: {  	s7 =	sld [smem:$0x3F9B]  }
0x1a: {  	s8 =	sadd.s32 $0xFFFFE003, lr  }
0x1b: {  	s9 =	sadd.s32 $0xFFFFFEF7, lr;
	s5 =	simm.s32 $0xFFFFFFFF;
	p2 =	slt.u32 s8, $0xFFFFF086  }
0x1c: {  	p1 =	slt.u32 s9, $0xF7A;
	s5 =	simm.s32 @!p2 $0x0  }
0x1d: {  	s5 =	simm.s32 @p1 $0x1;
	p0 =	seq.s32 s7, s2  }
0x1e: {  	s7 =	smul.u32 @!p0 $0xF7A, s2;
	p2 =	seq.s32 @!p0 s5, $0x0  }
0x1f: {  	s9 =	smul.u32 $0xF7A, s1;
	s8 =	simm.s32 @!p0 $0x1BF5;
	p2 =	por !p2, p0  }
0x20: {  	[sflag:s8] =	ssyncset.s32 @!p0 $0xFFFFF086;
	s6 =	sadd.s32 @!p0 s3, s7;
	s7 =	simm.s32 @!p0 $0x108  }
0x21: {  	s3 =	sadd.s32 s3, s9;
	s6 =	sadd.s32 @!p0 $0x88, s6;
	s7 =	simm.s32 @p2 $0x1082  }
0x22: {  	[simem:s7], [sflag:s8] =	dma.local @!p0 [hbm:s6], $0xF7A  }
0x23: {  	s9 =	sor.u32 $0xD0000000, s2;
	s6 =	simm.s32 $0x108;
	_ =	swait.ge @!p0 [sflag:s8], $0x0  }
0x24: {  	s3 =	sadd.s32 $0x88, s3;
	s6 =	simm.s32 @!p1 $0x1082;
	[sflag:s4] =	ssyncset.s32 $0xFFFFF086  }
0x25: {  	[simem:s6], [sflag:s4] =	dma.local [hbm:s3], $0xF7A  }
0x26: {  	[smem:$0x3F9B] =	sst s1;
	(tag) =	ssettag s2;
	_ =	strace s9  }
0x27: {  	s1 =	sld [smem:$0x3FAB]  }
0x28: {  	s2 =	sld [smem:$0x3FAC]  }
0x29: {  	s4 =	sld [smem:$0x3FAE]  }
0x2a: {  	p0 =	seq.s32 s5, $0x0;
	s5 =	sld [smem:$0x3FAF]  }
0x2b: {  	s6 =	sld [smem:$0x3FB0]  }
0x2c: {  	s7 =	sld [smem:$0x3FB1]  }
0x2d: {  	s3 =	simm.s32 $0x108;
	s8 =	sld [smem:$0x3FB2]  }
0x2e: {  	s3 =	simm.s32 @!p0 $0x1082;
	s9 =	sld [smem:$0x3FB3]  }
0x2f: {  	lr =	sadd.s32 s0, s3;
	s0 =	sld [smem:$0x3FAA]  }
0x30: {  	s3 =	sld [smem:$0x3FAD]  }
0x31: {  	[smem:$0x3FB6] =	sst s10  }
0x32: {  	s10 =	sld [smem:$0x3FB4];
	_ =	sdelay $0x3  }
0x33: {  	p0 =	seq.s32 s10, $0x1;
	s10 =	sld [smem:$0x3FB6];
	_ =	sdelay $0x3  }
0x34: {  	[smem:$0x3FB6] =	sst s10  }
0x35: {  	s10 =	sld [smem:$0x3FB5];
	_ =	sdelay $0x3  }
0x36: {  	p1 =	seq.s32 s10, $0x1;
	s10 =	sld [smem:$0x3FB6];
	_ =	sdelay $0x3  }
0x37: {  	[smem:$0x3FB6] =	sst s10  }
0x38: {  	s10 =	sld [smem:$0x3FB7]  }
0x39: {  	_ = 	snop;
	(pc) =	sbr.ind lr, $3  }
0x3a: {  	_ = 	snop  }
0x3b: {  	_ = 	snop  }
0x3c: {  	p2 =	seq.s32 s10, $0x1;
	s10 =	sld [smem:$0x3FB6]  }
0x3d: {  	_ =	shalt  }
0x3e: {  	_ =	shalt  }
0x3f: {  	_ =	shalt  }
0x40: {  	_ =	shalt  }
0x41: {  	_ =	shalt  }
0x42: {  	_ =	shalt  }
0x43: {  	_ =	shalt  }
0x44: {  	_ =	shalt  }
0x45: {  	_ =	shalt  }
0x46: {  	_ =	shalt  }
0x47: {  	_ =	shalt  }
0x48: {  	_ =	shalt  }
0x49: {  	_ =	shalt  }
0x4a: {  	_ =	shalt  }
0x4b: {  	_ =	shalt  }
0x4c: {  	_ =	shalt  }
0x4d: {  	_ =	shalt  }
0x4e: {  	_ =	shalt  }
0x4f: {  	_ =	shalt  }
0x50: {  	_ =	shalt  }
0x51: {  	_ =	shalt  }
0x52: {  	_ =	shalt  }
0x53: {  	_ =	shalt  }
0x54: {  	_ =	shalt  }
0x55: {  	_ =	shalt  }
0x56: {  	_ =	shalt  }
0x57: {  	_ =	shalt  }
0x58: {  	_ =	shalt  }
0x59: {  	_ =	shalt  }
0x5a: {  	_ =	shalt  }
0x5b: {  	_ =	shalt  }
0x5c: {  	_ =	shalt  }
0x5d: {  	_ =	shalt  }
0x5e: {  	_ =	shalt  }
0x5f: {  	_ =	shalt  }
0x60: {  	_ =	shalt  }
0x61: {  	_ =	shalt  }
0x62: {  	_ =	shalt  }
0x63: {  	_ =	shalt  }
0x64: {  	_ =	shalt  }
0x65: {  	_ =	shalt  }
0x66: {  	_ =	shalt  }
0x67: {  	_ =	shalt  }
0x68: {  	_ =	shalt  }
0x69: {  	_ =	shalt  }
0x6a: {  	_ =	shalt  }
0x6b: {  	_ =	shalt  }
0x6c: {  	_ =	shalt  }
0x6d: {  	_ =	shalt  }
0x6e: {  	_ =	shalt  }
0x6f: {  	_ =	shalt  }
0x70: {  	_ =	shalt  }
0x71: {  	_ =	shalt  }
0x72: {  	_ =	shalt  }
0x73: {  	_ =	shalt  }
0x74: {  	_ =	shalt  }
0x75: {  	_ =	shalt  }
0x76: {  	_ =	shalt  }
0x77: {  	_ =	shalt  }
0x78: {  	_ =	shalt  }
0x79: {  	_ =	shalt  }
0x7a: {  	_ =	shalt  }
0x7b: {  	_ =	shalt  }
0x7c: {  	_ =	shalt  }
0x7d: {  	_ =	shalt  }
0x7e: {  	_ =	shalt  }
0x7f: {  	_ =	shalt  }
0x80: {  	_ =	shalt  }
0x81: {  	_ =	shalt  }
0x82: {  	_ =	shalt  }
0x83: {  	_ =	shalt  }
0x84: {  	_ =	shalt  }
0x85: {  	_ =	shalt  }
0x86: {  	_ =	shalt  }
0x87: {  	_ =	shalt  }
.Lfunc_end0:
.L_simem_size_0:
called_computation.4_lowered:
.L_overlay_start_0:
0x88: {  	s2 =	sld [smem:$0x3FD9]  }
0x89: {  	s3 =	sld [smem:$0x3FFE];
	_ =	sdelay $0x1  }
0x8a: {  	s1 =	srdreg.scid  }
0x8b: {  	s0 =	sand.u32 $0x1, s1  }
0x8c: {  	s17 =	sshll.u32 s0, $0xA;
	s2 =	sadd.s32 s3, s2  }
0x8d: {  	s2 =	sadd.s32 s2, s17  }
0x8e: {  	[smem:$0x3FC2] =	sst s2  }
0x8f: {  	_ = 	snop  }
0x90: {  	s2 =	sld [smem:$0x3FD0];
	(tm) =	ssettm $0x1  }
0x91: {  	s18 =	sld [smem:$0x3FFB];
	_ =	sdelay $0x3  }
0x92: {  	_ =	strace s18  }
0x93: {  	s3 =	sld [smem:$0x3FFC];
	_ =	sdelay $0x3  }
0x94: {  	_ =	strace s3  }
0x95: {  	s3 =	sld [smem:$0x3FFD];
	_ =	sdelay $0x3  }
0x96: {  	_ =	strace s3  }
0x97: {  	_ =	strace $0x8FFFFFFF  }
0x98: {  	s19 =	sld [smem:$0x3FDB];
	_ =	sdelay $0x1  }
0x99: {  	s4 =	simm.s32 $_scs_section_size  }
0x9a: {  	s5 =	simm.s32 $_size__tile_overlayer_lowered;
	s6 =	simm.s32 $_tile_overlayer_lowered  }
0x9b: {  	s22 =	simm.s32 $0x1BFF;
	s21 =	sshll.u32 s6, $0x1;
	s3 =	sadd.s32 s4, s19  }
0x9c: {  	s7 =	simm.s32 $0x0;
	s20 =	sshll.u32 s5, $0x1;
	s5 =	sadd.s32 s21, s3  }
0x9d: {  	[timem:s7], [sflag:s22] =	dma.local [hbm:s5], s20  }
0x9e: {  	_ =	swait.ge [sflag:s22], s20  }
0x9f: {  	s4 =	ssub.s32 $0x0, s20;
	[sflag:s22] =	ssyncset.done $0x0  }
0xa0: {  	[sflag:s22] =	ssyncadd.s32 s4;
	_ =	sdelay $0x1  }
0xa1: {  	s23 =	simm.s32 $0x1B8B  }
0xa2: {  	_ =	swait.ge [sflag:s23], $0x1  }
0xa3: {  	[sflag:s23] =	ssyncset.done $0x0  }
0xa4: {  	s25 =	simm.s32 $0x1B8E;
	s24 =	sld [smem:$0x3FFE];
	[sflag:s23] =	ssyncadd.s32 $0xFFFFFFFF  }
0xa5: {  	s26 =	simm.s32 $execute0_lowered;
	[smem:$0x3FD2] =	sst s25  }
0xa6: {  	s5 =	sshll.u32 s26, $0x1;
	_ =	strace $0x80000052;
	[dreg:$0x1] =	wrdreg $0xFFFFFFFF  }
0xa7: {  	s28 =	simm.s32 $_size_execute0_lowered;
	s3 =	sadd.s32 s3, s5;
	[dreg:$0x0] =	wrdreg $0x0  }
0xa8: {  	s5 =	sshll.u32 s28, $0x1;
	[dreg:$0x2] =	wrdreg s3  }
0xa9: {  	[dreg:$0x3] =	wrdreg s5  }
0xaa: {  	[dreg:$0x4] =	wrdreg $0xC0  }
0xab: {  	_ =	task [dreg:s7], $0x5FFFF  }
0xac: {  	[dreg:$0x1] =	wrdreg $0xFFFFFFFF  }
0xad: {  	[dreg:$0x0] =	wrdreg $0x60  }
0xae: {  	[dreg:$0x2] =	wrdreg s24  }
0xaf: {  	[dreg:$0x3] =	wrdreg s2  }
0xb0: {  	[dreg:$0x4] =	wrdreg $0x90000  }
0xb1: {  	[dreg:$0x5] =	wrdreg $0x9  }
0xb2: {  	_ =	task.clear_ibuf [dreg:s7], $0x6FFFF;
	_ =	strace $0x90000052  }
0xb3: {  	s29 =	simm.s32 $0x9;
	_ =	strace $0x80000054  }
0xb4: {  	_ =	swait.ge [sflag:s29], $0x1  }
0xb5: {  	[sflag:s29] =	ssyncadd.s32 $0xFFFFFFFF  }
0xb6: {  	_ =	strace $0x90000054  }
0xb7: {  	_ =	sfence  }
0xb8: {  	s30 =	sld [smem:$0x0];
	_ =	sdelay $0x2  }
0xb9: {  	s31 =	sshll.u32 s1, $0xD;
	s1 =	sshrl.u32 s1, $0x2  }
0xba: {  	s3 =	sand.u32 $0x4000, s31;
	s1 =	sadd.s32 s1, s30  }
0xbb: {  	s0 =	sor.u32 s3, s0;
	s1 =	sshll.u32 s1, $0x11  }
0xbc: {  	s0 =	sor.u32 s1, s0  }
0xbd: {  	s0 =	sadd.s32 $0x8F2B, s0  }
0xbe: {  	[sflag:s0] =	ssyncadd.remote.s32 $0x1  }
0xbf: {  	_ =	sfence.sel $0xFFFF  }
0xc0: {  	[dreg:$0x0] =	wrdreg $0xFFFFFFFF;
	(pc) =	sbr.abs _section_cstart, $3  }
0xc1: {  	[dreg:$0x1] =	wrdreg $0xFFFFFFFF  }
0xc2: {  	_ =	task.clear_ibuf [dreg:s7], $0x2FFFF;
	_ =	strace $0x9FFFFFFF  }
0xc3: {  	(tm) =	ssettm $0x7FFFFFFF  }
tec
execute0_lowered:
.L_overlay_start_1:
0x0: {  	(tag) =	ssettag $0x1  }
0x1: {  	s6 =	rddreg [dreg:$0x0]  }
0x2: {  	s7 =	rddreg [dreg:$0x1]  }
0x3: {  	s2 =	rddreg [dreg:$0x2]  }
0x4: {  	s4 =	srdreg.scid;
	s1 =	stileid.u32;
	s3 =	simm.s32 $0x0  }
0x5: {  	s28 =	simm.s32 $0x0;
	s5 =	sand.u32 $0x1, s4;
	s13 =	smul.u32 $0x50000, s1  }
0x6: {  	s30 =	sshll.u32 s1, $0x1;
	[smem:$0x7FF] =	sst s3;
	s14 =	smul.u32 $0x280, s1  }
0x7: {  	s16 =	smul.u32 $0x2800, s1;
	s4 =	sor.u32 s5, s30;
	_ =	strace $0x80000053  }
0x8: {  	s9 =	smul.u32 $0x28000, s5;
	s10 =	ssub.s32 $0x2, s5;
	s5 =	sadd.s32 $0xEA00, s6  }
0x9: {  	s8 =	smul.u32 $0x500, s4;
	s4 =	sadd.s32 $0x5FA00, s6;
	s12 =	sshrl.u32 s10, $0x1  }
0xa: {  	s31 =	sshrl.u32 s13, $0x2;
	s15 =	sadd.s32 $0x80, s14;
	s18 =	sadd.s32 $0x100, s14  }
0xb: {  	s29 =	sadd.s32 $0x180, s14;
	s14 =	sadd.s32 $0x200, s14;
	s9 =	sadd.s32 s9, s6  }
0xc: {  	s10 =	ssub.s32 s10, s12;
	s17 =	sshll.u32 s15, $0x7;
	s0 =	sshll.u32 s15, $0x4  }
0xd: {  	s26 =	sshll.u32 s18, $0x7;
	s18 =	sshll.u32 s18, $0x4;
	s19 =	sshll.u32 s29, $0x7  }
0xe: {  	s21 =	sshll.u32 s14, $0x7;
	s30 =	sshll.u32 s29, $0x4;
	s15 =	simm.s32 $0x2800  }
0xf: {  	s11 =	sadd.s32 s8, s6;
	s6 =	sadd.s32 s7, s8;
	s8 =	sadd.s32 s31, s2  }
0x10: {  	s20 =	sadd.s32 $0xAFA00, s9;
	s9 =	smax.u32 s10, $0x1;
	s22 =	sadd.s32 s17, s2  }
0x11: {  	s23 =	sadd.s32 s26, s2;
	s24 =	sadd.s32 s19, s2;
	s25 =	sadd.s32 s21, s2  }
0x12: {  	s31 =	sshll.u32 s14, $0x4;
	s14 =	simm.s32 $0x1;
	s21 =	simm.s32 $0x5000  }
0x13: {  	s26 =	simm.s32 $0x80;
	s7 =	sadd.s32 $0x4A00, s11;
	s10 =	sadd.s32 $0x4000, s8  }
0x14: {  	s11 =	sadd.s32 $0x8000, s8;
	s12 =	sadd.s32 $0xC000, s8;
	s13 =	sadd.s32 $0x10000, s8  }
0x15: {  	s16 =	sadd.s32 s16, s20;
	s17 =	sadd.s32 s0, s20;
	s18 =	sadd.s32 s18, s20  }
0x16: {  	s19 =	sadd.s32 s30, s20;
	s20 =	sadd.s32 s31, s20;
	s22 =	sshrl.u32 s22, $0x3  }
0x17: {  	s23 =	sshrl.u32 s23, $0x3;
	s24 =	sshrl.u32 s24, $0x3;
	s25 =	sshrl.u32 s25, $0x3  }
.LBB2_1:
0x18: {  	[tilespmem:s3], [sflag:$0x1] =	stream.linear.gather [hbm4b:s6+s3], $0x2800, $0x38;
	[tilespmem:$0x1D000] =	vst v63  }
0x19: {  	_ =	swait.ge [sflag:s14], $0x2800  }
0x1a: {  	[sflag:s14] =	ssyncset.done $0x0  }
0x1b: {  	[sflag:s14] =	ssyncadd.s32 $0xFFFFD800  }
0x1c: {  	[tilespmem:s15], [sflag:$0x1] =	stream.linear.gather [hbm4b:s7+s3], $0x2800, $0x38;
	[tilespmem:$0x1D000] =	vst v63  }
0x1d: {  	_ =	swait.ge [sflag:s14], $0x2800  }
0x1e: {  	[sflag:s14] =	ssyncset.done $0x0  }
0x1f: {  	[sflag:s14] =	ssyncadd.s32 $0xFFFFD800  }
0x20: {  	[tilespmem:s21], [sflag:$0x1] =	stream.linear.gather [hbm4b:s5+s3], $0x4000, $0x38;
	[tilespmem:$0x1D000] =	vst v63  }
0x21: {  	_ =	swait.ge [sflag:s14], $0x4000  }
0x22: {  	[sflag:s14] =	ssyncset.done $0x0  }
0x23: {  	[sflag:s14] =	ssyncadd.s32 $0xFFFFC000  }
0x24: {  	[spmem:s8] =	stream.linear.scatter [tilespmem:s21], [sflag:$0x1], $0x4000, $0x38;
	[tilespmem:$0x1D000] =	vst v63  }
0x25: {  	_ =	swait.ge [sflag:s14], $0x4000  }
0x26: {  	[sflag:s14] =	ssyncset.done $0x0  }
0x27: {  	[sflag:s14] =	ssyncadd.s32 $0xFFFFC000  }
0x28: {  	[spmem:s10] =	stream.linear.scatter [tilespmem:s21], [sflag:$0x1], $0x4000, $0x38;
	[tilespmem:$0x1D000] =	vst v63  }
0x29: {  	_ =	swait.ge [sflag:s14], $0x4000  }
0x2a: {  	[sflag:s14] =	ssyncset.done $0x0  }
0x2b: {  	[sflag:s14] =	ssyncadd.s32 $0xFFFFC000  }
0x2c: {  	[spmem:s11] =	stream.linear.scatter [tilespmem:s21], [sflag:$0x1], $0x4000, $0x38;
	[tilespmem:$0x1D000] =	vst v63  }
0x2d: {  	_ =	swait.ge [sflag:s14], $0x4000  }
0x2e: {  	[sflag:s14] =	ssyncset.done $0x0  }
0x2f: {  	[sflag:s14] =	ssyncadd.s32 $0xFFFFC000  }
0x30: {  	[spmem:s12] =	stream.linear.scatter [tilespmem:s21], [sflag:$0x1], $0x4000, $0x38;
	[tilespmem:$0x1D000] =	vst v63  }
0x31: {  	_ =	swait.ge [sflag:s14], $0x4000  }
0x32: {  	[sflag:s14] =	ssyncset.done $0x0  }
0x33: {  	[sflag:s14] =	ssyncadd.s32 $0xFFFFC000  }
0x34: {  	[spmem:s13] =	stream.linear.scatter [tilespmem:s21], [sflag:$0x1], $0x4000, $0x38;
	[tilespmem:$0x1D000] =	vst v63  }
0x35: {  	_ =	swait.ge [sflag:s14], $0x4000  }
0x36: {  	[sflag:s14] =	ssyncset.done $0x0  }
0x37: {  	[sflag:s14] =	ssyncadd.s32 $0xFFFFC000  }
0x38: {  	s29 =	simm.s32 $0x0;
	[bflag:$0x0] =	sbarrier.arrive $0xFFFF  }
0x39: {  	[tilespmem:s21], [sflag:$0x1] =	stream.indirect.gather [hbm4b:s4+s26], $0x80, s29, s26, $0xb8;
	[tilespmem:$0x1D000] =	vst v63  }
0x3a: {  	_ =	swait.ge [sflag:s14], $0x4000  }
0x3b: {  	[sflag:s14] =	ssyncset.done $0x0  }
0x3c: {  	s29 =	simm.s32 $0x2800;
	[sflag:s14] =	ssyncadd.s32 $0xFFFFC000  }
0x3d: {  	[spmem:s2] =	stream.indirect.scatter.add.f32 [tilespmem:s21], [sflag:$0x1], $0x80, s29, s26, $0xb8;
	[tilespmem:$0x1D000] =	vst v63  }
0x3e: {  	_ =	swait.ge [sflag:s14], $0x4000  }
0x3f: {  	s30 =	simm.s32 $0x400;
	s29 =	simm.s32 $0x200;
	[sflag:s14] =	ssyncset.done $0x0  }
.LBB2_2:
0x40: {  	s31 =	sshra.s32 s29, $0x2  }
0x41: {  	[sflag:s14] =	ssyncadd.s32 $0xFFFFC000;
	s29 =	smov.u32 s30;
	s0 =	sadd.s32 $0x200, s30  }
0x42: {  	[tilespmem:s21], [sflag:$0x1] =	stream.indirect.gather [hbm4b:s4+s26], $0x80, s31, s26, $0xb8;
	[tilespmem:$0x1D000] =	vst v63  }
0x43: {  	p0 =	sne.s32 s30, $0x9E00;
	_ =	swait.ge [sflag:s14], $0x4000  }
.Ltmp0:
0x44: {  	[sflag:s14] =	ssyncset.done $0x0;
	(pc) =	sbr.rel @p0 .LBB2_2-.Ltmp0, $4  }
0x45: {  	s30 =	sadd.s32 $0x2800, s31;
	[sflag:s14] =	ssyncadd.s32 $0xFFFFC000  }
0x46: {  	[spmem:s2] =	stream.indirect.scatter.add.f32 [tilespmem:s21], [sflag:$0x1], $0x80, s30, s26, $0xb8;
	[tilespmem:$0x1D000] =	vst v63  }
0x47: {  	_ =	swait.ge [sflag:s14], $0x4000  }
0x48: {  	s30 =	smov.u32 s0;
	[sflag:s14] =	ssyncset.done $0x0  }
0x49: {  	s0 =	sshra.s32 s29, $0x2;
	[sflag:s14] =	ssyncadd.s32 $0xFFFFC000  }
0x4a: {  	[tilespmem:s21], [sflag:$0x1] =	stream.indirect.gather [hbm4b:s4+s26], $0x80, s0, s26, $0xb8;
	[tilespmem:$0x1D000] =	vst v63  }
0x4b: {  	_ =	swait.ge [sflag:s14], $0x4000  }
0x4c: {  	[sflag:s14] =	ssyncset.done $0x0  }
0x4d: {  	s0 =	sadd.s32 $0x2800, s0;
	[sflag:s14] =	ssyncadd.s32 $0xFFFFC000  }
0x4e: {  	[spmem:s2] =	stream.indirect.scatter.add.f32 [tilespmem:s21], [sflag:$0x1], $0x80, s0, s26, $0xb8;
	[tilespmem:$0x1D000] =	vst v63  }
0x4f: {  	_ =	swait.ge [sflag:s14], $0x4000  }
0x50: {  	[sflag:s14] =	ssyncset.done $0x0  }
0x51: {  	s30 =	sshll.u32 s1, $0x6;
	[sflag:s14] =	ssyncadd.s32 $0xFFFFC000  }
0x52: {  	s31 =	sshrl.u32 s8, $0x3;
	s0 =	sor.u32 $0x1C01, s30;
	[bflag:$0x0] =	sbarrier.arrive $0xFFFF  }
0x53: {  	[hbm:s16], [sflag:s0] =	dma.local [spmem:s31], $0x800  }
0x54: {  	_ =	swait.ge [sflag:s14], $0x800  }
0x55: {  	[sflag:s14] =	ssyncset.done $0x0  }
0x56: {  	[sflag:s14] =	ssyncadd.s32 $0xFFFFF800  }
0x57: {  	[hbm:s17], [sflag:s0] =	dma.local [spmem:s22], $0x800  }
0x58: {  	_ =	swait.ge [sflag:s14], $0x800  }
0x59: {  	[sflag:s14] =	ssyncset.done $0x0  }
0x5a: {  	[sflag:s14] =	ssyncadd.s32 $0xFFFFF800  }
0x5b: {  	[hbm:s18], [sflag:s0] =	dma.local [spmem:s23], $0x800  }
0x5c: {  	_ =	swait.ge [sflag:s14], $0x800  }
0x5d: {  	[sflag:s14] =	ssyncset.done $0x0  }
0x5e: {  	[sflag:s14] =	ssyncadd.s32 $0xFFFFF800  }
0x5f: {  	[hbm:s19], [sflag:s0] =	dma.local [spmem:s24], $0x800  }
0x60: {  	s28 =	sadd.s32 $0x1, s28;
	_ =	swait.ge [sflag:s14], $0x800  }
0x61: {  	p0 =	sne.s32 s28, s9;
	[sflag:s14] =	ssyncset.done $0x0  }
.Ltmp1:
0x62: {  	[sflag:s14] =	ssyncadd.s32 $0xFFFFF800;
	(pc) =	sbr.rel @p0 .LBB2_1-.Ltmp1, $4  }
0x63: {  	[hbm:s20], [sflag:s0] =	dma.local [spmem:s25], $0x800  }
0x64: {  	_ =	swait.ge [sflag:s14], $0x800  }
0x65: {  	[sflag:s14] =	ssyncset.done $0x0  }
0x66: {  	[sflag:s14] =	ssyncadd.s32 $0xFFFFF800  }
0x67: {  	_ =	sfence.sel $0x180000  }
0x68: {  	[bflag:$0x0] =	sbarrier.arrive $0xFFFF  }
0x69: {  	_ =	strace $0x90000053  }
0x6a: {  	[bflag:$0x2] =	sbarrier.arrive $0xFFFF  }
0x6b: {  	p0 =	sne.s32 s1, $0x0;
	s0 =	rddreg [dreg:$0x3]  }
0x6c: {  	s0 =	sadd.s32 @!p0 $0x100000, s0  }
0x6d: {  	[sflag:s0] =	ssyncadd.tile.s32 @!p0 $0x1;
	_ =	shalt  }
.Lfunc_end2:
_tile_overlayer_lowered:
.L_overlay_start_2:
0x6e: {  	(tag) =	ssettag $0x2  }
0x6f: {  	s0 =	rddreg [dreg:$0x0];
	s2 =	stileid.u32  }
0x70: {  	s1 =	rddreg [dreg:$0x1];
	p0 =	sne.s32 s2, $0x0  }
0x71: {  	s3 =	rddreg [dreg:$0x2];
	[bflag:$0x3] =	sbarrier.arrive $0xFFFF;
	s2 =	simm.s32 @!p0 $0x1C01  }
0x72: {  	[timem:s3], [sflag:s2] =	dma.local @!p0 [hbm:s0], s1  }
0x73: {  	s0 =	simm.s32 @!p0 $0x1  }
0x74: {  	_ =	swait.ge @!p0 [sflag:s0], s1  }
0x75: {  	s1 =	ssub.s32 @!p0 $0x0, s1;
	[sflag:s0] =	ssyncset.done @!p0 $0x0  }
0x76: {  	[sflag:s0] =	ssyncadd.s32 @!p0 s1  }
0x77: {  	[bflag:$0x3] =	sbarrier.arrive $0xFFFF  }
0x78: {  	_ =	shalt  }

</sc_bundles>
